<compile_context>
chip_gen: v7x
topology: tpu7x:2x2x1
jax: 0.10.2.dev20260603
libtpu: 0.0.44.dev20260713+nightly
codegen_flags: <defaults>
</compile_context>

<pallas_src>
import functools

import jax
import jax.numpy as jnp
from jax import lax
from jax.experimental import pallas as pl
from jax.experimental.pallas import tpu as pltpu
from jax.experimental.pallas import tpu_sc as plsc

N_NODES = 10000
N_EDGES = 160000
D_IN = 256
D_OUT = 256
HALF = 128

NC = 2
NS = 16
CHUNK = 128
IDXBLK = 16
NBLK = 5
NCHUNK = NBLK * IDXBLK
EPT_PAD = NCHUNK * CHUNK
NPAD = 10240
ROWS_PER_TILE = NPAD // NS
ZROWS = 128
TRASH = N_NODES


def _sc_segment_sum(feat_flat, src4, dst4):
    mesh = plsc.VectorSubcoreMesh(
        core_axis_name="c", subcore_axis_name="s", num_cores=NC, num_subcores=NS
    )

    @functools.partial(
        pl.kernel,
        out_type=(
            jax.ShapeDtypeStruct((NC * NPAD, HALF), jnp.float32),
            jax.ShapeDtypeStruct((NC * NPAD, HALF), jnp.float32),
        ),
        mesh=mesh,
        scratch_types=[
            pltpu.VMEM((IDXBLK, CHUNK), jnp.int32),
            pltpu.VMEM((IDXBLK, CHUNK), jnp.int32),
            pltpu.VMEM((CHUNK, HALF), jnp.float32),
            pltpu.VMEM((CHUNK, HALF), jnp.float32),
            pltpu.VMEM_SHARED((NPAD, HALF), jnp.float32),
            pltpu.SemaphoreType.DMA,
            pltpu.SemaphoreType.DMA,
            pltpu.SemaphoreType.DMA,
            pltpu.SemaphoreType.DMA,
        ],
    )
    def k(feat_hbm, src_hbm, dst_hbm, ns_out, cnt_out, src_v, dst_v,
          gbuf, gbuf2, acc, gsem0, gsem1, ssem0, ssem1):
        c = lax.axis_index("c")
        s = lax.axis_index("s")
        tile_rows = s * ROWS_PER_TILE
        out_base = c * NPAD + tile_rows

        zero16 = jnp.zeros((16,), jnp.float32)
        one16 = jnp.ones((16,), jnp.float32)

        def fill(val16):
            def go(i, _):
                for g in range(HALF // 16):
                    gbuf[i, pl.ds(g * 16, 16)] = val16
                return 0
            lax.fori_loop(0, ZROWS, go, 0)

        def zero_acc():
            for b in range(ROWS_PER_TILE // ZROWS):
                rows = pl.ds(tile_rows + b * ZROWS, ZROWS)
                pltpu.sync_copy(gbuf, acc.at[rows])

        def write_out(out_ref):
            for b in range(ROWS_PER_TILE // ZROWS):
                rows = pl.ds(tile_rows + b * ZROWS, ZROWS)
                orows = pl.ds(out_base + b * ZROWS, ZROWS)
                pltpu.sync_copy(acc.at[rows], out_ref.at[orows])

        with jax.named_scope("p1_zero"):
            fill(zero16)
            zero_acc()
            plsc.subcore_barrier()

        src_off = (c * N_NODES).astype(jnp.int32)

        gbufs = (gbuf, gbuf2)
        gsems = (gsem0, gsem1)
        ssems = (ssem0, ssem1)

        def block1(blk, _):
            pltpu.sync_copy(src_hbm.at[s, blk], src_v)
            pltpu.sync_copy(dst_hbm.at[s, blk], dst_v)

            def adj(i, _):
                for g in range(CHUNK // 16):
                    sl = pl.ds(g * 16, 16)
                    src_v[i, sl] = src_v[i, sl] + src_off
                return 0

            lax.fori_loop(0, IDXBLK, adj, 0)

            gdesc = [None] * IDXBLK
            sdesc = [None] * IDXBLK
            gdesc[0] = pltpu.async_copy(
                feat_hbm.at[src_v.at[0]], gbufs[0], gsems[0])
            for j in range(IDXBLK):
                b = j % 2
                if j >= 1:
                    sdesc[j - 1].wait()
                if j < IDXBLK - 1:
                    gdesc[j + 1] = pltpu.async_copy(
                        feat_hbm.at[src_v.at[j + 1]], gbufs[1 - b],
                        gsems[1 - b])
                gdesc[j].wait()
                sdesc[j] = pltpu.async_copy(
                    gbufs[b], acc.at[dst_v.at[j]], ssems[b], add=True)
            sdesc[IDXBLK - 1].wait()
            return 0

        with jax.named_scope("p1_main"):
            lax.fori_loop(0, NBLK, block1, 0)
            plsc.subcore_barrier()
        with jax.named_scope("p1_out"):
            write_out(ns_out)

        with jax.named_scope("p2_zero"):
            fill(zero16)
            zero_acc()
            fill(one16)
            plsc.subcore_barrier()

        def block2(blk, _):
            pltpu.sync_copy(dst_hbm.at[s, blk], dst_v)
            for par in range(NC):
                @pl.when(c == par)
                def _():
                    descs = [
                        pltpu.async_copy(gbuf, acc.at[dst_v.at[j]], ssem0,
                                         add=True)
                        for j in range(par, IDXBLK, NC)
                    ]
                    for d in descs:
                        d.wait()
            return 0

        with jax.named_scope("p2_main"):
            lax.fori_loop(0, NBLK, block2, 0)
            plsc.subcore_barrier()
        with jax.named_scope("p2_out"):
            write_out(cnt_out)

    return k(feat_flat, src4, dst4)


def _tc_finish(features, ns, cnt, W_enc, b_enc2, W_tr):
    BN = 400
    grid = (N_NODES // BN,)

    def body(x_ref, ns_ref, cnt_ref, wenc_ref, benc_ref, wtr_ref, out_ref,
             bw_scr, bb_scr):
        i = pl.program_id(0)

        @pl.when(i == 0)
        def _():
            wt_bot = wtr_ref[D_IN:, :]
            bw_scr[...] = jnp.dot(
                wenc_ref[...], wt_bot, preferred_element_type=jnp.float32
            )
            bb_scr[...] = jnp.dot(
                benc_ref[...], wt_bot, preferred_element_type=jnp.float32
            )

        x = x_ref[...]
        nsum = jnp.concatenate([ns_ref[0], ns_ref[1]], axis=1)
        cnt = cnt_ref[0, :, 0:1] + cnt_ref[1, :, 0:1]
        pooled = nsum / jnp.maximum(cnt, 1.0)
        acc = jnp.dot(x, wtr_ref[:D_IN, :], preferred_element_type=jnp.float32)
        acc = acc + jnp.dot(pooled, bw_scr[...],
                            preferred_element_type=jnp.float32)
        out_ref[...] = jnp.maximum(acc + bb_scr[...], 0.0)

    return pl.pallas_call(
        body,
        grid=grid,
        in_specs=[
            pl.BlockSpec((BN, D_IN), lambda i: (i, 0)),
            pl.BlockSpec((NC, BN, HALF), lambda i: (0, i, 0)),
            pl.BlockSpec((NC, BN, HALF), lambda i: (0, i, 0)),
            pl.BlockSpec((D_IN, D_OUT), lambda i: (0, 0)),
            pl.BlockSpec((1, D_OUT), lambda i: (0, 0)),
            pl.BlockSpec((D_IN + D_OUT, D_OUT), lambda i: (0, 0)),
        ],
        out_specs=pl.BlockSpec((BN, D_OUT), lambda i: (i, 0)),
        out_shape=jax.ShapeDtypeStruct((N_NODES, D_OUT), jnp.float32),
        scratch_shapes=[
            pltpu.VMEM((D_OUT, D_OUT), jnp.float32),
            pltpu.VMEM((1, D_OUT), jnp.float32),
        ],
    )(features, ns, cnt, W_enc, b_enc2, W_tr)


@jax.jit
def kernel(features, edge_index, W_enc, b_enc, W_tr):
    dst = edge_index[0].astype(jnp.int32)
    src = edge_index[1].astype(jnp.int32)

    pad = NS * EPT_PAD - N_EDGES
    src4 = jnp.concatenate(
        [src, jnp.zeros((pad,), jnp.int32)]).reshape(NS, NBLK, IDXBLK, CHUNK)
    dst4 = jnp.concatenate(
        [dst, jnp.full((pad,), TRASH, jnp.int32)]).reshape(NS, NBLK, IDXBLK, CHUNK)

    feat_flat = features.reshape(N_NODES, NC, HALF).transpose(1, 0, 2).reshape(
        NC * N_NODES, HALF)

    ns, cnt = _sc_segment_sum(feat_flat, src4, dst4)

    return _tc_finish(features, ns.reshape(NC, NPAD, HALF),
                      cnt.reshape(NC, NPAD, HALF),
                      W_enc, b_enc.reshape(1, D_OUT), W_tr)

# --- scband reference (transcript-rebuilt; emitter-appended) ---
"""Pipeline reference for scband-sageconv-37039797961387 (READ-ONLY COPY).

The authoritative reference and input builder live on the scoring server;
editing this copy changes nothing except your own understanding.
"""

import jax, jax.numpy as jnp
import numpy as np

N_NODES = 10000
N_EDGES = 160000
D_IN = 256
D_OUT = 256

def setup_inputs(seed: int = 0) -> dict:
    key = jax.random.key(seed)
    k1, k2, k3, k4, k5, k6 = jax.random.split(key, 6)
    features = jax.random.normal(k1, (N_NODES, D_IN), dtype=jnp.float32)
    # adjacency stored as COO edge list (row=dst, col=src), equivalent to sparse adj_matrix
    edge_index = jax.random.randint(k2, (2, N_EDGES), 0, N_NODES, dtype=jnp.int64)
    # encode: Linear(in_channels, out_channels) with bias
    W_enc = jax.random.normal(k3, (D_IN, D_OUT), dtype=jnp.float32) * (1.0 / np.sqrt(D_IN))
    b_enc = jax.random.normal(k4, (D_OUT,), dtype=jnp.float32) * 0.01
    # transform: Linear(in_channels + out_channels, out_channels, bias=False)
    W_tr = jax.random.normal(k5, (D_IN + D_OUT, D_OUT), dtype=jnp.float32) * (1.0 / np.sqrt(D_IN + D_OUT))
    return {"features": features, "edge_index": edge_index, "W_enc": W_enc, "b_enc": b_enc, "W_tr": W_tr}

def reference(features, edge_index, W_enc, b_enc, W_tr):
    dst = edge_index[0]
    src = edge_index[1]
    # torch.sparse.mm(adj, features): sum of neighbor features per dst row
    gathered = jnp.take(features, src, axis=0)
    neighbor_features = jax.ops.segment_sum(gathered, dst, num_segments=N_NODES)
    # torch.sparse.sum(adj, dim=1): per-row neighbor counts
    counts = jax.ops.segment_sum(jnp.ones((N_EDGES,), dtype=jnp.float32), dst, num_segments=N_NODES)[:, None]
    # guard against zero-degree nodes (torch would produce nan/inf)
    pooled_features = neighbor_features / jnp.maximum(counts, 1.0)
    aggregated_features = pooled_features @ W_enc + b_enc
    updated_features = jax.nn.relu(jnp.concatenate([features, aggregated_features], axis=1) @ W_tr)
    return updated_features

if __name__ == "__main__":
    import jax
    _d = setup_inputs()
    print(jax.jit(kernel)(*tuple(_d.values())))

</pallas_src>

<mosaic_0001>
#map = affine_map<(d0, d1) -> (0, 0)>
#map1 = affine_map<(d0, d1) -> (0, 0, 0, 0)>
module attributes {stable_mosaic.version = 14 : i64} {
  func.func @k(%arg0: i32, %arg1: i32, %arg2: memref<20000x128xf32, #tpu.memory_space<hbm>>, %arg3: memref<16x5x16x128xi32, #tpu.memory_space<hbm>>, %arg4: memref<16x5x16x128xi32, #tpu.memory_space<hbm>>, %arg5: memref<20480x128xf32, #tpu.memory_space<hbm>>, %arg6: memref<20480x128xf32, #tpu.memory_space<hbm>>, %arg7: memref<16x128xi32, #tpu.memory_space<vmem>>, %arg8: memref<16x128xi32, #tpu.memory_space<vmem>>, %arg9: memref<128x128xf32, #tpu.memory_space<vmem>>, %arg10: memref<128x128xf32, #tpu.memory_space<vmem>>, %arg11: memref<10240x128xf32, #tpu.memory_space<vmem_shared>>, %arg12: memref<!tpu.dma_semaphore, #tpu.memory_space<semaphore_mem>>, %arg13: memref<!tpu.dma_semaphore, #tpu.memory_space<semaphore_mem>>, %arg14: memref<!tpu.dma_semaphore, #tpu.memory_space<semaphore_mem>>, %arg15: memref<!tpu.dma_semaphore, #tpu.memory_space<semaphore_mem>>) attributes {dimension_semantics = [#tpu.dimension_semantics<core_parallel>, #tpu.dimension_semantics<subcore_parallel>], iteration_bounds = array<i64: 2, 16>, scalar_prefetch = 0 : i64, scratch_operands = 9 : i64, tpu.core_type = #tpu.core_type<sc_vector_subcore>, window_params = [{transform_indices = #map}, {transform_indices = #map1}, {transform_indices = #map1}, {transform_indices = #map}, {transform_indices = #map}]} {
    %mul3A = arith.constant 640 : i32
    %mul3A_0 = arith.muli %arg1, %mul3A : i32
    %mul3A_1 = arith.constant 10240 : i32
    %mul3A_2 = arith.muli %arg0, %mul3A_1 : i32
    %add3A = arith.addi %mul3A_2, %mul3A_0 : i32
    %broadcast_in_dim3A = arith.constant 0.000000e+00 : f32
    %broadcast_in_dim3A_3 = vector.broadcast %broadcast_in_dim3A : f32 to vector<16xf32>
    %broadcast_in_dim3A_4 = arith.constant 1.000000e+00 : f32
    %broadcast_in_dim3A_5 = vector.broadcast %broadcast_in_dim3A_4 : f32 to vector<16xf32>
    "tpu.trace_start"() <{level = 10 : i32, message = "p1_zero"}> : () -> ()
    %scan3A = arith.constant 0 : i32
    %scan3A_6 = arith.constant 0 : i32
    %scan3A_7 = arith.constant 128 : i32
    %scan3A_8 = arith.addi %scan3A_6, %scan3A_7 : i32
    %scan3A_9 = arith.constant 1 : i32
    %scan3A_10 = scf.for %scan3A_105 = %scan3A_6 to %scan3A_8 step %scan3A_9 iter_args(%scan3A_106 = %scan3A) -> (i32)  : i32 {
      %swap3A = arith.index_cast %scan3A_105 : i32 to index
      %swap3A_107 = arith.constant 0 : index
      %swap3A_108 = tpu.vector_load %arg9[%swap3A, %swap3A_107] {strides = array<i32>} : memref<128x128xf32, #tpu.memory_space<vmem>>, vector<1x16xf32>,
      %swap3A_109 = vector.shape_cast %swap3A_108 : vector<1x16xf32> to vector<16xf32>
      %swap3A_110 = vector.shape_cast %broadcast_in_dim3A_3 : vector<16xf32> to vector<1x16xf32>
      tpu.vector_store %arg9[%swap3A, %swap3A_107], %swap3A_110 {strides = array<i32>} : memref<128x128xf32, #tpu.memory_space<vmem>>, vector<1x16xf32>,
      %swap3A_111 = arith.index_cast %scan3A_105 : i32 to index
      %swap3A_112 = arith.constant 16 : index
      %swap3A_113 = tpu.vector_load %arg9[%swap3A_111, %swap3A_112] {strides = array<i32>} : memref<128x128xf32, #tpu.memory_space<vmem>>, vector<1x16xf32>,
      %swap3A_114 = vector.shape_cast %swap3A_113 : vector<1x16xf32> to vector<16xf32>
      %swap3A_115 = vector.shape_cast %broadcast_in_dim3A_3 : vector<16xf32> to vector<1x16xf32>
      tpu.vector_store %arg9[%swap3A_111, %swap3A_112], %swap3A_115 {strides = array<i32>} : memref<128x128xf32, #tpu.memory_space<vmem>>, vector<1x16xf32>,
      %swap3A_116 = arith.index_cast %scan3A_105 : i32 to index
      %swap3A_117 = arith.constant 32 : index
      %swap3A_118 = tpu.vector_load %arg9[%swap3A_116, %swap3A_117] {strides = array<i32>} : memref<128x128xf32, #tpu.memory_space<vmem>>, vector<1x16xf32>,
      %swap3A_119 = vector.shape_cast %swap3A_118 : vector<1x16xf32> to vector<16xf32>
      %swap3A_120 = vector.shape_cast %broadcast_in_dim3A_3 : vector<16xf32> to vector<1x16xf32>
      tpu.vector_store %arg9[%swap3A_116, %swap3A_117], %swap3A_120 {strides = array<i32>} : memref<128x128xf32, #tpu.memory_space<vmem>>, vector<1x16xf32>,
      %swap3A_121 = arith.index_cast %scan3A_105 : i32 to index
      %swap3A_122 = arith.constant 48 : index
      %swap3A_123 = tpu.vector_load %arg9[%swap3A_121, %swap3A_122] {strides = array<i32>} : memref<128x128xf32, #tpu.memory_space<vmem>>, vector<1x16xf32>,
      %swap3A_124 = vector.shape_cast %swap3A_123 : vector<1x16xf32> to vector<16xf32>
      %swap3A_125 = vector.shape_cast %broadcast_in_dim3A_3 : vector<16xf32> to vector<1x16xf32>
      tpu.vector_store %arg9[%swap3A_121, %swap3A_122], %swap3A_125 {strides = array<i32>} : memref<128x128xf32, #tpu.memory_space<vmem>>, vector<1x16xf32>,
      %swap3A_126 = arith.index_cast %scan3A_105 : i32 to index
      %swap3A_127 = arith.constant 64 : index
      %swap3A_128 = tpu.vector_load %arg9[%swap3A_126, %swap3A_127] {strides = array<i32>} : memref<128x128xf32, #tpu.memory_space<vmem>>, vector<1x16xf32>,
      %swap3A_129 = vector.shape_cast %swap3A_128 : vector<1x16xf32> to vector<16xf32>
      %swap3A_130 = vector.shape_cast %broadcast_in_dim3A_3 : vector<16xf32> to vector<1x16xf32>
      tpu.vector_store %arg9[%swap3A_126, %swap3A_127], %swap3A_130 {strides = array<i32>} : memref<128x128xf32, #tpu.memory_space<vmem>>, vector<1x16xf32>,
      %swap3A_131 = arith.index_cast %scan3A_105 : i32 to index
      %swap3A_132 = arith.constant 80 : index
      %swap3A_133 = tpu.vector_load %arg9[%swap3A_131, %swap3A_132] {strides = array<i32>} : memref<128x128xf32, #tpu.memory_space<vmem>>, vector<1x16xf32>,
      %swap3A_134 = vector.shape_cast %swap3A_133 : vector<1x16xf32> to vector<16xf32>
      %swap3A_135 = vector.shape_cast %broadcast_in_dim3A_3 : vector<16xf32> to vector<1x16xf32>
      tpu.vector_store %arg9[%swap3A_131, %swap3A_132], %swap3A_135 {strides = array<i32>} : memref<128x128xf32, #tpu.memory_space<vmem>>, vector<1x16xf32>,
      %swap3A_136 = arith.index_cast %scan3A_105 : i32 to index
      %swap3A_137 = arith.constant 96 : index
      %swap3A_138 = tpu.vector_load %arg9[%swap3A_136, %swap3A_137] {strides = array<i32>} : memref<128x128xf32, #tpu.memory_space<vmem>>, vector<1x16xf32>,
      %swap3A_139 = vector.shape_cast %swap3A_138 : vector<1x16xf32> to vector<16xf32>
      %swap3A_140 = vector.shape_cast %broadcast_in_dim3A_3 : vector<16xf32> to vector<1x16xf32>
      tpu.vector_store %arg9[%swap3A_136, %swap3A_137], %swap3A_140 {strides = array<i32>} : memref<128x128xf32, #tpu.memory_space<vmem>>, vector<1x16xf32>,
      %swap3A_141 = arith.index_cast %scan3A_105 : i32 to index
      %swap3A_142 = arith.constant 112 : index
      %swap3A_143 = tpu.vector_load %arg9[%swap3A_141, %swap3A_142] {strides = array<i32>} : memref<128x128xf32, #tpu.memory_space<vmem>>, vector<1x16xf32>,
      %swap3A_144 = vector.shape_cast %swap3A_143 : vector<1x16xf32> to vector<16xf32>
      %swap3A_145 = vector.shape_cast %broadcast_in_dim3A_3 : vector<16xf32> to vector<1x16xf32>
      tpu.vector_store %arg9[%swap3A_141, %swap3A_142], %swap3A_145 {strides = array<i32>} : memref<128x128xf32, #tpu.memory_space<vmem>>, vector<1x16xf32>,
      %scan3A_146 = arith.constant 0 : i32
      scf.yield %scan3A_146 : i32
    }
    %scan3A_11 = arith.constant 128 : i32
    %add3A_12 = arith.constant 0 : i32
    %add3A_13 = arith.addi %mul3A_0, %add3A_12 : i32
    "tpu.region"() ({
      %run_scoped3A = tpu.sem_alloc : memref<!tpu.dma_semaphore, #tpu.memory_space<semaphore_mem>>
      %dma_start3A = arith.constant 0 : i32
      %dma_start3A_105 = tpu.memref_slice %arg11[%add3A_13, %dma_start3A] : memref<10240x128xf32, #tpu.memory_space<vmem_shared>> -> memref<128x128xf32, #tpu.memory_space<vmem_shared>>
      %dma_start3A_106 = arith.constant 0 : i32
      %dma_start3A_107 = tpu.memref_slice %arg11[%add3A_13, %dma_start3A_106] : memref<10240x128xf32, #tpu.memory_space<vmem_shared>> -> memref<128x128xf32, #tpu.memory_space<vmem_shared>>
      tpu.enqueue_dma source(%arg9 : memref<128x128xf32, #tpu.memory_space<vmem>>) target(%dma_start3A_107 : memref<128x128xf32, #tpu.memory_space<vmem_shared>>) target_semaphore(%run_scoped3A : memref<!tpu.dma_semaphore, #tpu.memory_space<semaphore_mem>>)
      %dma_wait3A = arith.constant 0 : i32
      %dma_wait3A_108 = tpu.memref_slice %arg11[%add3A_13, %dma_wait3A] : memref<10240x128xf32, #tpu.memory_space<vmem_shared>> -> memref<128x128xf32, #tpu.memory_space<vmem_shared>>
      %dma_wait3A_109 = arith.constant 0 : i32
      %dma_wait3A_110 = tpu.memref_slice %arg11[%add3A_13, %dma_wait3A_109] : memref<10240x128xf32, #tpu.memory_space<vmem_shared>> -> memref<128x128xf32, #tpu.memory_space<vmem_shared>>
      tpu.wait_dma2 semaphore(%run_scoped3A : memref<!tpu.dma_semaphore, #tpu.memory_space<semaphore_mem>>) src(%arg9 : memref<128x128xf32, #tpu.memory_space<vmem>>) dst(%dma_wait3A_110 : memref<128x128xf32, #tpu.memory_space<vmem_shared>>)
      tpu.yield
    }) : () -> ()
    %add3A_14 = arith.constant 128 : i32
    %add3A_15 = arith.addi %mul3A_0, %add3A_14 : i32
    "tpu.region"() ({
      %run_scoped3A = tpu.sem_alloc : memref<!tpu.dma_semaphore, #tpu.memory_space<semaphore_mem>>
      %dma_start3A = arith.constant 0 : i32
      %dma_start3A_105 = tpu.memref_slice %arg11[%add3A_15, %dma_start3A] : memref<10240x128xf32, #tpu.memory_space<vmem_shared>> -> memref<128x128xf32, #tpu.memory_space<vmem_shared>>
      %dma_start3A_106 = arith.constant 0 : i32
      %dma_start3A_107 = tpu.memref_slice %arg11[%add3A_15, %dma_start3A_106] : memref<10240x128xf32, #tpu.memory_space<vmem_shared>> -> memref<128x128xf32, #tpu.memory_space<vmem_shared>>
      tpu.enqueue_dma source(%arg9 : memref<128x128xf32, #tpu.memory_space<vmem>>) target(%dma_start3A_107 : memref<128x128xf32, #tpu.memory_space<vmem_shared>>) target_semaphore(%run_scoped3A : memref<!tpu.dma_semaphore, #tpu.memory_space<semaphore_mem>>)
      %dma_wait3A = arith.constant 0 : i32
      %dma_wait3A_108 = tpu.memref_slice %arg11[%add3A_15, %dma_wait3A] : memref<10240x128xf32, #tpu.memory_space<vmem_shared>> -> memref<128x128xf32, #tpu.memory_space<vmem_shared>>
      %dma_wait3A_109 = arith.constant 0 : i32
      %dma_wait3A_110 = tpu.memref_slice %arg11[%add3A_15, %dma_wait3A_109] : memref<10240x128xf32, #tpu.memory_space<vmem_shared>> -> memref<128x128xf32, #tpu.memory_space<vmem_shared>>
      tpu.wait_dma2 semaphore(%run_scoped3A : memref<!tpu.dma_semaphore, #tpu.memory_space<semaphore_mem>>) src(%arg9 : memref<128x128xf32, #tpu.memory_space<vmem>>) dst(%dma_wait3A_110 : memref<128x128xf32, #tpu.memory_space<vmem_shared>>)
      tpu.yield
    }) : () -> ()
    %add3A_16 = arith.constant 256 : i32
    %add3A_17 = arith.addi %mul3A_0, %add3A_16 : i32
    "tpu.region"() ({
      %run_scoped3A = tpu.sem_alloc : memref<!tpu.dma_semaphore, #tpu.memory_space<semaphore_mem>>
      %dma_start3A = arith.constant 0 : i32
      %dma_start3A_105 = tpu.memref_slice %arg11[%add3A_17, %dma_start3A] : memref<10240x128xf32, #tpu.memory_space<vmem_shared>> -> memref<128x128xf32, #tpu.memory_space<vmem_shared>>
      %dma_start3A_106 = arith.constant 0 : i32
      %dma_start3A_107 = tpu.memref_slice %arg11[%add3A_17, %dma_start3A_106] : memref<10240x128xf32, #tpu.memory_space<vmem_shared>> -> memref<128x128xf32, #tpu.memory_space<vmem_shared>>
      tpu.enqueue_dma source(%arg9 : memref<128x128xf32, #tpu.memory_space<vmem>>) target(%dma_start3A_107 : memref<128x128xf32, #tpu.memory_space<vmem_shared>>) target_semaphore(%run_scoped3A : memref<!tpu.dma_semaphore, #tpu.memory_space<semaphore_mem>>)
      %dma_wait3A = arith.constant 0 : i32
      %dma_wait3A_108 = tpu.memref_slice %arg11[%add3A_17, %dma_wait3A] : memref<10240x128xf32, #tpu.memory_space<vmem_shared>> -> memref<128x128xf32, #tpu.memory_space<vmem_shared>>
      %dma_wait3A_109 = arith.constant 0 : i32
      %dma_wait3A_110 = tpu.memref_slice %arg11[%add3A_17, %dma_wait3A_109] : memref<10240x128xf32, #tpu.memory_space<vmem_shared>> -> memref<128x128xf32, #tpu.memory_space<vmem_shared>>
      tpu.wait_dma2 semaphore(%run_scoped3A : memref<!tpu.dma_semaphore, #tpu.memory_space<semaphore_mem>>) src(%arg9 : memref<128x128xf32, #tpu.memory_space<vmem>>) dst(%dma_wait3A_110 : memref<128x128xf32, #tpu.memory_space<vmem_shared>>)
      tpu.yield
    }) : () -> ()
    %add3A_18 = arith.constant 384 : i32
    %add3A_19 = arith.addi %mul3A_0, %add3A_18 : i32
    "tpu.region"() ({
      %run_scoped3A = tpu.sem_alloc : memref<!tpu.dma_semaphore, #tpu.memory_space<semaphore_mem>>
      %dma_start3A = arith.constant 0 : i32
      %dma_start3A_105 = tpu.memref_slice %arg11[%add3A_19, %dma_start3A] : memref<10240x128xf32, #tpu.memory_space<vmem_shared>> -> memref<128x128xf32, #tpu.memory_space<vmem_shared>>
      %dma_start3A_106 = arith.constant 0 : i32
      %dma_start3A_107 = tpu.memref_slice %arg11[%add3A_19, %dma_start3A_106] : memref<10240x128xf32, #tpu.memory_space<vmem_shared>> -> memref<128x128xf32, #tpu.memory_space<vmem_shared>>
      tpu.enqueue_dma source(%arg9 : memref<128x128xf32, #tpu.memory_space<vmem>>) target(%dma_start3A_107 : memref<128x128xf32, #tpu.memory_space<vmem_shared>>) target_semaphore(%run_scoped3A : memref<!tpu.dma_semaphore, #tpu.memory_space<semaphore_mem>>)
      %dma_wait3A = arith.constant 0 : i32
      %dma_wait3A_108 = tpu.memref_slice %arg11[%add3A_19, %dma_wait3A] : memref<10240x128xf32, #tpu.memory_space<vmem_shared>> -> memref<128x128xf32, #tpu.memory_space<vmem_shared>>
      %dma_wait3A_109 = arith.constant 0 : i32
      %dma_wait3A_110 = tpu.memref_slice %arg11[%add3A_19, %dma_wait3A_109] : memref<10240x128xf32, #tpu.memory_space<vmem_shared>> -> memref<128x128xf32, #tpu.memory_space<vmem_shared>>
      tpu.wait_dma2 semaphore(%run_scoped3A : memref<!tpu.dma_semaphore, #tpu.memory_space<semaphore_mem>>) src(%arg9 : memref<128x128xf32, #tpu.memory_space<vmem>>) dst(%dma_wait3A_110 : memref<128x128xf32, #tpu.memory_space<vmem_shared>>)
      tpu.yield
    }) : () -> ()
    %add3A_20 = arith.constant 512 : i32
    %add3A_21 = arith.addi %mul3A_0, %add3A_20 : i32
    "tpu.region"() ({
      %run_scoped3A = tpu.sem_alloc : memref<!tpu.dma_semaphore, #tpu.memory_space<semaphore_mem>>
      %dma_start3A = arith.constant 0 : i32
      %dma_start3A_105 = tpu.memref_slice %arg11[%add3A_21, %dma_start3A] : memref<10240x128xf32, #tpu.memory_space<vmem_shared>> -> memref<128x128xf32, #tpu.memory_space<vmem_shared>>
      %dma_start3A_106 = arith.constant 0 : i32
      %dma_start3A_107 = tpu.memref_slice %arg11[%add3A_21, %dma_start3A_106] : memref<10240x128xf32, #tpu.memory_space<vmem_shared>> -> memref<128x128xf32, #tpu.memory_space<vmem_shared>>
      tpu.enqueue_dma source(%arg9 : memref<128x128xf32, #tpu.memory_space<vmem>>) target(%dma_start3A_107 : memref<128x128xf32, #tpu.memory_space<vmem_shared>>) target_semaphore(%run_scoped3A : memref<!tpu.dma_semaphore, #tpu.memory_space<semaphore_mem>>)
      %dma_wait3A = arith.constant 0 : i32
      %dma_wait3A_108 = tpu.memref_slice %arg11[%add3A_21, %dma_wait3A] : memref<10240x128xf32, #tpu.memory_space<vmem_shared>> -> memref<128x128xf32, #tpu.memory_space<vmem_shared>>
      %dma_wait3A_109 = arith.constant 0 : i32
      %dma_wait3A_110 = tpu.memref_slice %arg11[%add3A_21, %dma_wait3A_109] : memref<10240x128xf32, #tpu.memory_space<vmem_shared>> -> memref<128x128xf32, #tpu.memory_space<vmem_shared>>
      tpu.wait_dma2 semaphore(%run_scoped3A : memref<!tpu.dma_semaphore, #tpu.memory_space<semaphore_mem>>) src(%arg9 : memref<128x128xf32, #tpu.memory_space<vmem>>) dst(%dma_wait3A_110 : memref<128x128xf32, #tpu.memory_space<vmem_shared>>)
      tpu.yield
    }) : () -> ()
    %barrier3A = arith.constant 0 : index
    tpu.barrier barrier_id(%barrier3A)
    "tpu.trace_stop"() : () -> ()
    %mul3A_22 = arith.constant 10000 : i32
    %mul3A_23 = arith.muli %arg0, %mul3A_22 : i32
    "tpu.trace_start"() <{level = 10 : i32, message = "p1_main"}> : () -> ()
    %scan3A_24 = arith.constant 0 : i32
    %scan3A_25 = arith.constant 0 : i32
    %scan3A_26 = arith.constant 5 : i32
    %scan3A_27 = arith.addi %scan3A_25, %scan3A_26 : i32
    %scan3A_28 = arith.constant 1 : i32
    %scan3A_29 = scf.for %scan3A_105 = %scan3A_25 to %scan3A_27 step %scan3A_28 iter_args(%scan3A_106 = %scan3A_24) -> (i32)  : i32 {
      "tpu.region"() ({
        %run_scoped3A = tpu.sem_alloc : memref<!tpu.dma_semaphore, #tpu.memory_space<semaphore_mem>>
        %dma_start3A_561 = arith.constant 0 : i32
        %dma_start3A_562 = arith.constant 0 : i32
        %dma_start3A_563 = tpu.memref_slice %arg3[%arg1, %scan3A_105, %dma_start3A_561, %dma_start3A_562] : memref<16x5x16x128xi32, #tpu.memory_space<hbm>> -> memref<1x1x16x128xi32, #tpu.memory_space<hbm>>
        %dma_start3A_564 = tpu.memref_squeeze %dma_start3A_563 : memref<1x1x16x128xi32, #tpu.memory_space<hbm>> -> memref<16x128xi32, #tpu.memory_space<hbm>>
        %dma_start3A_565 = arith.constant 0 : i32
        %dma_start3A_566 = arith.constant 0 : i32
        %dma_start3A_567 = tpu.memref_slice %arg3[%arg1, %scan3A_105, %dma_start3A_565, %dma_start3A_566] : memref<16x5x16x128xi32, #tpu.memory_space<hbm>> -> memref<1x1x16x128xi32, #tpu.memory_space<hbm>>
        %dma_start3A_568 = tpu.memref_squeeze %dma_start3A_567 : memref<1x1x16x128xi32, #tpu.memory_space<hbm>> -> memref<16x128xi32, #tpu.memory_space<hbm>>
        tpu.enqueue_dma source(%dma_start3A_568 : memref<16x128xi32, #tpu.memory_space<hbm>>) target(%arg7 : memref<16x128xi32, #tpu.memory_space<vmem>>) target_semaphore(%run_scoped3A : memref<!tpu.dma_semaphore, #tpu.memory_space<semaphore_mem>>)
        %dma_wait3A_569 = arith.constant 0 : i32
        %dma_wait3A_570 = arith.constant 0 : i32
        %dma_wait3A_571 = tpu.memref_slice %arg3[%arg1, %scan3A_105, %dma_wait3A_569, %dma_wait3A_570] : memref<16x5x16x128xi32, #tpu.memory_space<hbm>> -> memref<1x1x16x128xi32, #tpu.memory_space<hbm>>
        %dma_wait3A_572 = tpu.memref_squeeze %dma_wait3A_571 : memref<1x1x16x128xi32, #tpu.memory_space<hbm>> -> memref<16x128xi32, #tpu.memory_space<hbm>>
        %dma_wait3A_573 = arith.constant 0 : i32
        %dma_wait3A_574 = arith.constant 0 : i32
        %dma_wait3A_575 = tpu.memref_slice %arg3[%arg1, %scan3A_105, %dma_wait3A_573, %dma_wait3A_574] : memref<16x5x16x128xi32, #tpu.memory_space<hbm>> -> memref<1x1x16x128xi32, #tpu.memory_space<hbm>>
        %dma_wait3A_576 = tpu.memref_squeeze %dma_wait3A_575 : memref<1x1x16x128xi32, #tpu.memory_space<hbm>> -> memref<16x128xi32, #tpu.memory_space<hbm>>
        tpu.wait_dma2 semaphore(%run_scoped3A : memref<!tpu.dma_semaphore, #tpu.memory_space<semaphore_mem>>) src(%dma_wait3A_576 : memref<16x128xi32, #tpu.memory_space<hbm>>) dst(%arg7 : memref<16x128xi32, #tpu.memory_space<vmem>>)
        tpu.yield
      }) : () -> ()
      "tpu.region"() ({
        %run_scoped3A = tpu.sem_alloc : memref<!tpu.dma_semaphore, #tpu.memory_space<semaphore_mem>>
        %dma_start3A_561 = arith.constant 0 : i32
        %dma_start3A_562 = arith.constant 0 : i32
        %dma_start3A_563 = tpu.memref_slice %arg4[%arg1, %scan3A_105, %dma_start3A_561, %dma_start3A_562] : memref<16x5x16x128xi32, #tpu.memory_space<hbm>> -> memref<1x1x16x128xi32, #tpu.memory_space<hbm>>
        %dma_start3A_564 = tpu.memref_squeeze %dma_start3A_563 : memref<1x1x16x128xi32, #tpu.memory_space<hbm>> -> memref<16x128xi32, #tpu.memory_space<hbm>>
        %dma_start3A_565 = arith.constant 0 : i32
        %dma_start3A_566 = arith.constant 0 : i32
        %dma_start3A_567 = tpu.memref_slice %arg4[%arg1, %scan3A_105, %dma_start3A_565, %dma_start3A_566] : memref<16x5x16x128xi32, #tpu.memory_space<hbm>> -> memref<1x1x16x128xi32, #tpu.memory_space<hbm>>
        %dma_start3A_568 = tpu.memref_squeeze %dma_start3A_567 : memref<1x1x16x128xi32, #tpu.memory_space<hbm>> -> memref<16x128xi32, #tpu.memory_space<hbm>>
        tpu.enqueue_dma source(%dma_start3A_568 : memref<16x128xi32, #tpu.memory_space<hbm>>) target(%arg8 : memref<16x128xi32, #tpu.memory_space<vmem>>) target_semaphore(%run_scoped3A : memref<!tpu.dma_semaphore, #tpu.memory_space<semaphore_mem>>)
        %dma_wait3A_569 = arith.constant 0 : i32
        %dma_wait3A_570 = arith.constant 0 : i32
        %dma_wait3A_571 = tpu.memref_slice %arg4[%arg1, %scan3A_105, %dma_wait3A_569, %dma_wait3A_570] : memref<16x5x16x128xi32, #tpu.memory_space<hbm>> -> memref<1x1x16x128xi32, #tpu.memory_space<hbm>>
        %dma_wait3A_572 = tpu.memref_squeeze %dma_wait3A_571 : memref<1x1x16x128xi32, #tpu.memory_space<hbm>> -> memref<16x128xi32, #tpu.memory_space<hbm>>
        %dma_wait3A_573 = arith.constant 0 : i32
        %dma_wait3A_574 = arith.constant 0 : i32
        %dma_wait3A_575 = tpu.memref_slice %arg4[%arg1, %scan3A_105, %dma_wait3A_573, %dma_wait3A_574] : memref<16x5x16x128xi32, #tpu.memory_space<hbm>> -> memref<1x1x16x128xi32, #tpu.memory_space<hbm>>
        %dma_wait3A_576 = tpu.memref_squeeze %dma_wait3A_575 : memref<1x1x16x128xi32, #tpu.memory_space<hbm>> -> memref<16x128xi32, #tpu.memory_space<hbm>>
        tpu.wait_dma2 semaphore(%run_scoped3A : memref<!tpu.dma_semaphore, #tpu.memory_space<semaphore_mem>>) src(%dma_wait3A_576 : memref<16x128xi32, #tpu.memory_space<hbm>>) dst(%arg8 : memref<16x128xi32, #tpu.memory_space<vmem>>)
        tpu.yield
      }) : () -> ()
      %scan3A_107 = arith.constant 0 : i32
      %scan3A_108 = arith.constant 0 : i32
      %scan3A_109 = arith.constant 16 : i32
      %scan3A_110 = arith.addi %scan3A_108, %scan3A_109 : i32
      %scan3A_111 = arith.constant 1 : i32
      %scan3A_112 = scf.for %scan3A_561 = %scan3A_108 to %scan3A_110 step %scan3A_111 iter_args(%scan3A_562 = %scan3A_107) -> (i32)  : i32 {
        %get3A = arith.index_cast %scan3A_561 : i32 to index
        %get3A_563 = arith.constant 0 : index
        %get3A_564 = tpu.vector_load %arg7[%get3A, %get3A_563] {strides = array<i32>} : memref<16x128xi32, #tpu.memory_space<vmem>>, vector<1x16xi32>,
        %get3A_565 = vector.shape_cast %get3A_564 : vector<1x16xi32> to vector<16xi32>
        %add3A_566 = vector.broadcast %mul3A_23 : i32 to vector<16xi32>
        %add3A_567 = arith.addi %get3A_565, %add3A_566 : vector<16xi32>
        %swap3A = arith.index_cast %scan3A_561 : i32 to index
        %swap3A_568 = arith.constant 0 : index
        %swap3A_569 = tpu.vector_load %arg7[%swap3A, %swap3A_568] {strides = array<i32>} : memref<16x128xi32, #tpu.memory_space<vmem>>, vector<1x16xi32>,
        %swap3A_570 = vector.shape_cast %swap3A_569 : vector<1x16xi32> to vector<16xi32>
        %swap3A_571 = vector.shape_cast %add3A_567 : vector<16xi32> to vector<1x16xi32>
        tpu.vector_store %arg7[%swap3A, %swap3A_568], %swap3A_571 {strides = array<i32>} : memref<16x128xi32, #tpu.memory_space<vmem>>, vector<1x16xi32>,
        %get3A_572 = arith.index_cast %scan3A_561 : i32 to index
        %get3A_573 = arith.constant 16 : index
        %get3A_574 = tpu.vector_load %arg7[%get3A_572, %get3A_573] {strides = array<i32>} : memref<16x128xi32, #tpu.memory_space<vmem>>, vector<1x16xi32>,
        %get3A_575 = vector.shape_cast %get3A_574 : vector<1x16xi32> to vector<16xi32>
        %add3A_576 = vector.broadcast %mul3A_23 : i32 to vector<16xi32>
        %add3A_577 = arith.addi %get3A_575, %add3A_576 : vector<16xi32>
        %swap3A_578 = arith.index_cast %scan3A_561 : i32 to index
        %swap3A_579 = arith.constant 16 : index
        %swap3A_580 = tpu.vector_load %arg7[%swap3A_578, %swap3A_579] {strides = array<i32>} : memref<16x128xi32, #tpu.memory_space<vmem>>, vector<1x16xi32>,
        %swap3A_581 = vector.shape_cast %swap3A_580 : vector<1x16xi32> to vector<16xi32>
        %swap3A_582 = vector.shape_cast %add3A_577 : vector<16xi32> to vector<1x16xi32>
        tpu.vector_store %arg7[%swap3A_578, %swap3A_579], %swap3A_582 {strides = array<i32>} : memref<16x128xi32, #tpu.memory_space<vmem>>, vector<1x16xi32>,
        %get3A_583 = arith.index_cast %scan3A_561 : i32 to index
        %get3A_584 = arith.constant 32 : index
        %get3A_585 = tpu.vector_load %arg7[%get3A_583, %get3A_584] {strides = array<i32>} : memref<16x128xi32, #tpu.memory_space<vmem>>, vector<1x16xi32>,
        %get3A_586 = vector.shape_cast %get3A_585 : vector<1x16xi32> to vector<16xi32>
        %add3A_587 = vector.broadcast %mul3A_23 : i32 to vector<16xi32>
        %add3A_588 = arith.addi %get3A_586, %add3A_587 : vector<16xi32>
        %swap3A_589 = arith.index_cast %scan3A_561 : i32 to index
        %swap3A_590 = arith.constant 32 : index
        %swap3A_591 = tpu.vector_load %arg7[%swap3A_589, %swap3A_590] {strides = array<i32>} : memref<16x128xi32, #tpu.memory_space<vmem>>, vector<1x16xi32>,
        %swap3A_592 = vector.shape_cast %swap3A_591 : vector<1x16xi32> to vector<16xi32>
        %swap3A_593 = vector.shape_cast %add3A_588 : vector<16xi32> to vector<1x16xi32>
        tpu.vector_store %arg7[%swap3A_589, %swap3A_590], %swap3A_593 {strides = array<i32>} : memref<16x128xi32, #tpu.memory_space<vmem>>, vector<1x16xi32>,
        %get3A_594 = arith.index_cast %scan3A_561 : i32 to index
        %get3A_595 = arith.constant 48 : index
        %get3A_596 = tpu.vector_load %arg7[%get3A_594, %get3A_595] {strides = array<i32>} : memref<16x128xi32, #tpu.memory_space<vmem>>, vector<1x16xi32>,
        %get3A_597 = vector.shape_cast %get3A_596 : vector<1x16xi32> to vector<16xi32>
        %add3A_598 = vector.broadcast %mul3A_23 : i32 to vector<16xi32>
        %add3A_599 = arith.addi %get3A_597, %add3A_598 : vector<16xi32>
        %swap3A_600 = arith.index_cast %scan3A_561 : i32 to index
        %swap3A_601 = arith.constant 48 : index
        %swap3A_602 = tpu.vector_load %arg7[%swap3A_600, %swap3A_601] {strides = array<i32>} : memref<16x128xi32, #tpu.memory_space<vmem>>, vector<1x16xi32>,
        %swap3A_603 = vector.shape_cast %swap3A_602 : vector<1x16xi32> to vector<16xi32>
        %swap3A_604 = vector.shape_cast %add3A_599 : vector<16xi32> to vector<1x16xi32>
        tpu.vector_store %arg7[%swap3A_600, %swap3A_601], %swap3A_604 {strides = array<i32>} : memref<16x128xi32, #tpu.memory_space<vmem>>, vector<1x16xi32>,
        %get3A_605 = arith.index_cast %scan3A_561 : i32 to index
        %get3A_606 = arith.constant 64 : index
        %get3A_607 = tpu.vector_load %arg7[%get3A_605, %get3A_606] {strides = array<i32>} : memref<16x128xi32, #tpu.memory_space<vmem>>, vector<1x16xi32>,
        %get3A_608 = vector.shape_cast %get3A_607 : vector<1x16xi32> to vector<16xi32>
        %add3A_609 = vector.broadcast %mul3A_23 : i32 to vector<16xi32>
        %add3A_610 = arith.addi %get3A_608, %add3A_609 : vector<16xi32>
        %swap3A_611 = arith.index_cast %scan3A_561 : i32 to index
        %swap3A_612 = arith.constant 64 : index
        %swap3A_613 = tpu.vector_load %arg7[%swap3A_611, %swap3A_612] {strides = array<i32>} : memref<16x128xi32, #tpu.memory_space<vmem>>, vector<1x16xi32>,
        %swap3A_614 = vector.shape_cast %swap3A_613 : vector<1x16xi32> to vector<16xi32>
        %swap3A_615 = vector.shape_cast %add3A_610 : vector<16xi32> to vector<1x16xi32>
        tpu.vector_store %arg7[%swap3A_611, %swap3A_612], %swap3A_615 {strides = array<i32>} : memref<16x128xi32, #tpu.memory_space<vmem>>, vector<1x16xi32>,
        %get3A_616 = arith.index_cast %scan3A_561 : i32 to index
        %get3A_617 = arith.constant 80 : index
        %get3A_618 = tpu.vector_load %arg7[%get3A_616, %get3A_617] {strides = array<i32>} : memref<16x128xi32, #tpu.memory_space<vmem>>, vector<1x16xi32>,
        %get3A_619 = vector.shape_cast %get3A_618 : vector<1x16xi32> to vector<16xi32>
        %add3A_620 = vector.broadcast %mul3A_23 : i32 to vector<16xi32>
        %add3A_621 = arith.addi %get3A_619, %add3A_620 : vector<16xi32>
        %swap3A_622 = arith.index_cast %scan3A_561 : i32 to index
        %swap3A_623 = arith.constant 80 : index
        %swap3A_624 = tpu.vector_load %arg7[%swap3A_622, %swap3A_623] {strides = array<i32>} : memref<16x128xi32, #tpu.memory_space<vmem>>, vector<1x16xi32>,
        %swap3A_625 = vector.shape_cast %swap3A_624 : vector<1x16xi32> to vector<16xi32>
        %swap3A_626 = vector.shape_cast %add3A_621 : vector<16xi32> to vector<1x16xi32>
        tpu.vector_store %arg7[%swap3A_622, %swap3A_623], %swap3A_626 {strides = array<i32>} : memref<16x128xi32, #tpu.memory_space<vmem>>, vector<1x16xi32>,
        %get3A_627 = arith.index_cast %scan3A_561 : i32 to index
        %get3A_628 = arith.constant 96 : index
        %get3A_629 = tpu.vector_load %arg7[%get3A_627, %get3A_628] {strides = array<i32>} : memref<16x128xi32, #tpu.memory_space<vmem>>, vector<1x16xi32>,
        %get3A_630 = vector.shape_cast %get3A_629 : vector<1x16xi32> to vector<16xi32>
        %add3A_631 = vector.broadcast %mul3A_23 : i32 to vector<16xi32>
        %add3A_632 = arith.addi %get3A_630, %add3A_631 : vector<16xi32>
        %swap3A_633 = arith.index_cast %scan3A_561 : i32 to index
        %swap3A_634 = arith.constant 96 : index
        %swap3A_635 = tpu.vector_load %arg7[%swap3A_633, %swap3A_634] {strides = array<i32>} : memref<16x128xi32, #tpu.memory_space<vmem>>, vector<1x16xi32>,
        %swap3A_636 = vector.shape_cast %swap3A_635 : vector<1x16xi32> to vector<16xi32>
        %swap3A_637 = vector.shape_cast %add3A_632 : vector<16xi32> to vector<1x16xi32>
        tpu.vector_store %arg7[%swap3A_633, %swap3A_634], %swap3A_637 {strides = array<i32>} : memref<16x128xi32, #tpu.memory_space<vmem>>, vector<1x16xi32>,
        %get3A_638 = arith.index_cast %scan3A_561 : i32 to index
        %get3A_639 = arith.constant 112 : index
        %get3A_640 = tpu.vector_load %arg7[%get3A_638, %get3A_639] {strides = array<i32>} : memref<16x128xi32, #tpu.memory_space<vmem>>, vector<1x16xi32>,
        %get3A_641 = vector.shape_cast %get3A_640 : vector<1x16xi32> to vector<16xi32>
        %add3A_642 = vector.broadcast %mul3A_23 : i32 to vector<16xi32>
        %add3A_643 = arith.addi %get3A_641, %add3A_642 : vector<16xi32>
        %swap3A_644 = arith.index_cast %scan3A_561 : i32 to index
        %swap3A_645 = arith.constant 112 : index
        %swap3A_646 = tpu.vector_load %arg7[%swap3A_644, %swap3A_645] {strides = array<i32>} : memref<16x128xi32, #tpu.memory_space<vmem>>, vector<1x16xi32>,
        %swap3A_647 = vector.shape_cast %swap3A_646 : vector<1x16xi32> to vector<16xi32>
        %swap3A_648 = vector.shape_cast %add3A_643 : vector<16xi32> to vector<1x16xi32>
        tpu.vector_store %arg7[%swap3A_644, %swap3A_645], %swap3A_648 {strides = array<i32>} : memref<16x128xi32, #tpu.memory_space<vmem>>, vector<1x16xi32>,
        %scan3A_649 = arith.constant 0 : i32
        scf.yield %scan3A_649 : i32
      }
      %scan3A_113 = arith.constant 16 : i32
      %dma_start3A = arith.constant 0 : i32
      %dma_start3A_114 = arith.constant 0 : i32
      %dma_start3A_115 = tpu.memref_slice %arg7[%dma_start3A, %dma_start3A_114] : memref<16x128xi32, #tpu.memory_space<vmem>> -> memref<1x128xi32, #tpu.memory_space<vmem>>
      %dma_start3A_116 = tpu.memref_squeeze %dma_start3A_115 : memref<1x128xi32, #tpu.memory_space<vmem>> -> memref<128xi32, #tpu.memory_space<vmem>>
      %dma_start3A_117 = arith.constant 0 : i32
      %dma_start3A_118 = arith.constant 0 : i32
      %dma_start3A_119 = tpu.memref_slice %arg2[%dma_start3A_117, %dma_start3A_118] : memref<20000x128xf32, #tpu.memory_space<hbm>> -> memref<20000x128xf32, #tpu.memory_space<hbm>>
      tpu.enqueue_indirect_dma source(%dma_start3A_119 : memref<20000x128xf32, #tpu.memory_space<hbm>>) target(%arg9 : memref<128x128xf32, #tpu.memory_space<vmem>>) offsets(%dma_start3A_116 : memref<128xi32, #tpu.memory_space<vmem>>) semaphore(%arg12 : memref<!tpu.dma_semaphore, #tpu.memory_space<semaphore_mem>>)
      %dma_start3A_120 = arith.constant 1 : i32
      %dma_start3A_121 = arith.constant 0 : i32
      %dma_start3A_122 = tpu.memref_slice %arg7[%dma_start3A_120, %dma_start3A_121] : memref<16x128xi32, #tpu.memory_space<vmem>> -> memref<1x128xi32, #tpu.memory_space<vmem>>
      %dma_start3A_123 = tpu.memref_squeeze %dma_start3A_122 : memref<1x128xi32, #tpu.memory_space<vmem>> -> memref<128xi32, #tpu.memory_space<vmem>>
      %dma_start3A_124 = arith.constant 0 : i32
      %dma_start3A_125 = arith.constant 0 : i32
      %dma_start3A_126 = tpu.memref_slice %arg2[%dma_start3A_124, %dma_start3A_125] : memref<20000x128xf32, #tpu.memory_space<hbm>> -> memref<20000x128xf32, #tpu.memory_space<hbm>>
      tpu.enqueue_indirect_dma source(%dma_start3A_126 : memref<20000x128xf32, #tpu.memory_space<hbm>>) target(%arg10 : memref<128x128xf32, #tpu.memory_space<vmem>>) offsets(%dma_start3A_123 : memref<128xi32, #tpu.memory_space<vmem>>) semaphore(%arg13 : memref<!tpu.dma_semaphore, #tpu.memory_space<semaphore_mem>>)
      %dma_wait3A = arith.constant 0 : i32
      %dma_wait3A_127 = arith.constant 0 : i32
      %dma_wait3A_128 = tpu.memref_slice %arg7[%dma_wait3A, %dma_wait3A_127] : memref<16x128xi32, #tpu.memory_space<vmem>> -> memref<1x128xi32, #tpu.memory_space<vmem>>
      %dma_wait3A_129 = tpu.memref_squeeze %dma_wait3A_128 : memref<1x128xi32, #tpu.memory_space<vmem>> -> memref<128xi32, #tpu.memory_space<vmem>>
      %dma_wait3A_130 = arith.constant 0 : i32
      %dma_wait3A_131 = arith.constant 0 : i32
      %dma_wait3A_132 = tpu.memref_slice %arg2[%dma_wait3A_130, %dma_wait3A_131] : memref<20000x128xf32, #tpu.memory_space<hbm>> -> memref<20000x128xf32, #tpu.memory_space<hbm>>
      tpu.wait_indirect_dma semaphore(%arg12 : memref<!tpu.dma_semaphore, #tpu.memory_space<semaphore_mem>>) src(%dma_wait3A_132 : memref<20000x128xf32, #tpu.memory_space<hbm>>) dst(%arg9 : memref<128x128xf32, #tpu.memory_space<vmem>>)
      %dma_start3A_133 = arith.constant 0 : i32
      %dma_start3A_134 = arith.constant 0 : i32
      %dma_start3A_135 = tpu.memref_slice %arg8[%dma_start3A_133, %dma_start3A_134] : memref<16x128xi32, #tpu.memory_space<vmem>> -> memref<1x128xi32, #tpu.memory_space<vmem>>
      %dma_start3A_136 = tpu.memref_squeeze %dma_start3A_135 : memref<1x128xi32, #tpu.memory_space<vmem>> -> memref<128xi32, #tpu.memory_space<vmem>>
      %dma_start3A_137 = arith.constant 0 : i32
      %dma_start3A_138 = arith.constant 0 : i32
      %dma_start3A_139 = tpu.memref_slice %arg11[%dma_start3A_137, %dma_start3A_138] : memref<10240x128xf32, #tpu.memory_space<vmem_shared>> -> memref<10240x128xf32, #tpu.memory_space<vmem_shared>>
      tpu.enqueue_indirect_dma source(%arg9 : memref<128x128xf32, #tpu.memory_space<vmem>>) target(%dma_start3A_139 : memref<10240x128xf32, #tpu.memory_space<vmem_shared>>) offsets(%dma_start3A_136 : memref<128xi32, #tpu.memory_space<vmem>>) semaphore(%arg14 : memref<!tpu.dma_semaphore, #tpu.memory_space<semaphore_mem>>) {add = true}
      %dma_wait3A_140 = arith.constant 0 : i32
      %dma_wait3A_141 = arith.constant 0 : i32
      %dma_wait3A_142 = tpu.memref_slice %arg8[%dma_wait3A_140, %dma_wait3A_141] : memref<16x128xi32, #tpu.memory_space<vmem>> -> memref<1x128xi32, #tpu.memory_space<vmem>>
      %dma_wait3A_143 = tpu.memref_squeeze %dma_wait3A_142 : memref<1x128xi32, #tpu.memory_space<vmem>> -> memref<128xi32, #tpu.memory_space<vmem>>
      %dma_wait3A_144 = arith.constant 0 : i32
      %dma_wait3A_145 = arith.constant 0 : i32
      %dma_wait3A_146 = tpu.memref_slice %arg11[%dma_wait3A_144, %dma_wait3A_145] : memref<10240x128xf32, #tpu.memory_space<vmem_shared>> -> memref<10240x128xf32, #tpu.memory_space<vmem_shared>>
      tpu.wait_indirect_dma semaphore(%arg14 : memref<!tpu.dma_semaphore, #tpu.memory_space<semaphore_mem>>) src(%arg9 : memref<128x128xf32, #tpu.memory_space<vmem>>) dst(%dma_wait3A_146 : memref<10240x128xf32, #tpu.memory_space<vmem_shared>>)
      %dma_start3A_147 = arith.constant 2 : i32
      %dma_start3A_148 = arith.constant 0 : i32
      %dma_start3A_149 = tpu.memref_slice %arg7[%dma_start3A_147, %dma_start3A_148] : memref<16x128xi32, #tpu.memory_space<vmem>> -> memref<1x128xi32, #tpu.memory_space<vmem>>
      %dma_start3A_150 = tpu.memref_squeeze %dma_start3A_149 : memref<1x128xi32, #tpu.memory_space<vmem>> -> memref<128xi32, #tpu.memory_space<vmem>>
      %dma_start3A_151 = arith.constant 0 : i32
      %dma_start3A_152 = arith.constant 0 : i32
      %dma_start3A_153 = tpu.memref_slice %arg2[%dma_start3A_151, %dma_start3A_152] : memref<20000x128xf32, #tpu.memory_space<hbm>> -> memref<20000x128xf32, #tpu.memory_space<hbm>>
      tpu.enqueue_indirect_dma source(%dma_start3A_153 : memref<20000x128xf32, #tpu.memory_space<hbm>>) target(%arg9 : memref<128x128xf32, #tpu.memory_space<vmem>>) offsets(%dma_start3A_150 : memref<128xi32, #tpu.memory_space<vmem>>) semaphore(%arg12 : memref<!tpu.dma_semaphore, #tpu.memory_space<semaphore_mem>>)
      %dma_wait3A_154 = arith.constant 1 : i32
      %dma_wait3A_155 = arith.constant 0 : i32
      %dma_wait3A_156 = tpu.memref_slice %arg7[%dma_wait3A_154, %dma_wait3A_155] : memref<16x128xi32, #tpu.memory_space<vmem>> -> memref<1x128xi32, #tpu.memory_space<vmem>>
      %dma_wait3A_157 = tpu.memref_squeeze %dma_wait3A_156 : memref<1x128xi32, #tpu.memory_space<vmem>> -> memref<128xi32, #tpu.memory_space<vmem>>
      %dma_wait3A_158 = arith.constant 0 : i32
      %dma_wait3A_159 = arith.constant 0 : i32
      %dma_wait3A_160 = tpu.memref_slice %arg2[%dma_wait3A_158, %dma_wait3A_159] : memref<20000x128xf32, #tpu.memory_space<hbm>> -> memref<20000x128xf32, #tpu.memory_space<hbm>>
      tpu.wait_indirect_dma semaphore(%arg13 : memref<!tpu.dma_semaphore, #tpu.memory_space<semaphore_mem>>) src(%dma_wait3A_160 : memref<20000x128xf32, #tpu.memory_space<hbm>>) dst(%arg10 : memref<128x128xf32, #tpu.memory_space<vmem>>)
      %dma_start3A_161 = arith.constant 1 : i32
      %dma_start3A_162 = arith.constant 0 : i32
      %dma_start3A_163 = tpu.memref_slice %arg8[%dma_start3A_161, %dma_start3A_162] : memref<16x128xi32, #tpu.memory_space<vmem>> -> memref<1x128xi32, #tpu.memory_space<vmem>>
      %dma_start3A_164 = tpu.memref_squeeze %dma_start3A_163 : memref<1x128xi32, #tpu.memory_space<vmem>> -> memref<128xi32, #tpu.memory_space<vmem>>
      %dma_start3A_165 = arith.constant 0 : i32
      %dma_start3A_166 = arith.constant 0 : i32
      %dma_start3A_167 = tpu.memref_slice %arg11[%dma_start3A_165, %dma_start3A_166] : memref<10240x128xf32, #tpu.memory_space<vmem_shared>> -> memref<10240x128xf32, #tpu.memory_space<vmem_shared>>
      tpu.enqueue_indirect_dma source(%arg10 : memref<128x128xf32, #tpu.memory_space<vmem>>) target(%dma_start3A_167 : memref<10240x128xf32, #tpu.memory_space<vmem_shared>>) offsets(%dma_start3A_164 : memref<128xi32, #tpu.memory_space<vmem>>) semaphore(%arg15 : memref<!tpu.dma_semaphore, #tpu.memory_space<semaphore_mem>>) {add = true}
      %dma_wait3A_168 = arith.constant 1 : i32
      %dma_wait3A_169 = arith.constant 0 : i32
      %dma_wait3A_170 = tpu.memref_slice %arg8[%dma_wait3A_168, %dma_wait3A_169] : memref<16x128xi32, #tpu.memory_space<vmem>> -> memref<1x128xi32, #tpu.memory_space<vmem>>
      %dma_wait3A_171 = tpu.memref_squeeze %dma_wait3A_170 : memref<1x128xi32, #tpu.memory_space<vmem>> -> memref<128xi32, #tpu.memory_space<vmem>>
      %dma_wait3A_172 = arith.constant 0 : i32
      %dma_wait3A_173 = arith.constant 0 : i32
      %dma_wait3A_174 = tpu.memref_slice %arg11[%dma_wait3A_172, %dma_wait3A_173] : memref<10240x128xf32, #tpu.memory_space<vmem_shared>> -> memref<10240x128xf32, #tpu.memory_space<vmem_shared>>
      tpu.wait_indirect_dma semaphore(%arg15 : memref<!tpu.dma_semaphore, #tpu.memory_space<semaphore_mem>>) src(%arg10 : memref<128x128xf32, #tpu.memory_space<vmem>>) dst(%dma_wait3A_174 : memref<10240x128xf32, #tpu.memory_space<vmem_shared>>)
      %dma_start3A_175 = arith.constant 3 : i32
      %dma_start3A_176 = arith.constant 0 : i32
      %dma_start3A_177 = tpu.memref_slice %arg7[%dma_start3A_175, %dma_start3A_176] : memref<16x128xi32, #tpu.memory_space<vmem>> -> memref<1x128xi32, #tpu.memory_space<vmem>>
      %dma_start3A_178 = tpu.memref_squeeze %dma_start3A_177 : memref<1x128xi32, #tpu.memory_space<vmem>> -> memref<128xi32, #tpu.memory_space<vmem>>
      %dma_start3A_179 = arith.constant 0 : i32
      %dma_start3A_180 = arith.constant 0 : i32
      %dma_start3A_181 = tpu.memref_slice %arg2[%dma_start3A_179, %dma_start3A_180] : memref<20000x128xf32, #tpu.memory_space<hbm>> -> memref<20000x128xf32, #tpu.memory_space<hbm>>
      tpu.enqueue_indirect_dma source(%dma_start3A_181 : memref<20000x128xf32, #tpu.memory_space<hbm>>) target(%arg10 : memref<128x128xf32, #tpu.memory_space<vmem>>) offsets(%dma_start3A_178 : memref<128xi32, #tpu.memory_space<vmem>>) semaphore(%arg13 : memref<!tpu.dma_semaphore, #tpu.memory_space<semaphore_mem>>)
      %dma_wait3A_182 = arith.constant 2 : i32
      %dma_wait3A_183 = arith.constant 0 : i32
      %dma_wait3A_184 = tpu.memref_slice %arg7[%dma_wait3A_182, %dma_wait3A_183] : memref<16x128xi32, #tpu.memory_space<vmem>> -> memref<1x128xi32, #tpu.memory_space<vmem>>
      %dma_wait3A_185 = tpu.memref_squeeze %dma_wait3A_184 : memref<1x128xi32, #tpu.memory_space<vmem>> -> memref<128xi32, #tpu.memory_space<vmem>>
      %dma_wait3A_186 = arith.constant 0 : i32
      %dma_wait3A_187 = arith.constant 0 : i32
      %dma_wait3A_188 = tpu.memref_slice %arg2[%dma_wait3A_186, %dma_wait3A_187] : memref<20000x128xf32, #tpu.memory_space<hbm>> -> memref<20000x128xf32, #tpu.memory_space<hbm>>
      tpu.wait_indirect_dma semaphore(%arg12 : memref<!tpu.dma_semaphore, #tpu.memory_space<semaphore_mem>>) src(%dma_wait3A_188 : memref<20000x128xf32, #tpu.memory_space<hbm>>) dst(%arg9 : memref<128x128xf32, #tpu.memory_space<vmem>>)
      %dma_start3A_189 = arith.constant 2 : i32
      %dma_start3A_190 = arith.constant 0 : i32
      %dma_start3A_191 = tpu.memref_slice %arg8[%dma_start3A_189, %dma_start3A_190] : memref<16x128xi32, #tpu.memory_space<vmem>> -> memref<1x128xi32, #tpu.memory_space<vmem>>
      %dma_start3A_192 = tpu.memref_squeeze %dma_start3A_191 : memref<1x128xi32, #tpu.memory_space<vmem>> -> memref<128xi32, #tpu.memory_space<vmem>>
      %dma_start3A_193 = arith.constant 0 : i32
      %dma_start3A_194 = arith.constant 0 : i32
      %dma_start3A_195 = tpu.memref_slice %arg11[%dma_start3A_193, %dma_start3A_194] : memref<10240x128xf32, #tpu.memory_space<vmem_shared>> -> memref<10240x128xf32, #tpu.memory_space<vmem_shared>>
      tpu.enqueue_indirect_dma source(%arg9 : memref<128x128xf32, #tpu.memory_space<vmem>>) target(%dma_start3A_195 : memref<10240x128xf32, #tpu.memory_space<vmem_shared>>) offsets(%dma_start3A_192 : memref<128xi32, #tpu.memory_space<vmem>>) semaphore(%arg14 : memref<!tpu.dma_semaphore, #tpu.memory_space<semaphore_mem>>) {add = true}
      %dma_wait3A_196 = arith.constant 2 : i32
      %dma_wait3A_197 = arith.constant 0 : i32
      %dma_wait3A_198 = tpu.memref_slice %arg8[%dma_wait3A_196, %dma_wait3A_197] : memref<16x128xi32, #tpu.memory_space<vmem>> -> memref<1x128xi32, #tpu.memory_space<vmem>>
      %dma_wait3A_199 = tpu.memref_squeeze %dma_wait3A_198 : memref<1x128xi32, #tpu.memory_space<vmem>> -> memref<128xi32, #tpu.memory_space<vmem>>
      %dma_wait3A_200 = arith.constant 0 : i32
      %dma_wait3A_201 = arith.constant 0 : i32
      %dma_wait3A_202 = tpu.memref_slice %arg11[%dma_wait3A_200, %dma_wait3A_201] : memref<10240x128xf32, #tpu.memory_space<vmem_shared>> -> memref<10240x128xf32, #tpu.memory_space<vmem_shared>>
      tpu.wait_indirect_dma semaphore(%arg14 : memref<!tpu.dma_semaphore, #tpu.memory_space<semaphore_mem>>) src(%arg9 : memref<128x128xf32, #tpu.memory_space<vmem>>) dst(%dma_wait3A_202 : memref<10240x128xf32, #tpu.memory_space<vmem_shared>>)
      %dma_start3A_203 = arith.constant 4 : i32
      %dma_start3A_204 = arith.constant 0 : i32
      %dma_start3A_205 = tpu.memref_slice %arg7[%dma_start3A_203, %dma_start3A_204] : memref<16x128xi32, #tpu.memory_space<vmem>> -> memref<1x128xi32, #tpu.memory_space<vmem>>
      %dma_start3A_206 = tpu.memref_squeeze %dma_start3A_205 : memref<1x128xi32, #tpu.memory_space<vmem>> -> memref<128xi32, #tpu.memory_space<vmem>>
      %dma_start3A_207 = arith.constant 0 : i32
      %dma_start3A_208 = arith.constant 0 : i32
      %dma_start3A_209 = tpu.memref_slice %arg2[%dma_start3A_207, %dma_start3A_208] : memref<20000x128xf32, #tpu.memory_space<hbm>> -> memref<20000x128xf32, #tpu.memory_space<hbm>>
      tpu.enqueue_indirect_dma source(%dma_start3A_209 : memref<20000x128xf32, #tpu.memory_space<hbm>>) target(%arg9 : memref<128x128xf32, #tpu.memory_space<vmem>>) offsets(%dma_start3A_206 : memref<128xi32, #tpu.memory_space<vmem>>) semaphore(%arg12 : memref<!tpu.dma_semaphore, #tpu.memory_space<semaphore_mem>>)
      %dma_wait3A_210 = arith.constant 3 : i32
      %dma_wait3A_211 = arith.constant 0 : i32
      %dma_wait3A_212 = tpu.memref_slice %arg7[%dma_wait3A_210, %dma_wait3A_211] : memref<16x128xi32, #tpu.memory_space<vmem>> -> memref<1x128xi32, #tpu.memory_space<vmem>>
      %dma_wait3A_213 = tpu.memref_squeeze %dma_wait3A_212 : memref<1x128xi32, #tpu.memory_space<vmem>> -> memref<128xi32, #tpu.memory_space<vmem>>
      %dma_wait3A_214 = arith.constant 0 : i32
      %dma_wait3A_215 = arith.constant 0 : i32
      %dma_wait3A_216 = tpu.memref_slice %arg2[%dma_wait3A_214, %dma_wait3A_215] : memref<20000x128xf32, #tpu.memory_space<hbm>> -> memref<20000x128xf32, #tpu.memory_space<hbm>>
      tpu.wait_indirect_dma semaphore(%arg13 : memref<!tpu.dma_semaphore, #tpu.memory_space<semaphore_mem>>) src(%dma_wait3A_216 : memref<20000x128xf32, #tpu.memory_space<hbm>>) dst(%arg10 : memref<128x128xf32, #tpu.memory_space<vmem>>)
      %dma_start3A_217 = arith.constant 3 : i32
      %dma_start3A_218 = arith.constant 0 : i32
      %dma_start3A_219 = tpu.memref_slice %arg8[%dma_start3A_217, %dma_start3A_218] : memref<16x128xi32, #tpu.memory_space<vmem>> -> memref<1x128xi32, #tpu.memory_space<vmem>>
      %dma_start3A_220 = tpu.memref_squeeze %dma_start3A_219 : memref<1x128xi32, #tpu.memory_space<vmem>> -> memref<128xi32, #tpu.memory_space<vmem>>
      %dma_start3A_221 = arith.constant 0 : i32
      %dma_start3A_222 = arith.constant 0 : i32
      %dma_start3A_223 = tpu.memref_slice %arg11[%dma_start3A_221, %dma_start3A_222] : memref<10240x128xf32, #tpu.memory_space<vmem_shared>> -> memref<10240x128xf32, #tpu.memory_space<vmem_shared>>
      tpu.enqueue_indirect_dma source(%arg10 : memref<128x128xf32, #tpu.memory_space<vmem>>) target(%dma_start3A_223 : memref<10240x128xf32, #tpu.memory_space<vmem_shared>>) offsets(%dma_start3A_220 : memref<128xi32, #tpu.memory_space<vmem>>) semaphore(%arg15 : memref<!tpu.dma_semaphore, #tpu.memory_space<semaphore_mem>>) {add = true}
      %dma_wait3A_224 = arith.constant 3 : i32
      %dma_wait3A_225 = arith.constant 0 : i32
      %dma_wait3A_226 = tpu.memref_slice %arg8[%dma_wait3A_224, %dma_wait3A_225] : memref<16x128xi32, #tpu.memory_space<vmem>> -> memref<1x128xi32, #tpu.memory_space<vmem>>
      %dma_wait3A_227 = tpu.memref_squeeze %dma_wait3A_226 : memref<1x128xi32, #tpu.memory_space<vmem>> -> memref<128xi32, #tpu.memory_space<vmem>>
      %dma_wait3A_228 = arith.constant 0 : i32
      %dma_wait3A_229 = arith.constant 0 : i32
      %dma_wait3A_230 = tpu.memref_slice %arg11[%dma_wait3A_228, %dma_wait3A_229] : memref<10240x128xf32, #tpu.memory_space<vmem_shared>> -> memref<10240x128xf32, #tpu.memory_space<vmem_shared>>
      tpu.wait_indirect_dma semaphore(%arg15 : memref<!tpu.dma_semaphore, #tpu.memory_space<semaphore_mem>>) src(%arg10 : memref<128x128xf32, #tpu.memory_space<vmem>>) dst(%dma_wait3A_230 : memref<10240x128xf32, #tpu.memory_space<vmem_shared>>)
      %dma_start3A_231 = arith.constant 5 : i32
      %dma_start3A_232 = arith.constant 0 : i32
      %dma_start3A_233 = tpu.memref_slice %arg7[%dma_start3A_231, %dma_start3A_232] : memref<16x128xi32, #tpu.memory_space<vmem>> -> memref<1x128xi32, #tpu.memory_space<vmem>>
      %dma_start3A_234 = tpu.memref_squeeze %dma_start3A_233 : memref<1x128xi32, #tpu.memory_space<vmem>> -> memref<128xi32, #tpu.memory_space<vmem>>
      %dma_start3A_235 = arith.constant 0 : i32
      %dma_start3A_236 = arith.constant 0 : i32
      %dma_start3A_237 = tpu.memref_slice %arg2[%dma_start3A_235, %dma_start3A_236] : memref<20000x128xf32, #tpu.memory_space<hbm>> -> memref<20000x128xf32, #tpu.memory_space<hbm>>
      tpu.enqueue_indirect_dma source(%dma_start3A_237 : memref<20000x128xf32, #tpu.memory_space<hbm>>) target(%arg10 : memref<128x128xf32, #tpu.memory_space<vmem>>) offsets(%dma_start3A_234 : memref<128xi32, #tpu.memory_space<vmem>>) semaphore(%arg13 : memref<!tpu.dma_semaphore, #tpu.memory_space<semaphore_mem>>)
      %dma_wait3A_238 = arith.constant 4 : i32
      %dma_wait3A_239 = arith.constant 0 : i32
      %dma_wait3A_240 = tpu.memref_slice %arg7[%dma_wait3A_238, %dma_wait3A_239] : memref<16x128xi32, #tpu.memory_space<vmem>> -> memref<1x128xi32, #tpu.memory_space<vmem>>
      %dma_wait3A_241 = tpu.memref_squeeze %dma_wait3A_240 : memref<1x128xi32, #tpu.memory_space<vmem>> -> memref<128xi32, #tpu.memory_space<vmem>>
      %dma_wait3A_242 = arith.constant 0 : i32
      %dma_wait3A_243 = arith.constant 0 : i32
      %dma_wait3A_244 = tpu.memref_slice %arg2[%dma_wait3A_242, %dma_wait3A_243] : memref<20000x128xf32, #tpu.memory_space<hbm>> -> memref<20000x128xf32, #tpu.memory_space<hbm>>
      tpu.wait_indirect_dma semaphore(%arg12 : memref<!tpu.dma_semaphore, #tpu.memory_space<semaphore_mem>>) src(%dma_wait3A_244 : memref<20000x128xf32, #tpu.memory_space<hbm>>) dst(%arg9 : memref<128x128xf32, #tpu.memory_space<vmem>>)
      %dma_start3A_245 = arith.constant 4 : i32
      %dma_start3A_246 = arith.constant 0 : i32
      %dma_start3A_247 = tpu.memref_slice %arg8[%dma_start3A_245, %dma_start3A_246] : memref<16x128xi32, #tpu.memory_space<vmem>> -> memref<1x128xi32, #tpu.memory_space<vmem>>
      %dma_start3A_248 = tpu.memref_squeeze %dma_start3A_247 : memref<1x128xi32, #tpu.memory_space<vmem>> -> memref<128xi32, #tpu.memory_space<vmem>>
      %dma_start3A_249 = arith.constant 0 : i32
      %dma_start3A_250 = arith.constant 0 : i32
      %dma_start3A_251 = tpu.memref_slice %arg11[%dma_start3A_249, %dma_start3A_250] : memref<10240x128xf32, #tpu.memory_space<vmem_shared>> -> memref<10240x128xf32, #tpu.memory_space<vmem_shared>>
      tpu.enqueue_indirect_dma source(%arg9 : memref<128x128xf32, #tpu.memory_space<vmem>>) target(%dma_start3A_251 : memref<10240x128xf32, #tpu.memory_space<vmem_shared>>) offsets(%dma_start3A_248 : memref<128xi32, #tpu.memory_space<vmem>>) semaphore(%arg14 : memref<!tpu.dma_semaphore, #tpu.memory_space<semaphore_mem>>) {add = true}
      %dma_wait3A_252 = arith.constant 4 : i32
      %dma_wait3A_253 = arith.constant 0 : i32
      %dma_wait3A_254 = tpu.memref_slice %arg8[%dma_wait3A_252, %dma_wait3A_253] : memref<16x128xi32, #tpu.memory_space<vmem>> -> memref<1x128xi32, #tpu.memory_space<vmem>>
      %dma_wait3A_255 = tpu.memref_squeeze %dma_wait3A_254 : memref<1x128xi32, #tpu.memory_space<vmem>> -> memref<128xi32, #tpu.memory_space<vmem>>
      %dma_wait3A_256 = arith.constant 0 : i32
      %dma_wait3A_257 = arith.constant 0 : i32
      %dma_wait3A_258 = tpu.memref_slice %arg11[%dma_wait3A_256, %dma_wait3A_257] : memref<10240x128xf32, #tpu.memory_space<vmem_shared>> -> memref<10240x128xf32, #tpu.memory_space<vmem_shared>>
      tpu.wait_indirect_dma semaphore(%arg14 : memref<!tpu.dma_semaphore, #tpu.memory_space<semaphore_mem>>) src(%arg9 : memref<128x128xf32, #tpu.memory_space<vmem>>) dst(%dma_wait3A_258 : memref<10240x128xf32, #tpu.memory_space<vmem_shared>>)
      %dma_start3A_259 = arith.constant 6 : i32
      %dma_start3A_260 = arith.constant 0 : i32
      %dma_start3A_261 = tpu.memref_slice %arg7[%dma_start3A_259, %dma_start3A_260] : memref<16x128xi32, #tpu.memory_space<vmem>> -> memref<1x128xi32, #tpu.memory_space<vmem>>
      %dma_start3A_262 = tpu.memref_squeeze %dma_start3A_261 : memref<1x128xi32, #tpu.memory_space<vmem>> -> memref<128xi32, #tpu.memory_space<vmem>>
      %dma_start3A_263 = arith.constant 0 : i32
      %dma_start3A_264 = arith.constant 0 : i32
      %dma_start3A_265 = tpu.memref_slice %arg2[%dma_start3A_263, %dma_start3A_264] : memref<20000x128xf32, #tpu.memory_space<hbm>> -> memref<20000x128xf32, #tpu.memory_space<hbm>>
      tpu.enqueue_indirect_dma source(%dma_start3A_265 : memref<20000x128xf32, #tpu.memory_space<hbm>>) target(%arg9 : memref<128x128xf32, #tpu.memory_space<vmem>>) offsets(%dma_start3A_262 : memref<128xi32, #tpu.memory_space<vmem>>) semaphore(%arg12 : memref<!tpu.dma_semaphore, #tpu.memory_space<semaphore_mem>>)
      %dma_wait3A_266 = arith.constant 5 : i32
      %dma_wait3A_267 = arith.constant 0 : i32
      %dma_wait3A_268 = tpu.memref_slice %arg7[%dma_wait3A_266, %dma_wait3A_267] : memref<16x128xi32, #tpu.memory_space<vmem>> -> memref<1x128xi32, #tpu.memory_space<vmem>>
      %dma_wait3A_269 = tpu.memref_squeeze %dma_wait3A_268 : memref<1x128xi32, #tpu.memory_space<vmem>> -> memref<128xi32, #tpu.memory_space<vmem>>
      %dma_wait3A_270 = arith.constant 0 : i32
      %dma_wait3A_271 = arith.constant 0 : i32
      %dma_wait3A_272 = tpu.memref_slice %arg2[%dma_wait3A_270, %dma_wait3A_271] : memref<20000x128xf32, #tpu.memory_space<hbm>> -> memref<20000x128xf32, #tpu.memory_space<hbm>>
      tpu.wait_indirect_dma semaphore(%arg13 : memref<!tpu.dma_semaphore, #tpu.memory_space<semaphore_mem>>) src(%dma_wait3A_272 : memref<20000x128xf32, #tpu.memory_space<hbm>>) dst(%arg10 : memref<128x128xf32, #tpu.memory_space<vmem>>)
      %dma_start3A_273 = arith.constant 5 : i32
      %dma_start3A_274 = arith.constant 0 : i32
      %dma_start3A_275 = tpu.memref_slice %arg8[%dma_start3A_273, %dma_start3A_274] : memref<16x128xi32, #tpu.memory_space<vmem>> -> memref<1x128xi32, #tpu.memory_space<vmem>>
      %dma_start3A_276 = tpu.memref_squeeze %dma_start3A_275 : memref<1x128xi32, #tpu.memory_space<vmem>> -> memref<128xi32, #tpu.memory_space<vmem>>
      %dma_start3A_277 = arith.constant 0 : i32
      %dma_start3A_278 = arith.constant 0 : i32
      %dma_start3A_279 = tpu.memref_slice %arg11[%dma_start3A_277, %dma_start3A_278] : memref<10240x128xf32, #tpu.memory_space<vmem_shared>> -> memref<10240x128xf32, #tpu.memory_space<vmem_shared>>
      tpu.enqueue_indirect_dma source(%arg10 : memref<128x128xf32, #tpu.memory_space<vmem>>) target(%dma_start3A_279 : memref<10240x128xf32, #tpu.memory_space<vmem_shared>>) offsets(%dma_start3A_276 : memref<128xi32, #tpu.memory_space<vmem>>) semaphore(%arg15 : memref<!tpu.dma_semaphore, #tpu.memory_space<semaphore_mem>>) {add = true}
      %dma_wait3A_280 = arith.constant 5 : i32
      %dma_wait3A_281 = arith.constant 0 : i32
      %dma_wait3A_282 = tpu.memref_slice %arg8[%dma_wait3A_280, %dma_wait3A_281] : memref<16x128xi32, #tpu.memory_space<vmem>> -> memref<1x128xi32, #tpu.memory_space<vmem>>
      %dma_wait3A_283 = tpu.memref_squeeze %dma_wait3A_282 : memref<1x128xi32, #tpu.memory_space<vmem>> -> memref<128xi32, #tpu.memory_space<vmem>>
      %dma_wait3A_284 = arith.constant 0 : i32
      %dma_wait3A_285 = arith.constant 0 : i32
      %dma_wait3A_286 = tpu.memref_slice %arg11[%dma_wait3A_284, %dma_wait3A_285] : memref<10240x128xf32, #tpu.memory_space<vmem_shared>> -> memref<10240x128xf32, #tpu.memory_space<vmem_shared>>
      tpu.wait_indirect_dma semaphore(%arg15 : memref<!tpu.dma_semaphore, #tpu.memory_space<semaphore_mem>>) src(%arg10 : memref<128x128xf32, #tpu.memory_space<vmem>>) dst(%dma_wait3A_286 : memref<10240x128xf32, #tpu.memory_space<vmem_shared>>)
      %dma_start3A_287 = arith.constant 7 : i32
      %dma_start3A_288 = arith.constant 0 : i32
      %dma_start3A_289 = tpu.memref_slice %arg7[%dma_start3A_287, %dma_start3A_288] : memref<16x128xi32, #tpu.memory_space<vmem>> -> memref<1x128xi32, #tpu.memory_space<vmem>>
      %dma_start3A_290 = tpu.memref_squeeze %dma_start3A_289 : memref<1x128xi32, #tpu.memory_space<vmem>> -> memref<128xi32, #tpu.memory_space<vmem>>
      %dma_start3A_291 = arith.constant 0 : i32
      %dma_start3A_292 = arith.constant 0 : i32
      %dma_start3A_293 = tpu.memref_slice %arg2[%dma_start3A_291, %dma_start3A_292] : memref<20000x128xf32, #tpu.memory_space<hbm>> -> memref<20000x128xf32, #tpu.memory_space<hbm>>
      tpu.enqueue_indirect_dma source(%dma_start3A_293 : memref<20000x128xf32, #tpu.memory_space<hbm>>) target(%arg10 : memref<128x128xf32, #tpu.memory_space<vmem>>) offsets(%dma_start3A_290 : memref<128xi32, #tpu.memory_space<vmem>>) semaphore(%arg13 : memref<!tpu.dma_semaphore, #tpu.memory_space<semaphore_mem>>)
      %dma_wait3A_294 = arith.constant 6 : i32
      %dma_wait3A_295 = arith.constant 0 : i32
      %dma_wait3A_296 = tpu.memref_slice %arg7[%dma_wait3A_294, %dma_wait3A_295] : memref<16x128xi32, #tpu.memory_space<vmem>> -> memref<1x128xi32, #tpu.memory_space<vmem>>
      %dma_wait3A_297 = tpu.memref_squeeze %dma_wait3A_296 : memref<1x128xi32, #tpu.memory_space<vmem>> -> memref<128xi32, #tpu.memory_space<vmem>>
      %dma_wait3A_298 = arith.constant 0 : i32
      %dma_wait3A_299 = arith.constant 0 : i32
      %dma_wait3A_300 = tpu.memref_slice %arg2[%dma_wait3A_298, %dma_wait3A_299] : memref<20000x128xf32, #tpu.memory_space<hbm>> -> memref<20000x128xf32, #tpu.memory_space<hbm>>
      tpu.wait_indirect_dma semaphore(%arg12 : memref<!tpu.dma_semaphore, #tpu.memory_space<semaphore_mem>>) src(%dma_wait3A_300 : memref<20000x128xf32, #tpu.memory_space<hbm>>) dst(%arg9 : memref<128x128xf32, #tpu.memory_space<vmem>>)
      %dma_start3A_301 = arith.constant 6 : i32
      %dma_start3A_302 = arith.constant 0 : i32
      %dma_start3A_303 = tpu.memref_slice %arg8[%dma_start3A_301, %dma_start3A_302] : memref<16x128xi32, #tpu.memory_space<vmem>> -> memref<1x128xi32, #tpu.memory_space<vmem>>
      %dma_start3A_304 = tpu.memref_squeeze %dma_start3A_303 : memref<1x128xi32, #tpu.memory_space<vmem>> -> memref<128xi32, #tpu.memory_space<vmem>>
      %dma_start3A_305 = arith.constant 0 : i32
      %dma_start3A_306 = arith.constant 0 : i32
      %dma_start3A_307 = tpu.memref_slice %arg11[%dma_start3A_305, %dma_start3A_306] : memref<10240x128xf32, #tpu.memory_space<vmem_shared>> -> memref<10240x128xf32, #tpu.memory_space<vmem_shared>>
      tpu.enqueue_indirect_dma source(%arg9 : memref<128x128xf32, #tpu.memory_space<vmem>>) target(%dma_start3A_307 : memref<10240x128xf32, #tpu.memory_space<vmem_shared>>) offsets(%dma_start3A_304 : memref<128xi32, #tpu.memory_space<vmem>>) semaphore(%arg14 : memref<!tpu.dma_semaphore, #tpu.memory_space<semaphore_mem>>) {add = true}
      %dma_wait3A_308 = arith.constant 6 : i32
      %dma_wait3A_309 = arith.constant 0 : i32
      %dma_wait3A_310 = tpu.memref_slice %arg8[%dma_wait3A_308, %dma_wait3A_309] : memref<16x128xi32, #tpu.memory_space<vmem>> -> memref<1x128xi32, #tpu.memory_space<vmem>>
      %dma_wait3A_311 = tpu.memref_squeeze %dma_wait3A_310 : memref<1x128xi32, #tpu.memory_space<vmem>> -> memref<128xi32, #tpu.memory_space<vmem>>
      %dma_wait3A_312 = arith.constant 0 : i32
      %dma_wait3A_313 = arith.constant 0 : i32
      %dma_wait3A_314 = tpu.memref_slice %arg11[%dma_wait3A_312, %dma_wait3A_313] : memref<10240x128xf32, #tpu.memory_space<vmem_shared>> -> memref<10240x128xf32, #tpu.memory_space<vmem_shared>>
      tpu.wait_indirect_dma semaphore(%arg14 : memref<!tpu.dma_semaphore, #tpu.memory_space<semaphore_mem>>) src(%arg9 : memref<128x128xf32, #tpu.memory_space<vmem>>) dst(%dma_wait3A_314 : memref<10240x128xf32, #tpu.memory_space<vmem_shared>>)
      %dma_start3A_315 = arith.constant 8 : i32
      %dma_start3A_316 = arith.constant 0 : i32
      %dma_start3A_317 = tpu.memref_slice %arg7[%dma_start3A_315, %dma_start3A_316] : memref<16x128xi32, #tpu.memory_space<vmem>> -> memref<1x128xi32, #tpu.memory_space<vmem>>
      %dma_start3A_318 = tpu.memref_squeeze %dma_start3A_317 : memref<1x128xi32, #tpu.memory_space<vmem>> -> memref<128xi32, #tpu.memory_space<vmem>>
      %dma_start3A_319 = arith.constant 0 : i32
      %dma_start3A_320 = arith.constant 0 : i32
      %dma_start3A_321 = tpu.memref_slice %arg2[%dma_start3A_319, %dma_start3A_320] : memref<20000x128xf32, #tpu.memory_space<hbm>> -> memref<20000x128xf32, #tpu.memory_space<hbm>>
      tpu.enqueue_indirect_dma source(%dma_start3A_321 : memref<20000x128xf32, #tpu.memory_space<hbm>>) target(%arg9 : memref<128x128xf32, #tpu.memory_space<vmem>>) offsets(%dma_start3A_318 : memref<128xi32, #tpu.memory_space<vmem>>) semaphore(%arg12 : memref<!tpu.dma_semaphore, #tpu.memory_space<semaphore_mem>>)
      %dma_wait3A_322 = arith.constant 7 : i32
      %dma_wait3A_323 = arith.constant 0 : i32
      %dma_wait3A_324 = tpu.memref_slice %arg7[%dma_wait3A_322, %dma_wait3A_323] : memref<16x128xi32, #tpu.memory_space<vmem>> -> memref<1x128xi32, #tpu.memory_space<vmem>>
      %dma_wait3A_325 = tpu.memref_squeeze %dma_wait3A_324 : memref<1x128xi32, #tpu.memory_space<vmem>> -> memref<128xi32, #tpu.memory_space<vmem>>
      %dma_wait3A_326 = arith.constant 0 : i32
      %dma_wait3A_327 = arith.constant 0 : i32
      %dma_wait3A_328 = tpu.memref_slice %arg2[%dma_wait3A_326, %dma_wait3A_327] : memref<20000x128xf32, #tpu.memory_space<hbm>> -> memref<20000x128xf32, #tpu.memory_space<hbm>>
      tpu.wait_indirect_dma semaphore(%arg13 : memref<!tpu.dma_semaphore, #tpu.memory_space<semaphore_mem>>) src(%dma_wait3A_328 : memref<20000x128xf32, #tpu.memory_space<hbm>>) dst(%arg10 : memref<128x128xf32, #tpu.memory_space<vmem>>)
      %dma_start3A_329 = arith.constant 7 : i32
      %dma_start3A_330 = arith.constant 0 : i32
      %dma_start3A_331 = tpu.memref_slice %arg8[%dma_start3A_329, %dma_start3A_330] : memref<16x128xi32, #tpu.memory_space<vmem>> -> memref<1x128xi32, #tpu.memory_space<vmem>>
      %dma_start3A_332 = tpu.memref_squeeze %dma_start3A_331 : memref<1x128xi32, #tpu.memory_space<vmem>> -> memref<128xi32, #tpu.memory_space<vmem>>
      %dma_start3A_333 = arith.constant 0 : i32
      %dma_start3A_334 = arith.constant 0 : i32
      %dma_start3A_335 = tpu.memref_slice %arg11[%dma_start3A_333, %dma_start3A_334] : memref<10240x128xf32, #tpu.memory_space<vmem_shared>> -> memref<10240x128xf32, #tpu.memory_space<vmem_shared>>
      tpu.enqueue_indirect_dma source(%arg10 : memref<128x128xf32, #tpu.memory_space<vmem>>) target(%dma_start3A_335 : memref<10240x128xf32, #tpu.memory_space<vmem_shared>>) offsets(%dma_start3A_332 : memref<128xi32, #tpu.memory_space<vmem>>) semaphore(%arg15 : memref<!tpu.dma_semaphore, #tpu.memory_space<semaphore_mem>>) {add = true}
      %dma_wait3A_336 = arith.constant 7 : i32
      %dma_wait3A_337 = arith.constant 0 : i32
      %dma_wait3A_338 = tpu.memref_slice %arg8[%dma_wait3A_336, %dma_wait3A_337] : memref<16x128xi32, #tpu.memory_space<vmem>> -> memref<1x128xi32, #tpu.memory_space<vmem>>
      %dma_wait3A_339 = tpu.memref_squeeze %dma_wait3A_338 : memref<1x128xi32, #tpu.memory_space<vmem>> -> memref<128xi32, #tpu.memory_space<vmem>>
      %dma_wait3A_340 = arith.constant 0 : i32
      %dma_wait3A_341 = arith.constant 0 : i32
      %dma_wait3A_342 = tpu.memref_slice %arg11[%dma_wait3A_340, %dma_wait3A_341] : memref<10240x128xf32, #tpu.memory_space<vmem_shared>> -> memref<10240x128xf32, #tpu.memory_space<vmem_shared>>
      tpu.wait_indirect_dma semaphore(%arg15 : memref<!tpu.dma_semaphore, #tpu.memory_space<semaphore_mem>>) src(%arg10 : memref<128x128xf32, #tpu.memory_space<vmem>>) dst(%dma_wait3A_342 : memref<10240x128xf32, #tpu.memory_space<vmem_shared>>)
      %dma_start3A_343 = arith.constant 9 : i32
      %dma_start3A_344 = arith.constant 0 : i32
      %dma_start3A_345 = tpu.memref_slice %arg7[%dma_start3A_343, %dma_start3A_344] : memref<16x128xi32, #tpu.memory_space<vmem>> -> memref<1x128xi32, #tpu.memory_space<vmem>>
      %dma_start3A_346 = tpu.memref_squeeze %dma_start3A_345 : memref<1x128xi32, #tpu.memory_space<vmem>> -> memref<128xi32, #tpu.memory_space<vmem>>
      %dma_start3A_347 = arith.constant 0 : i32
      %dma_start3A_348 = arith.constant 0 : i32
      %dma_start3A_349 = tpu.memref_slice %arg2[%dma_start3A_347, %dma_start3A_348] : memref<20000x128xf32, #tpu.memory_space<hbm>> -> memref<20000x128xf32, #tpu.memory_space<hbm>>
      tpu.enqueue_indirect_dma source(%dma_start3A_349 : memref<20000x128xf32, #tpu.memory_space<hbm>>) target(%arg10 : memref<128x128xf32, #tpu.memory_space<vmem>>) offsets(%dma_start3A_346 : memref<128xi32, #tpu.memory_space<vmem>>) semaphore(%arg13 : memref<!tpu.dma_semaphore, #tpu.memory_space<semaphore_mem>>)
      %dma_wait3A_350 = arith.constant 8 : i32
      %dma_wait3A_351 = arith.constant 0 : i32
      %dma_wait3A_352 = tpu.memref_slice %arg7[%dma_wait3A_350, %dma_wait3A_351] : memref<16x128xi32, #tpu.memory_space<vmem>> -> memref<1x128xi32, #tpu.memory_space<vmem>>
      %dma_wait3A_353 = tpu.memref_squeeze %dma_wait3A_352 : memref<1x128xi32, #tpu.memory_space<vmem>> -> memref<128xi32, #tpu.memory_space<vmem>>
      %dma_wait3A_354 = arith.constant 0 : i32
      %dma_wait3A_355 = arith.constant 0 : i32
      %dma_wait3A_356 = tpu.memref_slice %arg2[%dma_wait3A_354, %dma_wait3A_355] : memref<20000x128xf32, #tpu.memory_space<hbm>> -> memref<20000x128xf32, #tpu.memory_space<hbm>>
      tpu.wait_indirect_dma semaphore(%arg12 : memref<!tpu.dma_semaphore, #tpu.memory_space<semaphore_mem>>) src(%dma_wait3A_356 : memref<20000x128xf32, #tpu.memory_space<hbm>>) dst(%arg9 : memref<128x128xf32, #tpu.memory_space<vmem>>)
      %dma_start3A_357 = arith.constant 8 : i32
      %dma_start3A_358 = arith.constant 0 : i32
      %dma_start3A_359 = tpu.memref_slice %arg8[%dma_start3A_357, %dma_start3A_358] : memref<16x128xi32, #tpu.memory_space<vmem>> -> memref<1x128xi32, #tpu.memory_space<vmem>>
      %dma_start3A_360 = tpu.memref_squeeze %dma_start3A_359 : memref<1x128xi32, #tpu.memory_space<vmem>> -> memref<128xi32, #tpu.memory_space<vmem>>
      %dma_start3A_361 = arith.constant 0 : i32
      %dma_start3A_362 = arith.constant 0 : i32
      %dma_start3A_363 = tpu.memref_slice %arg11[%dma_start3A_361, %dma_start3A_362] : memref<10240x128xf32, #tpu.memory_space<vmem_shared>> -> memref<10240x128xf32, #tpu.memory_space<vmem_shared>>
      tpu.enqueue_indirect_dma source(%arg9 : memref<128x128xf32, #tpu.memory_space<vmem>>) target(%dma_start3A_363 : memref<10240x128xf32, #tpu.memory_space<vmem_shared>>) offsets(%dma_start3A_360 : memref<128xi32, #tpu.memory_space<vmem>>) semaphore(%arg14 : memref<!tpu.dma_semaphore, #tpu.memory_space<semaphore_mem>>) {add = true}
      %dma_wait3A_364 = arith.constant 8 : i32
      %dma_wait3A_365 = arith.constant 0 : i32
      %dma_wait3A_366 = tpu.memref_slice %arg8[%dma_wait3A_364, %dma_wait3A_365] : memref<16x128xi32, #tpu.memory_space<vmem>> -> memref<1x128xi32, #tpu.memory_space<vmem>>
      %dma_wait3A_367 = tpu.memref_squeeze %dma_wait3A_366 : memref<1x128xi32, #tpu.memory_space<vmem>> -> memref<128xi32, #tpu.memory_space<vmem>>
      %dma_wait3A_368 = arith.constant 0 : i32
      %dma_wait3A_369 = arith.constant 0 : i32
      %dma_wait3A_370 = tpu.memref_slice %arg11[%dma_wait3A_368, %dma_wait3A_369] : memref<10240x128xf32, #tpu.memory_space<vmem_shared>> -> memref<10240x128xf32, #tpu.memory_space<vmem_shared>>
      tpu.wait_indirect_dma semaphore(%arg14 : memref<!tpu.dma_semaphore, #tpu.memory_space<semaphore_mem>>) src(%arg9 : memref<128x128xf32, #tpu.memory_space<vmem>>) dst(%dma_wait3A_370 : memref<10240x128xf32, #tpu.memory_space<vmem_shared>>)
      %dma_start3A_371 = arith.constant 10 : i32
      %dma_start3A_372 = arith.constant 0 : i32
      %dma_start3A_373 = tpu.memref_slice %arg7[%dma_start3A_371, %dma_start3A_372] : memref<16x128xi32, #tpu.memory_space<vmem>> -> memref<1x128xi32, #tpu.memory_space<vmem>>
      %dma_start3A_374 = tpu.memref_squeeze %dma_start3A_373 : memref<1x128xi32, #tpu.memory_space<vmem>> -> memref<128xi32, #tpu.memory_space<vmem>>
      %dma_start3A_375 = arith.constant 0 : i32
      %dma_start3A_376 = arith.constant 0 : i32
      %dma_start3A_377 = tpu.memref_slice %arg2[%dma_start3A_375, %dma_start3A_376] : memref<20000x128xf32, #tpu.memory_space<hbm>> -> memref<20000x128xf32, #tpu.memory_space<hbm>>
      tpu.enqueue_indirect_dma source(%dma_start3A_377 : memref<20000x128xf32, #tpu.memory_space<hbm>>) target(%arg9 : memref<128x128xf32, #tpu.memory_space<vmem>>) offsets(%dma_start3A_374 : memref<128xi32, #tpu.memory_space<vmem>>) semaphore(%arg12 : memref<!tpu.dma_semaphore, #tpu.memory_space<semaphore_mem>>)
      %dma_wait3A_378 = arith.constant 9 : i32
      %dma_wait3A_379 = arith.constant 0 : i32
      %dma_wait3A_380 = tpu.memref_slice %arg7[%dma_wait3A_378, %dma_wait3A_379] : memref<16x128xi32, #tpu.memory_space<vmem>> -> memref<1x128xi32, #tpu.memory_space<vmem>>
      %dma_wait3A_381 = tpu.memref_squeeze %dma_wait3A_380 : memref<1x128xi32, #tpu.memory_space<vmem>> -> memref<128xi32, #tpu.memory_space<vmem>>
      %dma_wait3A_382 = arith.constant 0 : i32
      %dma_wait3A_383 = arith.constant 0 : i32
      %dma_wait3A_384 = tpu.memref_slice %arg2[%dma_wait3A_382, %dma_wait3A_383] : memref<20000x128xf32, #tpu.memory_space<hbm>> -> memref<20000x128xf32, #tpu.memory_space<hbm>>
      tpu.wait_indirect_dma semaphore(%arg13 : memref<!tpu.dma_semaphore, #tpu.memory_space<semaphore_mem>>) src(%dma_wait3A_384 : memref<20000x128xf32, #tpu.memory_space<hbm>>) dst(%arg10 : memref<128x128xf32, #tpu.memory_space<vmem>>)
      %dma_start3A_385 = arith.constant 9 : i32
      %dma_start3A_386 = arith.constant 0 : i32
      %dma_start3A_387 = tpu.memref_slice %arg8[%dma_start3A_385, %dma_start3A_386] : memref<16x128xi32, #tpu.memory_space<vmem>> -> memref<1x128xi32, #tpu.memory_space<vmem>>
      %dma_start3A_388 = tpu.memref_squeeze %dma_start3A_387 : memref<1x128xi32, #tpu.memory_space<vmem>> -> memref<128xi32, #tpu.memory_space<vmem>>
      %dma_start3A_389 = arith.constant 0 : i32
      %dma_start3A_390 = arith.constant 0 : i32
      %dma_start3A_391 = tpu.memref_slice %arg11[%dma_start3A_389, %dma_start3A_390] : memref<10240x128xf32, #tpu.memory_space<vmem_shared>> -> memref<10240x128xf32, #tpu.memory_space<vmem_shared>>
      tpu.enqueue_indirect_dma source(%arg10 : memref<128x128xf32, #tpu.memory_space<vmem>>) target(%dma_start3A_391 : memref<10240x128xf32, #tpu.memory_space<vmem_shared>>) offsets(%dma_start3A_388 : memref<128xi32, #tpu.memory_space<vmem>>) semaphore(%arg15 : memref<!tpu.dma_semaphore, #tpu.memory_space<semaphore_mem>>) {add = true}
      %dma_wait3A_392 = arith.constant 9 : i32
      %dma_wait3A_393 = arith.constant 0 : i32
      %dma_wait3A_394 = tpu.memref_slice %arg8[%dma_wait3A_392, %dma_wait3A_393] : memref<16x128xi32, #tpu.memory_space<vmem>> -> memref<1x128xi32, #tpu.memory_space<vmem>>
      %dma_wait3A_395 = tpu.memref_squeeze %dma_wait3A_394 : memref<1x128xi32, #tpu.memory_space<vmem>> -> memref<128xi32, #tpu.memory_space<vmem>>
      %dma_wait3A_396 = arith.constant 0 : i32
      %dma_wait3A_397 = arith.constant 0 : i32
      %dma_wait3A_398 = tpu.memref_slice %arg11[%dma_wait3A_396, %dma_wait3A_397] : memref<10240x128xf32, #tpu.memory_space<vmem_shared>> -> memref<10240x128xf32, #tpu.memory_space<vmem_shared>>
      tpu.wait_indirect_dma semaphore(%arg15 : memref<!tpu.dma_semaphore, #tpu.memory_space<semaphore_mem>>) src(%arg10 : memref<128x128xf32, #tpu.memory_space<vmem>>) dst(%dma_wait3A_398 : memref<10240x128xf32, #tpu.memory_space<vmem_shared>>)
      %dma_start3A_399 = arith.constant 11 : i32
      %dma_start3A_400 = arith.constant 0 : i32
      %dma_start3A_401 = tpu.memref_slice %arg7[%dma_start3A_399, %dma_start3A_400] : memref<16x128xi32, #tpu.memory_space<vmem>> -> memref<1x128xi32, #tpu.memory_space<vmem>>
      %dma_start3A_402 = tpu.memref_squeeze %dma_start3A_401 : memref<1x128xi32, #tpu.memory_space<vmem>> -> memref<128xi32, #tpu.memory_space<vmem>>
      %dma_start3A_403 = arith.constant 0 : i32
      %dma_start3A_404 = arith.constant 0 : i32
      %dma_start3A_405 = tpu.memref_slice %arg2[%dma_start3A_403, %dma_start3A_404] : memref<20000x128xf32, #tpu.memory_space<hbm>> -> memref<20000x128xf32, #tpu.memory_space<hbm>>
      tpu.enqueue_indirect_dma source(%dma_start3A_405 : memref<20000x128xf32, #tpu.memory_space<hbm>>) target(%arg10 : memref<128x128xf32, #tpu.memory_space<vmem>>) offsets(%dma_start3A_402 : memref<128xi32, #tpu.memory_space<vmem>>) semaphore(%arg13 : memref<!tpu.dma_semaphore, #tpu.memory_space<semaphore_mem>>)
      %dma_wait3A_406 = arith.constant 10 : i32
      %dma_wait3A_407 = arith.constant 0 : i32
      %dma_wait3A_408 = tpu.memref_slice %arg7[%dma_wait3A_406, %dma_wait3A_407] : memref<16x128xi32, #tpu.memory_space<vmem>> -> memref<1x128xi32, #tpu.memory_space<vmem>>
      %dma_wait3A_409 = tpu.memref_squeeze %dma_wait3A_408 : memref<1x128xi32, #tpu.memory_space<vmem>> -> memref<128xi32, #tpu.memory_space<vmem>>
      %dma_wait3A_410 = arith.constant 0 : i32
      %dma_wait3A_411 = arith.constant 0 : i32
      %dma_wait3A_412 = tpu.memref_slice %arg2[%dma_wait3A_410, %dma_wait3A_411] : memref<20000x128xf32, #tpu.memory_space<hbm>> -> memref<20000x128xf32, #tpu.memory_space<hbm>>
      tpu.wait_indirect_dma semaphore(%arg12 : memref<!tpu.dma_semaphore, #tpu.memory_space<semaphore_mem>>) src(%dma_wait3A_412 : memref<20000x128xf32, #tpu.memory_space<hbm>>) dst(%arg9 : memref<128x128xf32, #tpu.memory_space<vmem>>)
      %dma_start3A_413 = arith.constant 10 : i32
      %dma_start3A_414 = arith.constant 0 : i32
      %dma_start3A_415 = tpu.memref_slice %arg8[%dma_start3A_413, %dma_start3A_414] : memref<16x128xi32, #tpu.memory_space<vmem>> -> memref<1x128xi32, #tpu.memory_space<vmem>>
      %dma_start3A_416 = tpu.memref_squeeze %dma_start3A_415 : memref<1x128xi32, #tpu.memory_space<vmem>> -> memref<128xi32, #tpu.memory_space<vmem>>
      %dma_start3A_417 = arith.constant 0 : i32
      %dma_start3A_418 = arith.constant 0 : i32
      %dma_start3A_419 = tpu.memref_slice %arg11[%dma_start3A_417, %dma_start3A_418] : memref<10240x128xf32, #tpu.memory_space<vmem_shared>> -> memref<10240x128xf32, #tpu.memory_space<vmem_shared>>
      tpu.enqueue_indirect_dma source(%arg9 : memref<128x128xf32, #tpu.memory_space<vmem>>) target(%dma_start3A_419 : memref<10240x128xf32, #tpu.memory_space<vmem_shared>>) offsets(%dma_start3A_416 : memref<128xi32, #tpu.memory_space<vmem>>) semaphore(%arg14 : memref<!tpu.dma_semaphore, #tpu.memory_space<semaphore_mem>>) {add = true}
      %dma_wait3A_420 = arith.constant 10 : i32
      %dma_wait3A_421 = arith.constant 0 : i32
      %dma_wait3A_422 = tpu.memref_slice %arg8[%dma_wait3A_420, %dma_wait3A_421] : memref<16x128xi32, #tpu.memory_space<vmem>> -> memref<1x128xi32, #tpu.memory_space<vmem>>
      %dma_wait3A_423 = tpu.memref_squeeze %dma_wait3A_422 : memref<1x128xi32, #tpu.memory_space<vmem>> -> memref<128xi32, #tpu.memory_space<vmem>>
      %dma_wait3A_424 = arith.constant 0 : i32
      %dma_wait3A_425 = arith.constant 0 : i32
      %dma_wait3A_426 = tpu.memref_slice %arg11[%dma_wait3A_424, %dma_wait3A_425] : memref<10240x128xf32, #tpu.memory_space<vmem_shared>> -> memref<10240x128xf32, #tpu.memory_space<vmem_shared>>
      tpu.wait_indirect_dma semaphore(%arg14 : memref<!tpu.dma_semaphore, #tpu.memory_space<semaphore_mem>>) src(%arg9 : memref<128x128xf32, #tpu.memory_space<vmem>>) dst(%dma_wait3A_426 : memref<10240x128xf32, #tpu.memory_space<vmem_shared>>)
      %dma_start3A_427 = arith.constant 12 : i32
      %dma_start3A_428 = arith.constant 0 : i32
      %dma_start3A_429 = tpu.memref_slice %arg7[%dma_start3A_427, %dma_start3A_428] : memref<16x128xi32, #tpu.memory_space<vmem>> -> memref<1x128xi32, #tpu.memory_space<vmem>>
      %dma_start3A_430 = tpu.memref_squeeze %dma_start3A_429 : memref<1x128xi32, #tpu.memory_space<vmem>> -> memref<128xi32, #tpu.memory_space<vmem>>
      %dma_start3A_431 = arith.constant 0 : i32
      %dma_start3A_432 = arith.constant 0 : i32
      %dma_start3A_433 = tpu.memref_slice %arg2[%dma_start3A_431, %dma_start3A_432] : memref<20000x128xf32, #tpu.memory_space<hbm>> -> memref<20000x128xf32, #tpu.memory_space<hbm>>
      tpu.enqueue_indirect_dma source(%dma_start3A_433 : memref<20000x128xf32, #tpu.memory_space<hbm>>) target(%arg9 : memref<128x128xf32, #tpu.memory_space<vmem>>) offsets(%dma_start3A_430 : memref<128xi32, #tpu.memory_space<vmem>>) semaphore(%arg12 : memref<!tpu.dma_semaphore, #tpu.memory_space<semaphore_mem>>)
      %dma_wait3A_434 = arith.constant 11 : i32
      %dma_wait3A_435 = arith.constant 0 : i32
      %dma_wait3A_436 = tpu.memref_slice %arg7[%dma_wait3A_434, %dma_wait3A_435] : memref<16x128xi32, #tpu.memory_space<vmem>> -> memref<1x128xi32, #tpu.memory_space<vmem>>
      %dma_wait3A_437 = tpu.memref_squeeze %dma_wait3A_436 : memref<1x128xi32, #tpu.memory_space<vmem>> -> memref<128xi32, #tpu.memory_space<vmem>>
      %dma_wait3A_438 = arith.constant 0 : i32
      %dma_wait3A_439 = arith.constant 0 : i32
      %dma_wait3A_440 = tpu.memref_slice %arg2[%dma_wait3A_438, %dma_wait3A_439] : memref<20000x128xf32, #tpu.memory_space<hbm>> -> memref<20000x128xf32, #tpu.memory_space<hbm>>
      tpu.wait_indirect_dma semaphore(%arg13 : memref<!tpu.dma_semaphore, #tpu.memory_space<semaphore_mem>>) src(%dma_wait3A_440 : memref<20000x128xf32, #tpu.memory_space<hbm>>) dst(%arg10 : memref<128x128xf32, #tpu.memory_space<vmem>>)
      %dma_start3A_441 = arith.constant 11 : i32
      %dma_start3A_442 = arith.constant 0 : i32
      %dma_start3A_443 = tpu.memref_slice %arg8[%dma_start3A_441, %dma_start3A_442] : memref<16x128xi32, #tpu.memory_space<vmem>> -> memref<1x128xi32, #tpu.memory_space<vmem>>
      %dma_start3A_444 = tpu.memref_squeeze %dma_start3A_443 : memref<1x128xi32, #tpu.memory_space<vmem>> -> memref<128xi32, #tpu.memory_space<vmem>>
      %dma_start3A_445 = arith.constant 0 : i32
      %dma_start3A_446 = arith.constant 0 : i32
      %dma_start3A_447 = tpu.memref_slice %arg11[%dma_start3A_445, %dma_start3A_446] : memref<10240x128xf32, #tpu.memory_space<vmem_shared>> -> memref<10240x128xf32, #tpu.memory_space<vmem_shared>>
      tpu.enqueue_indirect_dma source(%arg10 : memref<128x128xf32, #tpu.memory_space<vmem>>) target(%dma_start3A_447 : memref<10240x128xf32, #tpu.memory_space<vmem_shared>>) offsets(%dma_start3A_444 : memref<128xi32, #tpu.memory_space<vmem>>) semaphore(%arg15 : memref<!tpu.dma_semaphore, #tpu.memory_space<semaphore_mem>>) {add = true}
      %dma_wait3A_448 = arith.constant 11 : i32
      %dma_wait3A_449 = arith.constant 0 : i32
      %dma_wait3A_450 = tpu.memref_slice %arg8[%dma_wait3A_448, %dma_wait3A_449] : memref<16x128xi32, #tpu.memory_space<vmem>> -> memref<1x128xi32, #tpu.memory_space<vmem>>
      %dma_wait3A_451 = tpu.memref_squeeze %dma_wait3A_450 : memref<1x128xi32, #tpu.memory_space<vmem>> -> memref<128xi32, #tpu.memory_space<vmem>>
      %dma_wait3A_452 = arith.constant 0 : i32
      %dma_wait3A_453 = arith.constant 0 : i32
      %dma_wait3A_454 = tpu.memref_slice %arg11[%dma_wait3A_452, %dma_wait3A_453] : memref<10240x128xf32, #tpu.memory_space<vmem_shared>> -> memref<10240x128xf32, #tpu.memory_space<vmem_shared>>
      tpu.wait_indirect_dma semaphore(%arg15 : memref<!tpu.dma_semaphore, #tpu.memory_space<semaphore_mem>>) src(%arg10 : memref<128x128xf32, #tpu.memory_space<vmem>>) dst(%dma_wait3A_454 : memref<10240x128xf32, #tpu.memory_space<vmem_shared>>)
      %dma_start3A_455 = arith.constant 13 : i32
      %dma_start3A_456 = arith.constant 0 : i32
      %dma_start3A_457 = tpu.memref_slice %arg7[%dma_start3A_455, %dma_start3A_456] : memref<16x128xi32, #tpu.memory_space<vmem>> -> memref<1x128xi32, #tpu.memory_space<vmem>>
      %dma_start3A_458 = tpu.memref_squeeze %dma_start3A_457 : memref<1x128xi32, #tpu.memory_space<vmem>> -> memref<128xi32, #tpu.memory_space<vmem>>
      %dma_start3A_459 = arith.constant 0 : i32
      %dma_start3A_460 = arith.constant 0 : i32
      %dma_start3A_461 = tpu.memref_slice %arg2[%dma_start3A_459, %dma_start3A_460] : memref<20000x128xf32, #tpu.memory_space<hbm>> -> memref<20000x128xf32, #tpu.memory_space<hbm>>
      tpu.enqueue_indirect_dma source(%dma_start3A_461 : memref<20000x128xf32, #tpu.memory_space<hbm>>) target(%arg10 : memref<128x128xf32, #tpu.memory_space<vmem>>) offsets(%dma_start3A_458 : memref<128xi32, #tpu.memory_space<vmem>>) semaphore(%arg13 : memref<!tpu.dma_semaphore, #tpu.memory_space<semaphore_mem>>)
      %dma_wait3A_462 = arith.constant 12 : i32
      %dma_wait3A_463 = arith.constant 0 : i32
      %dma_wait3A_464 = tpu.memref_slice %arg7[%dma_wait3A_462, %dma_wait3A_463] : memref<16x128xi32, #tpu.memory_space<vmem>> -> memref<1x128xi32, #tpu.memory_space<vmem>>
      %dma_wait3A_465 = tpu.memref_squeeze %dma_wait3A_464 : memref<1x128xi32, #tpu.memory_space<vmem>> -> memref<128xi32, #tpu.memory_space<vmem>>
      %dma_wait3A_466 = arith.constant 0 : i32
      %dma_wait3A_467 = arith.constant 0 : i32
      %dma_wait3A_468 = tpu.memref_slice %arg2[%dma_wait3A_466, %dma_wait3A_467] : memref<20000x128xf32, #tpu.memory_space<hbm>> -> memref<20000x128xf32, #tpu.memory_space<hbm>>
      tpu.wait_indirect_dma semaphore(%arg12 : memref<!tpu.dma_semaphore, #tpu.memory_space<semaphore_mem>>) src(%dma_wait3A_468 : memref<20000x128xf32, #tpu.memory_space<hbm>>) dst(%arg9 : memref<128x128xf32, #tpu.memory_space<vmem>>)
      %dma_start3A_469 = arith.constant 12 : i32
      %dma_start3A_470 = arith.constant 0 : i32
      %dma_start3A_471 = tpu.memref_slice %arg8[%dma_start3A_469, %dma_start3A_470] : memref<16x128xi32, #tpu.memory_space<vmem>> -> memref<1x128xi32, #tpu.memory_space<vmem>>
      %dma_start3A_472 = tpu.memref_squeeze %dma_start3A_471 : memref<1x128xi32, #tpu.memory_space<vmem>> -> memref<128xi32, #tpu.memory_space<vmem>>
      %dma_start3A_473 = arith.constant 0 : i32
      %dma_start3A_474 = arith.constant 0 : i32
      %dma_start3A_475 = tpu.memref_slice %arg11[%dma_start3A_473, %dma_start3A_474] : memref<10240x128xf32, #tpu.memory_space<vmem_shared>> -> memref<10240x128xf32, #tpu.memory_space<vmem_shared>>
      tpu.enqueue_indirect_dma source(%arg9 : memref<128x128xf32, #tpu.memory_space<vmem>>) target(%dma_start3A_475 : memref<10240x128xf32, #tpu.memory_space<vmem_shared>>) offsets(%dma_start3A_472 : memref<128xi32, #tpu.memory_space<vmem>>) semaphore(%arg14 : memref<!tpu.dma_semaphore, #tpu.memory_space<semaphore_mem>>) {add = true}
      %dma_wait3A_476 = arith.constant 12 : i32
      %dma_wait3A_477 = arith.constant 0 : i32
      %dma_wait3A_478 = tpu.memref_slice %arg8[%dma_wait3A_476, %dma_wait3A_477] : memref<16x128xi32, #tpu.memory_space<vmem>> -> memref<1x128xi32, #tpu.memory_space<vmem>>
      %dma_wait3A_479 = tpu.memref_squeeze %dma_wait3A_478 : memref<1x128xi32, #tpu.memory_space<vmem>> -> memref<128xi32, #tpu.memory_space<vmem>>
      %dma_wait3A_480 = arith.constant 0 : i32
      %dma_wait3A_481 = arith.constant 0 : i32
      %dma_wait3A_482 = tpu.memref_slice %arg11[%dma_wait3A_480, %dma_wait3A_481] : memref<10240x128xf32, #tpu.memory_space<vmem_shared>> -> memref<10240x128xf32, #tpu.memory_space<vmem_shared>>
      tpu.wait_indirect_dma semaphore(%arg14 : memref<!tpu.dma_semaphore, #tpu.memory_space<semaphore_mem>>) src(%arg9 : memref<128x128xf32, #tpu.memory_space<vmem>>) dst(%dma_wait3A_482 : memref<10240x128xf32, #tpu.memory_space<vmem_shared>>)
      %dma_start3A_483 = arith.constant 14 : i32
      %dma_start3A_484 = arith.constant 0 : i32
      %dma_start3A_485 = tpu.memref_slice %arg7[%dma_start3A_483, %dma_start3A_484] : memref<16x128xi32, #tpu.memory_space<vmem>> -> memref<1x128xi32, #tpu.memory_space<vmem>>
      %dma_start3A_486 = tpu.memref_squeeze %dma_start3A_485 : memref<1x128xi32, #tpu.memory_space<vmem>> -> memref<128xi32, #tpu.memory_space<vmem>>
      %dma_start3A_487 = arith.constant 0 : i32
      %dma_start3A_488 = arith.constant 0 : i32
      %dma_start3A_489 = tpu.memref_slice %arg2[%dma_start3A_487, %dma_start3A_488] : memref<20000x128xf32, #tpu.memory_space<hbm>> -> memref<20000x128xf32, #tpu.memory_space<hbm>>
      tpu.enqueue_indirect_dma source(%dma_start3A_489 : memref<20000x128xf32, #tpu.memory_space<hbm>>) target(%arg9 : memref<128x128xf32, #tpu.memory_space<vmem>>) offsets(%dma_start3A_486 : memref<128xi32, #tpu.memory_space<vmem>>) semaphore(%arg12 : memref<!tpu.dma_semaphore, #tpu.memory_space<semaphore_mem>>)
      %dma_wait3A_490 = arith.constant 13 : i32
      %dma_wait3A_491 = arith.constant 0 : i32
      %dma_wait3A_492 = tpu.memref_slice %arg7[%dma_wait3A_490, %dma_wait3A_491] : memref<16x128xi32, #tpu.memory_space<vmem>> -> memref<1x128xi32, #tpu.memory_space<vmem>>
      %dma_wait3A_493 = tpu.memref_squeeze %dma_wait3A_492 : memref<1x128xi32, #tpu.memory_space<vmem>> -> memref<128xi32, #tpu.memory_space<vmem>>
      %dma_wait3A_494 = arith.constant 0 : i32
      %dma_wait3A_495 = arith.constant 0 : i32
      %dma_wait3A_496 = tpu.memref_slice %arg2[%dma_wait3A_494, %dma_wait3A_495] : memref<20000x128xf32, #tpu.memory_space<hbm>> -> memref<20000x128xf32, #tpu.memory_space<hbm>>
      tpu.wait_indirect_dma semaphore(%arg13 : memref<!tpu.dma_semaphore, #tpu.memory_space<semaphore_mem>>) src(%dma_wait3A_496 : memref<20000x128xf32, #tpu.memory_space<hbm>>) dst(%arg10 : memref<128x128xf32, #tpu.memory_space<vmem>>)
      %dma_start3A_497 = arith.constant 13 : i32
      %dma_start3A_498 = arith.constant 0 : i32
      %dma_start3A_499 = tpu.memref_slice %arg8[%dma_start3A_497, %dma_start3A_498] : memref<16x128xi32, #tpu.memory_space<vmem>> -> memref<1x128xi32, #tpu.memory_space<vmem>>
      %dma_start3A_500 = tpu.memref_squeeze %dma_start3A_499 : memref<1x128xi32, #tpu.memory_space<vmem>> -> memref<128xi32, #tpu.memory_space<vmem>>
      %dma_start3A_501 = arith.constant 0 : i32
      %dma_start3A_502 = arith.constant 0 : i32
      %dma_start3A_503 = tpu.memref_slice %arg11[%dma_start3A_501, %dma_start3A_502] : memref<10240x128xf32, #tpu.memory_space<vmem_shared>> -> memref<10240x128xf32, #tpu.memory_space<vmem_shared>>
      tpu.enqueue_indirect_dma source(%arg10 : memref<128x128xf32, #tpu.memory_space<vmem>>) target(%dma_start3A_503 : memref<10240x128xf32, #tpu.memory_space<vmem_shared>>) offsets(%dma_start3A_500 : memref<128xi32, #tpu.memory_space<vmem>>) semaphore(%arg15 : memref<!tpu.dma_semaphore, #tpu.memory_space<semaphore_mem>>) {add = true}
      %dma_wait3A_504 = arith.constant 13 : i32
      %dma_wait3A_505 = arith.constant 0 : i32
      %dma_wait3A_506 = tpu.memref_slice %arg8[%dma_wait3A_504, %dma_wait3A_505] : memref<16x128xi32, #tpu.memory_space<vmem>> -> memref<1x128xi32, #tpu.memory_space<vmem>>
      %dma_wait3A_507 = tpu.memref_squeeze %dma_wait3A_506 : memref<1x128xi32, #tpu.memory_space<vmem>> -> memref<128xi32, #tpu.memory_space<vmem>>
      %dma_wait3A_508 = arith.constant 0 : i32
      %dma_wait3A_509 = arith.constant 0 : i32
      %dma_wait3A_510 = tpu.memref_slice %arg11[%dma_wait3A_508, %dma_wait3A_509] : memref<10240x128xf32, #tpu.memory_space<vmem_shared>> -> memref<10240x128xf32, #tpu.memory_space<vmem_shared>>
      tpu.wait_indirect_dma semaphore(%arg15 : memref<!tpu.dma_semaphore, #tpu.memory_space<semaphore_mem>>) src(%arg10 : memref<128x128xf32, #tpu.memory_space<vmem>>) dst(%dma_wait3A_510 : memref<10240x128xf32, #tpu.memory_space<vmem_shared>>)
      %dma_start3A_511 = arith.constant 15 : i32
      %dma_start3A_512 = arith.constant 0 : i32
      %dma_start3A_513 = tpu.memref_slice %arg7[%dma_start3A_511, %dma_start3A_512] : memref<16x128xi32, #tpu.memory_space<vmem>> -> memref<1x128xi32, #tpu.memory_space<vmem>>
      %dma_start3A_514 = tpu.memref_squeeze %dma_start3A_513 : memref<1x128xi32, #tpu.memory_space<vmem>> -> memref<128xi32, #tpu.memory_space<vmem>>
      %dma_start3A_515 = arith.constant 0 : i32
      %dma_start3A_516 = arith.constant 0 : i32
      %dma_start3A_517 = tpu.memref_slice %arg2[%dma_start3A_515, %dma_start3A_516] : memref<20000x128xf32, #tpu.memory_space<hbm>> -> memref<20000x128xf32, #tpu.memory_space<hbm>>
      tpu.enqueue_indirect_dma source(%dma_start3A_517 : memref<20000x128xf32, #tpu.memory_space<hbm>>) target(%arg10 : memref<128x128xf32, #tpu.memory_space<vmem>>) offsets(%dma_start3A_514 : memref<128xi32, #tpu.memory_space<vmem>>) semaphore(%arg13 : memref<!tpu.dma_semaphore, #tpu.memory_space<semaphore_mem>>)
      %dma_wait3A_518 = arith.constant 14 : i32
      %dma_wait3A_519 = arith.constant 0 : i32
      %dma_wait3A_520 = tpu.memref_slice %arg7[%dma_wait3A_518, %dma_wait3A_519] : memref<16x128xi32, #tpu.memory_space<vmem>> -> memref<1x128xi32, #tpu.memory_space<vmem>>
      %dma_wait3A_521 = tpu.memref_squeeze %dma_wait3A_520 : memref<1x128xi32, #tpu.memory_space<vmem>> -> memref<128xi32, #tpu.memory_space<vmem>>
      %dma_wait3A_522 = arith.constant 0 : i32
      %dma_wait3A_523 = arith.constant 0 : i32
      %dma_wait3A_524 = tpu.memref_slice %arg2[%dma_wait3A_522, %dma_wait3A_523] : memref<20000x128xf32, #tpu.memory_space<hbm>> -> memref<20000x128xf32, #tpu.memory_space<hbm>>
      tpu.wait_indirect_dma semaphore(%arg12 : memref<!tpu.dma_semaphore, #tpu.memory_space<semaphore_mem>>) src(%dma_wait3A_524 : memref<20000x128xf32, #tpu.memory_space<hbm>>) dst(%arg9 : memref<128x128xf32, #tpu.memory_space<vmem>>)
      %dma_start3A_525 = arith.constant 14 : i32
      %dma_start3A_526 = arith.constant 0 : i32
      %dma_start3A_527 = tpu.memref_slice %arg8[%dma_start3A_525, %dma_start3A_526] : memref<16x128xi32, #tpu.memory_space<vmem>> -> memref<1x128xi32, #tpu.memory_space<vmem>>
      %dma_start3A_528 = tpu.memref_squeeze %dma_start3A_527 : memref<1x128xi32, #tpu.memory_space<vmem>> -> memref<128xi32, #tpu.memory_space<vmem>>
      %dma_start3A_529 = arith.constant 0 : i32
      %dma_start3A_530 = arith.constant 0 : i32
      %dma_start3A_531 = tpu.memref_slice %arg11[%dma_start3A_529, %dma_start3A_530] : memref<10240x128xf32, #tpu.memory_space<vmem_shared>> -> memref<10240x128xf32, #tpu.memory_space<vmem_shared>>
      tpu.enqueue_indirect_dma source(%arg9 : memref<128x128xf32, #tpu.memory_space<vmem>>) target(%dma_start3A_531 : memref<10240x128xf32, #tpu.memory_space<vmem_shared>>) offsets(%dma_start3A_528 : memref<128xi32, #tpu.memory_space<vmem>>) semaphore(%arg14 : memref<!tpu.dma_semaphore, #tpu.memory_space<semaphore_mem>>) {add = true}
      %dma_wait3A_532 = arith.constant 14 : i32
      %dma_wait3A_533 = arith.constant 0 : i32
      %dma_wait3A_534 = tpu.memref_slice %arg8[%dma_wait3A_532, %dma_wait3A_533] : memref<16x128xi32, #tpu.memory_space<vmem>> -> memref<1x128xi32, #tpu.memory_space<vmem>>
      %dma_wait3A_535 = tpu.memref_squeeze %dma_wait3A_534 : memref<1x128xi32, #tpu.memory_space<vmem>> -> memref<128xi32, #tpu.memory_space<vmem>>
      %dma_wait3A_536 = arith.constant 0 : i32
      %dma_wait3A_537 = arith.constant 0 : i32
      %dma_wait3A_538 = tpu.memref_slice %arg11[%dma_wait3A_536, %dma_wait3A_537] : memref<10240x128xf32, #tpu.memory_space<vmem_shared>> -> memref<10240x128xf32, #tpu.memory_space<vmem_shared>>
      tpu.wait_indirect_dma semaphore(%arg14 : memref<!tpu.dma_semaphore, #tpu.memory_space<semaphore_mem>>) src(%arg9 : memref<128x128xf32, #tpu.memory_space<vmem>>) dst(%dma_wait3A_538 : memref<10240x128xf32, #tpu.memory_space<vmem_shared>>)
      %dma_wait3A_539 = arith.constant 15 : i32
      %dma_wait3A_540 = arith.constant 0 : i32
      %dma_wait3A_541 = tpu.memref_slice %arg7[%dma_wait3A_539, %dma_wait3A_540] : memref<16x128xi32, #tpu.memory_space<vmem>> -> memref<1x128xi32, #tpu.memory_space<vmem>>
      %dma_wait3A_542 = tpu.memref_squeeze %dma_wait3A_541 : memref<1x128xi32, #tpu.memory_space<vmem>> -> memref<128xi32, #tpu.memory_space<vmem>>
      %dma_wait3A_543 = arith.constant 0 : i32
      %dma_wait3A_544 = arith.constant 0 : i32
      %dma_wait3A_545 = tpu.memref_slice %arg2[%dma_wait3A_543, %dma_wait3A_544] : memref<20000x128xf32, #tpu.memory_space<hbm>> -> memref<20000x128xf32, #tpu.memory_space<hbm>>
      tpu.wait_indirect_dma semaphore(%arg13 : memref<!tpu.dma_semaphore, #tpu.memory_space<semaphore_mem>>) src(%dma_wait3A_545 : memref<20000x128xf32, #tpu.memory_space<hbm>>) dst(%arg10 : memref<128x128xf32, #tpu.memory_space<vmem>>)
      %dma_start3A_546 = arith.constant 15 : i32
      %dma_start3A_547 = arith.constant 0 : i32
      %dma_start3A_548 = tpu.memref_slice %arg8[%dma_start3A_546, %dma_start3A_547] : memref<16x128xi32, #tpu.memory_space<vmem>> -> memref<1x128xi32, #tpu.memory_space<vmem>>
      %dma_start3A_549 = tpu.memref_squeeze %dma_start3A_548 : memref<1x128xi32, #tpu.memory_space<vmem>> -> memref<128xi32, #tpu.memory_space<vmem>>
      %dma_start3A_550 = arith.constant 0 : i32
      %dma_start3A_551 = arith.constant 0 : i32
      %dma_start3A_552 = tpu.memref_slice %arg11[%dma_start3A_550, %dma_start3A_551] : memref<10240x128xf32, #tpu.memory_space<vmem_shared>> -> memref<10240x128xf32, #tpu.memory_space<vmem_shared>>
      tpu.enqueue_indirect_dma source(%arg10 : memref<128x128xf32, #tpu.memory_space<vmem>>) target(%dma_start3A_552 : memref<10240x128xf32, #tpu.memory_space<vmem_shared>>) offsets(%dma_start3A_549 : memref<128xi32, #tpu.memory_space<vmem>>) semaphore(%arg15 : memref<!tpu.dma_semaphore, #tpu.memory_space<semaphore_mem>>) {add = true}
      %dma_wait3A_553 = arith.constant 15 : i32
      %dma_wait3A_554 = arith.constant 0 : i32
      %dma_wait3A_555 = tpu.memref_slice %arg8[%dma_wait3A_553, %dma_wait3A_554] : memref<16x128xi32, #tpu.memory_space<vmem>> -> memref<1x128xi32, #tpu.memory_space<vmem>>
      %dma_wait3A_556 = tpu.memref_squeeze %dma_wait3A_555 : memref<1x128xi32, #tpu.memory_space<vmem>> -> memref<128xi32, #tpu.memory_space<vmem>>
      %dma_wait3A_557 = arith.constant 0 : i32
      %dma_wait3A_558 = arith.constant 0 : i32
      %dma_wait3A_559 = tpu.memref_slice %arg11[%dma_wait3A_557, %dma_wait3A_558] : memref<10240x128xf32, #tpu.memory_space<vmem_shared>> -> memref<10240x128xf32, #tpu.memory_space<vmem_shared>>
      tpu.wait_indirect_dma semaphore(%arg15 : memref<!tpu.dma_semaphore, #tpu.memory_space<semaphore_mem>>) src(%arg10 : memref<128x128xf32, #tpu.memory_space<vmem>>) dst(%dma_wait3A_559 : memref<10240x128xf32, #tpu.memory_space<vmem_shared>>)
      %scan3A_560 = arith.constant 0 : i32
      scf.yield %scan3A_560 : i32
    }
    %scan3A_30 = arith.constant 5 : i32
    %barrier3A_31 = arith.constant 0 : index
    tpu.barrier barrier_id(%barrier3A_31)
    "tpu.trace_stop"() : () -> ()
    "tpu.trace_start"() <{level = 10 : i32, message = "p1_out"}> : () -> ()
    %add3A_32 = arith.constant 0 : i32
    %add3A_33 = arith.addi %mul3A_0, %add3A_32 : i32
    %add3A_34 = arith.constant 0 : i32
    %add3A_35 = arith.addi %add3A, %add3A_34 : i32
    "tpu.region"() ({
      %run_scoped3A = tpu.sem_alloc : memref<!tpu.dma_semaphore, #tpu.memory_space<semaphore_mem>>
      %dma_start3A = arith.constant 0 : i32
      %dma_start3A_105 = tpu.memref_slice %arg5[%add3A_35, %dma_start3A] : memref<20480x128xf32, #tpu.memory_space<hbm>> -> memref<128x128xf32, #tpu.memory_space<hbm>>
      %dma_start3A_106 = arith.constant 0 : i32
      %dma_start3A_107 = tpu.memref_slice %arg11[%add3A_33, %dma_start3A_106] : memref<10240x128xf32, #tpu.memory_space<vmem_shared>> -> memref<128x128xf32, #tpu.memory_space<vmem_shared>>
      tpu.enqueue_dma source(%dma_start3A_107 : memref<128x128xf32, #tpu.memory_space<vmem_shared>>) target(%dma_start3A_105 : memref<128x128xf32, #tpu.memory_space<hbm>>) target_semaphore(%run_scoped3A : memref<!tpu.dma_semaphore, #tpu.memory_space<semaphore_mem>>)
      %dma_wait3A = arith.constant 0 : i32
      %dma_wait3A_108 = tpu.memref_slice %arg5[%add3A_35, %dma_wait3A] : memref<20480x128xf32, #tpu.memory_space<hbm>> -> memref<128x128xf32, #tpu.memory_space<hbm>>
      %dma_wait3A_109 = arith.constant 0 : i32
      %dma_wait3A_110 = tpu.memref_slice %arg11[%add3A_33, %dma_wait3A_109] : memref<10240x128xf32, #tpu.memory_space<vmem_shared>> -> memref<128x128xf32, #tpu.memory_space<vmem_shared>>
      tpu.wait_dma2 semaphore(%run_scoped3A : memref<!tpu.dma_semaphore, #tpu.memory_space<semaphore_mem>>) src(%dma_wait3A_110 : memref<128x128xf32, #tpu.memory_space<vmem_shared>>) dst(%dma_wait3A_108 : memref<128x128xf32, #tpu.memory_space<hbm>>)
      tpu.yield
    }) : () -> ()
    %add3A_36 = arith.constant 128 : i32
    %add3A_37 = arith.addi %mul3A_0, %add3A_36 : i32
    %add3A_38 = arith.constant 128 : i32
    %add3A_39 = arith.addi %add3A, %add3A_38 : i32
    "tpu.region"() ({
      %run_scoped3A = tpu.sem_alloc : memref<!tpu.dma_semaphore, #tpu.memory_space<semaphore_mem>>
      %dma_start3A = arith.constant 0 : i32
      %dma_start3A_105 = tpu.memref_slice %arg5[%add3A_39, %dma_start3A] : memref<20480x128xf32, #tpu.memory_space<hbm>> -> memref<128x128xf32, #tpu.memory_space<hbm>>
      %dma_start3A_106 = arith.constant 0 : i32
      %dma_start3A_107 = tpu.memref_slice %arg11[%add3A_37, %dma_start3A_106] : memref<10240x128xf32, #tpu.memory_space<vmem_shared>> -> memref<128x128xf32, #tpu.memory_space<vmem_shared>>
      tpu.enqueue_dma source(%dma_start3A_107 : memref<128x128xf32, #tpu.memory_space<vmem_shared>>) target(%dma_start3A_105 : memref<128x128xf32, #tpu.memory_space<hbm>>) target_semaphore(%run_scoped3A : memref<!tpu.dma_semaphore, #tpu.memory_space<semaphore_mem>>)
      %dma_wait3A = arith.constant 0 : i32
      %dma_wait3A_108 = tpu.memref_slice %arg5[%add3A_39, %dma_wait3A] : memref<20480x128xf32, #tpu.memory_space<hbm>> -> memref<128x128xf32, #tpu.memory_space<hbm>>
      %dma_wait3A_109 = arith.constant 0 : i32
      %dma_wait3A_110 = tpu.memref_slice %arg11[%add3A_37, %dma_wait3A_109] : memref<10240x128xf32, #tpu.memory_space<vmem_shared>> -> memref<128x128xf32, #tpu.memory_space<vmem_shared>>
      tpu.wait_dma2 semaphore(%run_scoped3A : memref<!tpu.dma_semaphore, #tpu.memory_space<semaphore_mem>>) src(%dma_wait3A_110 : memref<128x128xf32, #tpu.memory_space<vmem_shared>>) dst(%dma_wait3A_108 : memref<128x128xf32, #tpu.memory_space<hbm>>)
      tpu.yield
    }) : () -> ()
    %add3A_40 = arith.constant 256 : i32
    %add3A_41 = arith.addi %mul3A_0, %add3A_40 : i32
    %add3A_42 = arith.constant 256 : i32
    %add3A_43 = arith.addi %add3A, %add3A_42 : i32
    "tpu.region"() ({
      %run_scoped3A = tpu.sem_alloc : memref<!tpu.dma_semaphore, #tpu.memory_space<semaphore_mem>>
      %dma_start3A = arith.constant 0 : i32
      %dma_start3A_105 = tpu.memref_slice %arg5[%add3A_43, %dma_start3A] : memref<20480x128xf32, #tpu.memory_space<hbm>> -> memref<128x128xf32, #tpu.memory_space<hbm>>
      %dma_start3A_106 = arith.constant 0 : i32
      %dma_start3A_107 = tpu.memref_slice %arg11[%add3A_41, %dma_start3A_106] : memref<10240x128xf32, #tpu.memory_space<vmem_shared>> -> memref<128x128xf32, #tpu.memory_space<vmem_shared>>
      tpu.enqueue_dma source(%dma_start3A_107 : memref<128x128xf32, #tpu.memory_space<vmem_shared>>) target(%dma_start3A_105 : memref<128x128xf32, #tpu.memory_space<hbm>>) target_semaphore(%run_scoped3A : memref<!tpu.dma_semaphore, #tpu.memory_space<semaphore_mem>>)
      %dma_wait3A = arith.constant 0 : i32
      %dma_wait3A_108 = tpu.memref_slice %arg5[%add3A_43, %dma_wait3A] : memref<20480x128xf32, #tpu.memory_space<hbm>> -> memref<128x128xf32, #tpu.memory_space<hbm>>
      %dma_wait3A_109 = arith.constant 0 : i32
      %dma_wait3A_110 = tpu.memref_slice %arg11[%add3A_41, %dma_wait3A_109] : memref<10240x128xf32, #tpu.memory_space<vmem_shared>> -> memref<128x128xf32, #tpu.memory_space<vmem_shared>>
      tpu.wait_dma2 semaphore(%run_scoped3A : memref<!tpu.dma_semaphore, #tpu.memory_space<semaphore_mem>>) src(%dma_wait3A_110 : memref<128x128xf32, #tpu.memory_space<vmem_shared>>) dst(%dma_wait3A_108 : memref<128x128xf32, #tpu.memory_space<hbm>>)
      tpu.yield
    }) : () -> ()
    %add3A_44 = arith.constant 384 : i32
    %add3A_45 = arith.addi %mul3A_0, %add3A_44 : i32
    %add3A_46 = arith.constant 384 : i32
    %add3A_47 = arith.addi %add3A, %add3A_46 : i32
    "tpu.region"() ({
      %run_scoped3A = tpu.sem_alloc : memref<!tpu.dma_semaphore, #tpu.memory_space<semaphore_mem>>
      %dma_start3A = arith.constant 0 : i32
      %dma_start3A_105 = tpu.memref_slice %arg5[%add3A_47, %dma_start3A] : memref<20480x128xf32, #tpu.memory_space<hbm>> -> memref<128x128xf32, #tpu.memory_space<hbm>>
      %dma_start3A_106 = arith.constant 0 : i32
      %dma_start3A_107 = tpu.memref_slice %arg11[%add3A_45, %dma_start3A_106] : memref<10240x128xf32, #tpu.memory_space<vmem_shared>> -> memref<128x128xf32, #tpu.memory_space<vmem_shared>>
      tpu.enqueue_dma source(%dma_start3A_107 : memref<128x128xf32, #tpu.memory_space<vmem_shared>>) target(%dma_start3A_105 : memref<128x128xf32, #tpu.memory_space<hbm>>) target_semaphore(%run_scoped3A : memref<!tpu.dma_semaphore, #tpu.memory_space<semaphore_mem>>)
      %dma_wait3A = arith.constant 0 : i32
      %dma_wait3A_108 = tpu.memref_slice %arg5[%add3A_47, %dma_wait3A] : memref<20480x128xf32, #tpu.memory_space<hbm>> -> memref<128x128xf32, #tpu.memory_space<hbm>>
      %dma_wait3A_109 = arith.constant 0 : i32
      %dma_wait3A_110 = tpu.memref_slice %arg11[%add3A_45, %dma_wait3A_109] : memref<10240x128xf32, #tpu.memory_space<vmem_shared>> -> memref<128x128xf32, #tpu.memory_space<vmem_shared>>
      tpu.wait_dma2 semaphore(%run_scoped3A : memref<!tpu.dma_semaphore, #tpu.memory_space<semaphore_mem>>) src(%dma_wait3A_110 : memref<128x128xf32, #tpu.memory_space<vmem_shared>>) dst(%dma_wait3A_108 : memref<128x128xf32, #tpu.memory_space<hbm>>)
      tpu.yield
    }) : () -> ()
    %add3A_48 = arith.constant 512 : i32
    %add3A_49 = arith.addi %mul3A_0, %add3A_48 : i32
    %add3A_50 = arith.constant 512 : i32
    %add3A_51 = arith.addi %add3A, %add3A_50 : i32
    "tpu.region"() ({
      %run_scoped3A = tpu.sem_alloc : memref<!tpu.dma_semaphore, #tpu.memory_space<semaphore_mem>>
      %dma_start3A = arith.constant 0 : i32
      %dma_start3A_105 = tpu.memref_slice %arg5[%add3A_51, %dma_start3A] : memref<20480x128xf32, #tpu.memory_space<hbm>> -> memref<128x128xf32, #tpu.memory_space<hbm>>
      %dma_start3A_106 = arith.constant 0 : i32
      %dma_start3A_107 = tpu.memref_slice %arg11[%add3A_49, %dma_start3A_106] : memref<10240x128xf32, #tpu.memory_space<vmem_shared>> -> memref<128x128xf32, #tpu.memory_space<vmem_shared>>
      tpu.enqueue_dma source(%dma_start3A_107 : memref<128x128xf32, #tpu.memory_space<vmem_shared>>) target(%dma_start3A_105 : memref<128x128xf32, #tpu.memory_space<hbm>>) target_semaphore(%run_scoped3A : memref<!tpu.dma_semaphore, #tpu.memory_space<semaphore_mem>>)
      %dma_wait3A = arith.constant 0 : i32
      %dma_wait3A_108 = tpu.memref_slice %arg5[%add3A_51, %dma_wait3A] : memref<20480x128xf32, #tpu.memory_space<hbm>> -> memref<128x128xf32, #tpu.memory_space<hbm>>
      %dma_wait3A_109 = arith.constant 0 : i32
      %dma_wait3A_110 = tpu.memref_slice %arg11[%add3A_49, %dma_wait3A_109] : memref<10240x128xf32, #tpu.memory_space<vmem_shared>> -> memref<128x128xf32, #tpu.memory_space<vmem_shared>>
      tpu.wait_dma2 semaphore(%run_scoped3A : memref<!tpu.dma_semaphore, #tpu.memory_space<semaphore_mem>>) src(%dma_wait3A_110 : memref<128x128xf32, #tpu.memory_space<vmem_shared>>) dst(%dma_wait3A_108 : memref<128x128xf32, #tpu.memory_space<hbm>>)
      tpu.yield
    }) : () -> ()
    "tpu.trace_stop"() : () -> ()
    "tpu.trace_start"() <{level = 10 : i32, message = "p2_zero"}> : () -> ()
    %scan3A_52 = arith.constant 0 : i32
    %scan3A_53 = arith.constant 0 : i32
    %scan3A_54 = arith.constant 128 : i32
    %scan3A_55 = arith.addi %scan3A_53, %scan3A_54 : i32
    %scan3A_56 = arith.constant 1 : i32
    %scan3A_57 = scf.for %scan3A_105 = %scan3A_53 to %scan3A_55 step %scan3A_56 iter_args(%scan3A_106 = %scan3A_52) -> (i32)  : i32 {
      %swap3A = arith.index_cast %scan3A_105 : i32 to index
      %swap3A_107 = arith.constant 0 : index
      %swap3A_108 = tpu.vector_load %arg9[%swap3A, %swap3A_107] {strides = array<i32>} : memref<128x128xf32, #tpu.memory_space<vmem>>, vector<1x16xf32>,
      %swap3A_109 = vector.shape_cast %swap3A_108 : vector<1x16xf32> to vector<16xf32>
      %swap3A_110 = vector.shape_cast %broadcast_in_dim3A_3 : vector<16xf32> to vector<1x16xf32>
      tpu.vector_store %arg9[%swap3A, %swap3A_107], %swap3A_110 {strides = array<i32>} : memref<128x128xf32, #tpu.memory_space<vmem>>, vector<1x16xf32>,
      %swap3A_111 = arith.index_cast %scan3A_105 : i32 to index
      %swap3A_112 = arith.constant 16 : index
      %swap3A_113 = tpu.vector_load %arg9[%swap3A_111, %swap3A_112] {strides = array<i32>} : memref<128x128xf32, #tpu.memory_space<vmem>>, vector<1x16xf32>,
      %swap3A_114 = vector.shape_cast %swap3A_113 : vector<1x16xf32> to vector<16xf32>
      %swap3A_115 = vector.shape_cast %broadcast_in_dim3A_3 : vector<16xf32> to vector<1x16xf32>
      tpu.vector_store %arg9[%swap3A_111, %swap3A_112], %swap3A_115 {strides = array<i32>} : memref<128x128xf32, #tpu.memory_space<vmem>>, vector<1x16xf32>,
      %swap3A_116 = arith.index_cast %scan3A_105 : i32 to index
      %swap3A_117 = arith.constant 32 : index
      %swap3A_118 = tpu.vector_load %arg9[%swap3A_116, %swap3A_117] {strides = array<i32>} : memref<128x128xf32, #tpu.memory_space<vmem>>, vector<1x16xf32>,
      %swap3A_119 = vector.shape_cast %swap3A_118 : vector<1x16xf32> to vector<16xf32>
      %swap3A_120 = vector.shape_cast %broadcast_in_dim3A_3 : vector<16xf32> to vector<1x16xf32>
      tpu.vector_store %arg9[%swap3A_116, %swap3A_117], %swap3A_120 {strides = array<i32>} : memref<128x128xf32, #tpu.memory_space<vmem>>, vector<1x16xf32>,
      %swap3A_121 = arith.index_cast %scan3A_105 : i32 to index
      %swap3A_122 = arith.constant 48 : index
      %swap3A_123 = tpu.vector_load %arg9[%swap3A_121, %swap3A_122] {strides = array<i32>} : memref<128x128xf32, #tpu.memory_space<vmem>>, vector<1x16xf32>,
      %swap3A_124 = vector.shape_cast %swap3A_123 : vector<1x16xf32> to vector<16xf32>
      %swap3A_125 = vector.shape_cast %broadcast_in_dim3A_3 : vector<16xf32> to vector<1x16xf32>
      tpu.vector_store %arg9[%swap3A_121, %swap3A_122], %swap3A_125 {strides = array<i32>} : memref<128x128xf32, #tpu.memory_space<vmem>>, vector<1x16xf32>,
      %swap3A_126 = arith.index_cast %scan3A_105 : i32 to index
      %swap3A_127 = arith.constant 64 : index
      %swap3A_128 = tpu.vector_load %arg9[%swap3A_126, %swap3A_127] {strides = array<i32>} : memref<128x128xf32, #tpu.memory_space<vmem>>, vector<1x16xf32>,
      %swap3A_129 = vector.shape_cast %swap3A_128 : vector<1x16xf32> to vector<16xf32>
      %swap3A_130 = vector.shape_cast %broadcast_in_dim3A_3 : vector<16xf32> to vector<1x16xf32>
      tpu.vector_store %arg9[%swap3A_126, %swap3A_127], %swap3A_130 {strides = array<i32>} : memref<128x128xf32, #tpu.memory_space<vmem>>, vector<1x16xf32>,
      %swap3A_131 = arith.index_cast %scan3A_105 : i32 to index
      %swap3A_132 = arith.constant 80 : index
      %swap3A_133 = tpu.vector_load %arg9[%swap3A_131, %swap3A_132] {strides = array<i32>} : memref<128x128xf32, #tpu.memory_space<vmem>>, vector<1x16xf32>,
      %swap3A_134 = vector.shape_cast %swap3A_133 : vector<1x16xf32> to vector<16xf32>
      %swap3A_135 = vector.shape_cast %broadcast_in_dim3A_3 : vector<16xf32> to vector<1x16xf32>
      tpu.vector_store %arg9[%swap3A_131, %swap3A_132], %swap3A_135 {strides = array<i32>} : memref<128x128xf32, #tpu.memory_space<vmem>>, vector<1x16xf32>,
      %swap3A_136 = arith.index_cast %scan3A_105 : i32 to index
      %swap3A_137 = arith.constant 96 : index
      %swap3A_138 = tpu.vector_load %arg9[%swap3A_136, %swap3A_137] {strides = array<i32>} : memref<128x128xf32, #tpu.memory_space<vmem>>, vector<1x16xf32>,
      %swap3A_139 = vector.shape_cast %swap3A_138 : vector<1x16xf32> to vector<16xf32>
      %swap3A_140 = vector.shape_cast %broadcast_in_dim3A_3 : vector<16xf32> to vector<1x16xf32>
      tpu.vector_store %arg9[%swap3A_136, %swap3A_137], %swap3A_140 {strides = array<i32>} : memref<128x128xf32, #tpu.memory_space<vmem>>, vector<1x16xf32>,
      %swap3A_141 = arith.index_cast %scan3A_105 : i32 to index
      %swap3A_142 = arith.constant 112 : index
      %swap3A_143 = tpu.vector_load %arg9[%swap3A_141, %swap3A_142] {strides = array<i32>} : memref<128x128xf32, #tpu.memory_space<vmem>>, vector<1x16xf32>,
      %swap3A_144 = vector.shape_cast %swap3A_143 : vector<1x16xf32> to vector<16xf32>
      %swap3A_145 = vector.shape_cast %broadcast_in_dim3A_3 : vector<16xf32> to vector<1x16xf32>
      tpu.vector_store %arg9[%swap3A_141, %swap3A_142], %swap3A_145 {strides = array<i32>} : memref<128x128xf32, #tpu.memory_space<vmem>>, vector<1x16xf32>,
      %scan3A_146 = arith.constant 0 : i32
      scf.yield %scan3A_146 : i32
    }
    %scan3A_58 = arith.constant 128 : i32
    %add3A_59 = arith.constant 0 : i32
    %add3A_60 = arith.addi %mul3A_0, %add3A_59 : i32
    "tpu.region"() ({
      %run_scoped3A = tpu.sem_alloc : memref<!tpu.dma_semaphore, #tpu.memory_space<semaphore_mem>>
      %dma_start3A = arith.constant 0 : i32
      %dma_start3A_105 = tpu.memref_slice %arg11[%add3A_60, %dma_start3A] : memref<10240x128xf32, #tpu.memory_space<vmem_shared>> -> memref<128x128xf32, #tpu.memory_space<vmem_shared>>
      %dma_start3A_106 = arith.constant 0 : i32
      %dma_start3A_107 = tpu.memref_slice %arg11[%add3A_60, %dma_start3A_106] : memref<10240x128xf32, #tpu.memory_space<vmem_shared>> -> memref<128x128xf32, #tpu.memory_space<vmem_shared>>
      tpu.enqueue_dma source(%arg9 : memref<128x128xf32, #tpu.memory_space<vmem>>) target(%dma_start3A_107 : memref<128x128xf32, #tpu.memory_space<vmem_shared>>) target_semaphore(%run_scoped3A : memref<!tpu.dma_semaphore, #tpu.memory_space<semaphore_mem>>)
      %dma_wait3A = arith.constant 0 : i32
      %dma_wait3A_108 = tpu.memref_slice %arg11[%add3A_60, %dma_wait3A] : memref<10240x128xf32, #tpu.memory_space<vmem_shared>> -> memref<128x128xf32, #tpu.memory_space<vmem_shared>>
      %dma_wait3A_109 = arith.constant 0 : i32
      %dma_wait3A_110 = tpu.memref_slice %arg11[%add3A_60, %dma_wait3A_109] : memref<10240x128xf32, #tpu.memory_space<vmem_shared>> -> memref<128x128xf32, #tpu.memory_space<vmem_shared>>
      tpu.wait_dma2 semaphore(%run_scoped3A : memref<!tpu.dma_semaphore, #tpu.memory_space<semaphore_mem>>) src(%arg9 : memref<128x128xf32, #tpu.memory_space<vmem>>) dst(%dma_wait3A_110 : memref<128x128xf32, #tpu.memory_space<vmem_shared>>)
      tpu.yield
    }) : () -> ()
    %add3A_61 = arith.constant 128 : i32
    %add3A_62 = arith.addi %mul3A_0, %add3A_61 : i32
    "tpu.region"() ({
      %run_scoped3A = tpu.sem_alloc : memref<!tpu.dma_semaphore, #tpu.memory_space<semaphore_mem>>
      %dma_start3A = arith.constant 0 : i32
      %dma_start3A_105 = tpu.memref_slice %arg11[%add3A_62, %dma_start3A] : memref<10240x128xf32, #tpu.memory_space<vmem_shared>> -> memref<128x128xf32, #tpu.memory_space<vmem_shared>>
      %dma_start3A_106 = arith.constant 0 : i32
      %dma_start3A_107 = tpu.memref_slice %arg11[%add3A_62, %dma_start3A_106] : memref<10240x128xf32, #tpu.memory_space<vmem_shared>> -> memref<128x128xf32, #tpu.memory_space<vmem_shared>>
      tpu.enqueue_dma source(%arg9 : memref<128x128xf32, #tpu.memory_space<vmem>>) target(%dma_start3A_107 : memref<128x128xf32, #tpu.memory_space<vmem_shared>>) target_semaphore(%run_scoped3A : memref<!tpu.dma_semaphore, #tpu.memory_space<semaphore_mem>>)
      %dma_wait3A = arith.constant 0 : i32
      %dma_wait3A_108 = tpu.memref_slice %arg11[%add3A_62, %dma_wait3A] : memref<10240x128xf32, #tpu.memory_space<vmem_shared>> -> memref<128x128xf32, #tpu.memory_space<vmem_shared>>
      %dma_wait3A_109 = arith.constant 0 : i32
      %dma_wait3A_110 = tpu.memref_slice %arg11[%add3A_62, %dma_wait3A_109] : memref<10240x128xf32, #tpu.memory_space<vmem_shared>> -> memref<128x128xf32, #tpu.memory_space<vmem_shared>>
      tpu.wait_dma2 semaphore(%run_scoped3A : memref<!tpu.dma_semaphore, #tpu.memory_space<semaphore_mem>>) src(%arg9 : memref<128x128xf32, #tpu.memory_space<vmem>>) dst(%dma_wait3A_110 : memref<128x128xf32, #tpu.memory_space<vmem_shared>>)
      tpu.yield
    }) : () -> ()
    %add3A_63 = arith.constant 256 : i32
    %add3A_64 = arith.addi %mul3A_0, %add3A_63 : i32
    "tpu.region"() ({
      %run_scoped3A = tpu.sem_alloc : memref<!tpu.dma_semaphore, #tpu.memory_space<semaphore_mem>>
      %dma_start3A = arith.constant 0 : i32
      %dma_start3A_105 = tpu.memref_slice %arg11[%add3A_64, %dma_start3A] : memref<10240x128xf32, #tpu.memory_space<vmem_shared>> -> memref<128x128xf32, #tpu.memory_space<vmem_shared>>
      %dma_start3A_106 = arith.constant 0 : i32
      %dma_start3A_107 = tpu.memref_slice %arg11[%add3A_64, %dma_start3A_106] : memref<10240x128xf32, #tpu.memory_space<vmem_shared>> -> memref<128x128xf32, #tpu.memory_space<vmem_shared>>
      tpu.enqueue_dma source(%arg9 : memref<128x128xf32, #tpu.memory_space<vmem>>) target(%dma_start3A_107 : memref<128x128xf32, #tpu.memory_space<vmem_shared>>) target_semaphore(%run_scoped3A : memref<!tpu.dma_semaphore, #tpu.memory_space<semaphore_mem>>)
      %dma_wait3A = arith.constant 0 : i32
      %dma_wait3A_108 = tpu.memref_slice %arg11[%add3A_64, %dma_wait3A] : memref<10240x128xf32, #tpu.memory_space<vmem_shared>> -> memref<128x128xf32, #tpu.memory_space<vmem_shared>>
      %dma_wait3A_109 = arith.constant 0 : i32
      %dma_wait3A_110 = tpu.memref_slice %arg11[%add3A_64, %dma_wait3A_109] : memref<10240x128xf32, #tpu.memory_space<vmem_shared>> -> memref<128x128xf32, #tpu.memory_space<vmem_shared>>
      tpu.wait_dma2 semaphore(%run_scoped3A : memref<!tpu.dma_semaphore, #tpu.memory_space<semaphore_mem>>) src(%arg9 : memref<128x128xf32, #tpu.memory_space<vmem>>) dst(%dma_wait3A_110 : memref<128x128xf32, #tpu.memory_space<vmem_shared>>)
      tpu.yield
    }) : () -> ()
    %add3A_65 = arith.constant 384 : i32
    %add3A_66 = arith.addi %mul3A_0, %add3A_65 : i32
    "tpu.region"() ({
      %run_scoped3A = tpu.sem_alloc : memref<!tpu.dma_semaphore, #tpu.memory_space<semaphore_mem>>
      %dma_start3A = arith.constant 0 : i32
      %dma_start3A_105 = tpu.memref_slice %arg11[%add3A_66, %dma_start3A] : memref<10240x128xf32, #tpu.memory_space<vmem_shared>> -> memref<128x128xf32, #tpu.memory_space<vmem_shared>>
      %dma_start3A_106 = arith.constant 0 : i32
      %dma_start3A_107 = tpu.memref_slice %arg11[%add3A_66, %dma_start3A_106] : memref<10240x128xf32, #tpu.memory_space<vmem_shared>> -> memref<128x128xf32, #tpu.memory_space<vmem_shared>>
      tpu.enqueue_dma source(%arg9 : memref<128x128xf32, #tpu.memory_space<vmem>>) target(%dma_start3A_107 : memref<128x128xf32, #tpu.memory_space<vmem_shared>>) target_semaphore(%run_scoped3A : memref<!tpu.dma_semaphore, #tpu.memory_space<semaphore_mem>>)
      %dma_wait3A = arith.constant 0 : i32
      %dma_wait3A_108 = tpu.memref_slice %arg11[%add3A_66, %dma_wait3A] : memref<10240x128xf32, #tpu.memory_space<vmem_shared>> -> memref<128x128xf32, #tpu.memory_space<vmem_shared>>
      %dma_wait3A_109 = arith.constant 0 : i32
      %dma_wait3A_110 = tpu.memref_slice %arg11[%add3A_66, %dma_wait3A_109] : memref<10240x128xf32, #tpu.memory_space<vmem_shared>> -> memref<128x128xf32, #tpu.memory_space<vmem_shared>>
      tpu.wait_dma2 semaphore(%run_scoped3A : memref<!tpu.dma_semaphore, #tpu.memory_space<semaphore_mem>>) src(%arg9 : memref<128x128xf32, #tpu.memory_space<vmem>>) dst(%dma_wait3A_110 : memref<128x128xf32, #tpu.memory_space<vmem_shared>>)
      tpu.yield
    }) : () -> ()
    %add3A_67 = arith.constant 512 : i32
    %add3A_68 = arith.addi %mul3A_0, %add3A_67 : i32
    "tpu.region"() ({
      %run_scoped3A = tpu.sem_alloc : memref<!tpu.dma_semaphore, #tpu.memory_space<semaphore_mem>>
      %dma_start3A = arith.constant 0 : i32
      %dma_start3A_105 = tpu.memref_slice %arg11[%add3A_68, %dma_start3A] : memref<10240x128xf32, #tpu.memory_space<vmem_shared>> -> memref<128x128xf32, #tpu.memory_space<vmem_shared>>
      %dma_start3A_106 = arith.constant 0 : i32
      %dma_start3A_107 = tpu.memref_slice %arg11[%add3A_68, %dma_start3A_106] : memref<10240x128xf32, #tpu.memory_space<vmem_shared>> -> memref<128x128xf32, #tpu.memory_space<vmem_shared>>
      tpu.enqueue_dma source(%arg9 : memref<128x128xf32, #tpu.memory_space<vmem>>) target(%dma_start3A_107 : memref<128x128xf32, #tpu.memory_space<vmem_shared>>) target_semaphore(%run_scoped3A : memref<!tpu.dma_semaphore, #tpu.memory_space<semaphore_mem>>)
      %dma_wait3A = arith.constant 0 : i32
      %dma_wait3A_108 = tpu.memref_slice %arg11[%add3A_68, %dma_wait3A] : memref<10240x128xf32, #tpu.memory_space<vmem_shared>> -> memref<128x128xf32, #tpu.memory_space<vmem_shared>>
      %dma_wait3A_109 = arith.constant 0 : i32
      %dma_wait3A_110 = tpu.memref_slice %arg11[%add3A_68, %dma_wait3A_109] : memref<10240x128xf32, #tpu.memory_space<vmem_shared>> -> memref<128x128xf32, #tpu.memory_space<vmem_shared>>
      tpu.wait_dma2 semaphore(%run_scoped3A : memref<!tpu.dma_semaphore, #tpu.memory_space<semaphore_mem>>) src(%arg9 : memref<128x128xf32, #tpu.memory_space<vmem>>) dst(%dma_wait3A_110 : memref<128x128xf32, #tpu.memory_space<vmem_shared>>)
      tpu.yield
    }) : () -> ()
    %scan3A_69 = arith.constant 0 : i32
    %scan3A_70 = arith.constant 0 : i32
    %scan3A_71 = arith.constant 128 : i32
    %scan3A_72 = arith.addi %scan3A_70, %scan3A_71 : i32
    %scan3A_73 = arith.constant 1 : i32
    %scan3A_74 = scf.for %scan3A_105 = %scan3A_70 to %scan3A_72 step %scan3A_73 iter_args(%scan3A_106 = %scan3A_69) -> (i32)  : i32 {
      %swap3A = arith.index_cast %scan3A_105 : i32 to index
      %swap3A_107 = arith.constant 0 : index
      %swap3A_108 = tpu.vector_load %arg9[%swap3A, %swap3A_107] {strides = array<i32>} : memref<128x128xf32, #tpu.memory_space<vmem>>, vector<1x16xf32>,
      %swap3A_109 = vector.shape_cast %swap3A_108 : vector<1x16xf32> to vector<16xf32>
      %swap3A_110 = vector.shape_cast %broadcast_in_dim3A_5 : vector<16xf32> to vector<1x16xf32>
      tpu.vector_store %arg9[%swap3A, %swap3A_107], %swap3A_110 {strides = array<i32>} : memref<128x128xf32, #tpu.memory_space<vmem>>, vector<1x16xf32>,
      %swap3A_111 = arith.index_cast %scan3A_105 : i32 to index
      %swap3A_112 = arith.constant 16 : index
      %swap3A_113 = tpu.vector_load %arg9[%swap3A_111, %swap3A_112] {strides = array<i32>} : memref<128x128xf32, #tpu.memory_space<vmem>>, vector<1x16xf32>,
      %swap3A_114 = vector.shape_cast %swap3A_113 : vector<1x16xf32> to vector<16xf32>
      %swap3A_115 = vector.shape_cast %broadcast_in_dim3A_5 : vector<16xf32> to vector<1x16xf32>
      tpu.vector_store %arg9[%swap3A_111, %swap3A_112], %swap3A_115 {strides = array<i32>} : memref<128x128xf32, #tpu.memory_space<vmem>>, vector<1x16xf32>,
      %swap3A_116 = arith.index_cast %scan3A_105 : i32 to index
      %swap3A_117 = arith.constant 32 : index
      %swap3A_118 = tpu.vector_load %arg9[%swap3A_116, %swap3A_117] {strides = array<i32>} : memref<128x128xf32, #tpu.memory_space<vmem>>, vector<1x16xf32>,
      %swap3A_119 = vector.shape_cast %swap3A_118 : vector<1x16xf32> to vector<16xf32>
      %swap3A_120 = vector.shape_cast %broadcast_in_dim3A_5 : vector<16xf32> to vector<1x16xf32>
      tpu.vector_store %arg9[%swap3A_116, %swap3A_117], %swap3A_120 {strides = array<i32>} : memref<128x128xf32, #tpu.memory_space<vmem>>, vector<1x16xf32>,
      %swap3A_121 = arith.index_cast %scan3A_105 : i32 to index
      %swap3A_122 = arith.constant 48 : index
      %swap3A_123 = tpu.vector_load %arg9[%swap3A_121, %swap3A_122] {strides = array<i32>} : memref<128x128xf32, #tpu.memory_space<vmem>>, vector<1x16xf32>,
      %swap3A_124 = vector.shape_cast %swap3A_123 : vector<1x16xf32> to vector<16xf32>
      %swap3A_125 = vector.shape_cast %broadcast_in_dim3A_5 : vector<16xf32> to vector<1x16xf32>
      tpu.vector_store %arg9[%swap3A_121, %swap3A_122], %swap3A_125 {strides = array<i32>} : memref<128x128xf32, #tpu.memory_space<vmem>>, vector<1x16xf32>,
      %swap3A_126 = arith.index_cast %scan3A_105 : i32 to index
      %swap3A_127 = arith.constant 64 : index
      %swap3A_128 = tpu.vector_load %arg9[%swap3A_126, %swap3A_127] {strides = array<i32>} : memref<128x128xf32, #tpu.memory_space<vmem>>, vector<1x16xf32>,
      %swap3A_129 = vector.shape_cast %swap3A_128 : vector<1x16xf32> to vector<16xf32>
      %swap3A_130 = vector.shape_cast %broadcast_in_dim3A_5 : vector<16xf32> to vector<1x16xf32>
      tpu.vector_store %arg9[%swap3A_126, %swap3A_127], %swap3A_130 {strides = array<i32>} : memref<128x128xf32, #tpu.memory_space<vmem>>, vector<1x16xf32>,
      %swap3A_131 = arith.index_cast %scan3A_105 : i32 to index
      %swap3A_132 = arith.constant 80 : index
      %swap3A_133 = tpu.vector_load %arg9[%swap3A_131, %swap3A_132] {strides = array<i32>} : memref<128x128xf32, #tpu.memory_space<vmem>>, vector<1x16xf32>,
      %swap3A_134 = vector.shape_cast %swap3A_133 : vector<1x16xf32> to vector<16xf32>
      %swap3A_135 = vector.shape_cast %broadcast_in_dim3A_5 : vector<16xf32> to vector<1x16xf32>
      tpu.vector_store %arg9[%swap3A_131, %swap3A_132], %swap3A_135 {strides = array<i32>} : memref<128x128xf32, #tpu.memory_space<vmem>>, vector<1x16xf32>,
      %swap3A_136 = arith.index_cast %scan3A_105 : i32 to index
      %swap3A_137 = arith.constant 96 : index
      %swap3A_138 = tpu.vector_load %arg9[%swap3A_136, %swap3A_137] {strides = array<i32>} : memref<128x128xf32, #tpu.memory_space<vmem>>, vector<1x16xf32>,
      %swap3A_139 = vector.shape_cast %swap3A_138 : vector<1x16xf32> to vector<16xf32>
      %swap3A_140 = vector.shape_cast %broadcast_in_dim3A_5 : vector<16xf32> to vector<1x16xf32>
      tpu.vector_store %arg9[%swap3A_136, %swap3A_137], %swap3A_140 {strides = array<i32>} : memref<128x128xf32, #tpu.memory_space<vmem>>, vector<1x16xf32>,
      %swap3A_141 = arith.index_cast %scan3A_105 : i32 to index
      %swap3A_142 = arith.constant 112 : index
      %swap3A_143 = tpu.vector_load %arg9[%swap3A_141, %swap3A_142] {strides = array<i32>} : memref<128x128xf32, #tpu.memory_space<vmem>>, vector<1x16xf32>,
      %swap3A_144 = vector.shape_cast %swap3A_143 : vector<1x16xf32> to vector<16xf32>
      %swap3A_145 = vector.shape_cast %broadcast_in_dim3A_5 : vector<16xf32> to vector<1x16xf32>
      tpu.vector_store %arg9[%swap3A_141, %swap3A_142], %swap3A_145 {strides = array<i32>} : memref<128x128xf32, #tpu.memory_space<vmem>>, vector<1x16xf32>,
      %scan3A_146 = arith.constant 0 : i32
      scf.yield %scan3A_146 : i32
    }
    %scan3A_75 = arith.constant 128 : i32
    %barrier3A_76 = arith.constant 0 : index
    tpu.barrier barrier_id(%barrier3A_76)
    "tpu.trace_stop"() : () -> ()
    "tpu.trace_start"() <{level = 10 : i32, message = "p2_main"}> : () -> ()
    %scan3A_77 = arith.constant 0 : i32
    %scan3A_78 = arith.constant 0 : i32
    %scan3A_79 = arith.constant 5 : i32
    %scan3A_80 = arith.addi %scan3A_78, %scan3A_79 : i32
    %scan3A_81 = arith.constant 1 : i32
    %scan3A_82 = scf.for %scan3A_105 = %scan3A_78 to %scan3A_80 step %scan3A_81 iter_args(%scan3A_106 = %scan3A_77) -> (i32)  : i32 {
      "tpu.region"() ({
        %run_scoped3A = tpu.sem_alloc : memref<!tpu.dma_semaphore, #tpu.memory_space<semaphore_mem>>
        %dma_start3A = arith.constant 0 : i32
        %dma_start3A_115 = arith.constant 0 : i32
        %dma_start3A_116 = tpu.memref_slice %arg4[%arg1, %scan3A_105, %dma_start3A, %dma_start3A_115] : memref<16x5x16x128xi32, #tpu.memory_space<hbm>> -> memref<1x1x16x128xi32, #tpu.memory_space<hbm>>
        %dma_start3A_117 = tpu.memref_squeeze %dma_start3A_116 : memref<1x1x16x128xi32, #tpu.memory_space<hbm>> -> memref<16x128xi32, #tpu.memory_space<hbm>>
        %dma_start3A_118 = arith.constant 0 : i32
        %dma_start3A_119 = arith.constant 0 : i32
        %dma_start3A_120 = tpu.memref_slice %arg4[%arg1, %scan3A_105, %dma_start3A_118, %dma_start3A_119] : memref<16x5x16x128xi32, #tpu.memory_space<hbm>> -> memref<1x1x16x128xi32, #tpu.memory_space<hbm>>
        %dma_start3A_121 = tpu.memref_squeeze %dma_start3A_120 : memref<1x1x16x128xi32, #tpu.memory_space<hbm>> -> memref<16x128xi32, #tpu.memory_space<hbm>>
        tpu.enqueue_dma source(%dma_start3A_121 : memref<16x128xi32, #tpu.memory_space<hbm>>) target(%arg8 : memref<16x128xi32, #tpu.memory_space<vmem>>) target_semaphore(%run_scoped3A : memref<!tpu.dma_semaphore, #tpu.memory_space<semaphore_mem>>)
        %dma_wait3A = arith.constant 0 : i32
        %dma_wait3A_122 = arith.constant 0 : i32
        %dma_wait3A_123 = tpu.memref_slice %arg4[%arg1, %scan3A_105, %dma_wait3A, %dma_wait3A_122] : memref<16x5x16x128xi32, #tpu.memory_space<hbm>> -> memref<1x1x16x128xi32, #tpu.memory_space<hbm>>
        %dma_wait3A_124 = tpu.memref_squeeze %dma_wait3A_123 : memref<1x1x16x128xi32, #tpu.memory_space<hbm>> -> memref<16x128xi32, #tpu.memory_space<hbm>>
        %dma_wait3A_125 = arith.constant 0 : i32
        %dma_wait3A_126 = arith.constant 0 : i32
        %dma_wait3A_127 = tpu.memref_slice %arg4[%arg1, %scan3A_105, %dma_wait3A_125, %dma_wait3A_126] : memref<16x5x16x128xi32, #tpu.memory_space<hbm>> -> memref<1x1x16x128xi32, #tpu.memory_space<hbm>>
        %dma_wait3A_128 = tpu.memref_squeeze %dma_wait3A_127 : memref<1x1x16x128xi32, #tpu.memory_space<hbm>> -> memref<16x128xi32, #tpu.memory_space<hbm>>
        tpu.wait_dma2 semaphore(%run_scoped3A : memref<!tpu.dma_semaphore, #tpu.memory_space<semaphore_mem>>) src(%dma_wait3A_128 : memref<16x128xi32, #tpu.memory_space<hbm>>) dst(%arg8 : memref<16x128xi32, #tpu.memory_space<vmem>>)
        tpu.yield
      }) : () -> ()
      %eq3A = arith.constant 0 : i32
      %eq3A_107 = arith.cmpi eq, %arg0, %eq3A : i32
      %convert_element_type3A = arith.extui %eq3A_107 : i1 to i32
      %cond3A = arith.constant 0 : i32
      %cond3A_108 = arith.cmpi ne, %convert_element_type3A, %cond3A : i32
      scf.if %cond3A_108 {
        %dma_start3A = arith.constant 0 : i32
        %dma_start3A_115 = arith.constant 0 : i32
        %dma_start3A_116 = tpu.memref_slice %arg8[%dma_start3A, %dma_start3A_115] : memref<16x128xi32, #tpu.memory_space<vmem>> -> memref<1x128xi32, #tpu.memory_space<vmem>>
        %dma_start3A_117 = tpu.memref_squeeze %dma_start3A_116 : memref<1x128xi32, #tpu.memory_space<vmem>> -> memref<128xi32, #tpu.memory_space<vmem>>
        %dma_start3A_118 = arith.constant 0 : i32
        %dma_start3A_119 = arith.constant 0 : i32
        %dma_start3A_120 = tpu.memref_slice %arg11[%dma_start3A_118, %dma_start3A_119] : memref<10240x128xf32, #tpu.memory_space<vmem_shared>> -> memref<10240x128xf32, #tpu.memory_space<vmem_shared>>
        tpu.enqueue_indirect_dma source(%arg9 : memref<128x128xf32, #tpu.memory_space<vmem>>) target(%dma_start3A_120 : memref<10240x128xf32, #tpu.memory_space<vmem_shared>>) offsets(%dma_start3A_117 : memref<128xi32, #tpu.memory_space<vmem>>) semaphore(%arg14 : memref<!tpu.dma_semaphore, #tpu.memory_space<semaphore_mem>>) {add = true}
        %dma_start3A_121 = arith.constant 2 : i32
        %dma_start3A_122 = arith.constant 0 : i32
        %dma_start3A_123 = tpu.memref_slice %arg8[%dma_start3A_121, %dma_start3A_122] : memref<16x128xi32, #tpu.memory_space<vmem>> -> memref<1x128xi32, #tpu.memory_space<vmem>>
        %dma_start3A_124 = tpu.memref_squeeze %dma_start3A_123 : memref<1x128xi32, #tpu.memory_space<vmem>> -> memref<128xi32, #tpu.memory_space<vmem>>
        %dma_start3A_125 = arith.constant 0 : i32
        %dma_start3A_126 = arith.constant 0 : i32
        %dma_start3A_127 = tpu.memref_slice %arg11[%dma_start3A_125, %dma_start3A_126] : memref<10240x128xf32, #tpu.memory_space<vmem_shared>> -> memref<10240x128xf32, #tpu.memory_space<vmem_shared>>
        tpu.enqueue_indirect_dma source(%arg9 : memref<128x128xf32, #tpu.memory_space<vmem>>) target(%dma_start3A_127 : memref<10240x128xf32, #tpu.memory_space<vmem_shared>>) offsets(%dma_start3A_124 : memref<128xi32, #tpu.memory_space<vmem>>) semaphore(%arg14 : memref<!tpu.dma_semaphore, #tpu.memory_space<semaphore_mem>>) {add = true}
        %dma_start3A_128 = arith.constant 4 : i32
        %dma_start3A_129 = arith.constant 0 : i32
        %dma_start3A_130 = tpu.memref_slice %arg8[%dma_start3A_128, %dma_start3A_129] : memref<16x128xi32, #tpu.memory_space<vmem>> -> memref<1x128xi32, #tpu.memory_space<vmem>>
        %dma_start3A_131 = tpu.memref_squeeze %dma_start3A_130 : memref<1x128xi32, #tpu.memory_space<vmem>> -> memref<128xi32, #tpu.memory_space<vmem>>
        %dma_start3A_132 = arith.constant 0 : i32
        %dma_start3A_133 = arith.constant 0 : i32
        %dma_start3A_134 = tpu.memref_slice %arg11[%dma_start3A_132, %dma_start3A_133] : memref<10240x128xf32, #tpu.memory_space<vmem_shared>> -> memref<10240x128xf32, #tpu.memory_space<vmem_shared>>
        tpu.enqueue_indirect_dma source(%arg9 : memref<128x128xf32, #tpu.memory_space<vmem>>) target(%dma_start3A_134 : memref<10240x128xf32, #tpu.memory_space<vmem_shared>>) offsets(%dma_start3A_131 : memref<128xi32, #tpu.memory_space<vmem>>) semaphore(%arg14 : memref<!tpu.dma_semaphore, #tpu.memory_space<semaphore_mem>>) {add = true}
        %dma_start3A_135 = arith.constant 6 : i32
        %dma_start3A_136 = arith.constant 0 : i32
        %dma_start3A_137 = tpu.memref_slice %arg8[%dma_start3A_135, %dma_start3A_136] : memref<16x128xi32, #tpu.memory_space<vmem>> -> memref<1x128xi32, #tpu.memory_space<vmem>>
        %dma_start3A_138 = tpu.memref_squeeze %dma_start3A_137 : memref<1x128xi32, #tpu.memory_space<vmem>> -> memref<128xi32, #tpu.memory_space<vmem>>
        %dma_start3A_139 = arith.constant 0 : i32
        %dma_start3A_140 = arith.constant 0 : i32
        %dma_start3A_141 = tpu.memref_slice %arg11[%dma_start3A_139, %dma_start3A_140] : memref<10240x128xf32, #tpu.memory_space<vmem_shared>> -> memref<10240x128xf32, #tpu.memory_space<vmem_shared>>
        tpu.enqueue_indirect_dma source(%arg9 : memref<128x128xf32, #tpu.memory_space<vmem>>) target(%dma_start3A_141 : memref<10240x128xf32, #tpu.memory_space<vmem_shared>>) offsets(%dma_start3A_138 : memref<128xi32, #tpu.memory_space<vmem>>) semaphore(%arg14 : memref<!tpu.dma_semaphore, #tpu.memory_space<semaphore_mem>>) {add = true}
        %dma_start3A_142 = arith.constant 8 : i32
        %dma_start3A_143 = arith.constant 0 : i32
        %dma_start3A_144 = tpu.memref_slice %arg8[%dma_start3A_142, %dma_start3A_143] : memref<16x128xi32, #tpu.memory_space<vmem>> -> memref<1x128xi32, #tpu.memory_space<vmem>>
        %dma_start3A_145 = tpu.memref_squeeze %dma_start3A_144 : memref<1x128xi32, #tpu.memory_space<vmem>> -> memref<128xi32, #tpu.memory_space<vmem>>
        %dma_start3A_146 = arith.constant 0 : i32
        %dma_start3A_147 = arith.constant 0 : i32
        %dma_start3A_148 = tpu.memref_slice %arg11[%dma_start3A_146, %dma_start3A_147] : memref<10240x128xf32, #tpu.memory_space<vmem_shared>> -> memref<10240x128xf32, #tpu.memory_space<vmem_shared>>
        tpu.enqueue_indirect_dma source(%arg9 : memref<128x128xf32, #tpu.memory_space<vmem>>) target(%dma_start3A_148 : memref<10240x128xf32, #tpu.memory_space<vmem_shared>>) offsets(%dma_start3A_145 : memref<128xi32, #tpu.memory_space<vmem>>) semaphore(%arg14 : memref<!tpu.dma_semaphore, #tpu.memory_space<semaphore_mem>>) {add = true}
        %dma_start3A_149 = arith.constant 10 : i32
        %dma_start3A_150 = arith.constant 0 : i32
        %dma_start3A_151 = tpu.memref_slice %arg8[%dma_start3A_149, %dma_start3A_150] : memref<16x128xi32, #tpu.memory_space<vmem>> -> memref<1x128xi32, #tpu.memory_space<vmem>>
        %dma_start3A_152 = tpu.memref_squeeze %dma_start3A_151 : memref<1x128xi32, #tpu.memory_space<vmem>> -> memref<128xi32, #tpu.memory_space<vmem>>
        %dma_start3A_153 = arith.constant 0 : i32
        %dma_start3A_154 = arith.constant 0 : i32
        %dma_start3A_155 = tpu.memref_slice %arg11[%dma_start3A_153, %dma_start3A_154] : memref<10240x128xf32, #tpu.memory_space<vmem_shared>> -> memref<10240x128xf32, #tpu.memory_space<vmem_shared>>
        tpu.enqueue_indirect_dma source(%arg9 : memref<128x128xf32, #tpu.memory_space<vmem>>) target(%dma_start3A_155 : memref<10240x128xf32, #tpu.memory_space<vmem_shared>>) offsets(%dma_start3A_152 : memref<128xi32, #tpu.memory_space<vmem>>) semaphore(%arg14 : memref<!tpu.dma_semaphore, #tpu.memory_space<semaphore_mem>>) {add = true}
        %dma_start3A_156 = arith.constant 12 : i32
        %dma_start3A_157 = arith.constant 0 : i32
        %dma_start3A_158 = tpu.memref_slice %arg8[%dma_start3A_156, %dma_start3A_157] : memref<16x128xi32, #tpu.memory_space<vmem>> -> memref<1x128xi32, #tpu.memory_space<vmem>>
        %dma_start3A_159 = tpu.memref_squeeze %dma_start3A_158 : memref<1x128xi32, #tpu.memory_space<vmem>> -> memref<128xi32, #tpu.memory_space<vmem>>
        %dma_start3A_160 = arith.constant 0 : i32
        %dma_start3A_161 = arith.constant 0 : i32
        %dma_start3A_162 = tpu.memref_slice %arg11[%dma_start3A_160, %dma_start3A_161] : memref<10240x128xf32, #tpu.memory_space<vmem_shared>> -> memref<10240x128xf32, #tpu.memory_space<vmem_shared>>
        tpu.enqueue_indirect_dma source(%arg9 : memref<128x128xf32, #tpu.memory_space<vmem>>) target(%dma_start3A_162 : memref<10240x128xf32, #tpu.memory_space<vmem_shared>>) offsets(%dma_start3A_159 : memref<128xi32, #tpu.memory_space<vmem>>) semaphore(%arg14 : memref<!tpu.dma_semaphore, #tpu.memory_space<semaphore_mem>>) {add = true}
        %dma_start3A_163 = arith.constant 14 : i32
        %dma_start3A_164 = arith.constant 0 : i32
        %dma_start3A_165 = tpu.memref_slice %arg8[%dma_start3A_163, %dma_start3A_164] : memref<16x128xi32, #tpu.memory_space<vmem>> -> memref<1x128xi32, #tpu.memory_space<vmem>>
        %dma_start3A_166 = tpu.memref_squeeze %dma_start3A_165 : memref<1x128xi32, #tpu.memory_space<vmem>> -> memref<128xi32, #tpu.memory_space<vmem>>
        %dma_start3A_167 = arith.constant 0 : i32
        %dma_start3A_168 = arith.constant 0 : i32
        %dma_start3A_169 = tpu.memref_slice %arg11[%dma_start3A_167, %dma_start3A_168] : memref<10240x128xf32, #tpu.memory_space<vmem_shared>> -> memref<10240x128xf32, #tpu.memory_space<vmem_shared>>
        tpu.enqueue_indirect_dma source(%arg9 : memref<128x128xf32, #tpu.memory_space<vmem>>) target(%dma_start3A_169 : memref<10240x128xf32, #tpu.memory_space<vmem_shared>>) offsets(%dma_start3A_166 : memref<128xi32, #tpu.memory_space<vmem>>) semaphore(%arg14 : memref<!tpu.dma_semaphore, #tpu.memory_space<semaphore_mem>>) {add = true}
        %dma_wait3A = arith.constant 0 : i32
        %dma_wait3A_170 = arith.constant 0 : i32
        %dma_wait3A_171 = tpu.memref_slice %arg8[%dma_wait3A, %dma_wait3A_170] : memref<16x128xi32, #tpu.memory_space<vmem>> -> memref<1x128xi32, #tpu.memory_space<vmem>>
        %dma_wait3A_172 = tpu.memref_squeeze %dma_wait3A_171 : memref<1x128xi32, #tpu.memory_space<vmem>> -> memref<128xi32, #tpu.memory_space<vmem>>
        %dma_wait3A_173 = arith.constant 0 : i32
        %dma_wait3A_174 = arith.constant 0 : i32
        %dma_wait3A_175 = tpu.memref_slice %arg11[%dma_wait3A_173, %dma_wait3A_174] : memref<10240x128xf32, #tpu.memory_space<vmem_shared>> -> memref<10240x128xf32, #tpu.memory_space<vmem_shared>>
        tpu.wait_indirect_dma semaphore(%arg14 : memref<!tpu.dma_semaphore, #tpu.memory_space<semaphore_mem>>) src(%arg9 : memref<128x128xf32, #tpu.memory_space<vmem>>) dst(%dma_wait3A_175 : memref<10240x128xf32, #tpu.memory_space<vmem_shared>>)
        %dma_wait3A_176 = arith.constant 2 : i32
        %dma_wait3A_177 = arith.constant 0 : i32
        %dma_wait3A_178 = tpu.memref_slice %arg8[%dma_wait3A_176, %dma_wait3A_177] : memref<16x128xi32, #tpu.memory_space<vmem>> -> memref<1x128xi32, #tpu.memory_space<vmem>>
        %dma_wait3A_179 = tpu.memref_squeeze %dma_wait3A_178 : memref<1x128xi32, #tpu.memory_space<vmem>> -> memref<128xi32, #tpu.memory_space<vmem>>
        %dma_wait3A_180 = arith.constant 0 : i32
        %dma_wait3A_181 = arith.constant 0 : i32
        %dma_wait3A_182 = tpu.memref_slice %arg11[%dma_wait3A_180, %dma_wait3A_181] : memref<10240x128xf32, #tpu.memory_space<vmem_shared>> -> memref<10240x128xf32, #tpu.memory_space<vmem_shared>>
        tpu.wait_indirect_dma semaphore(%arg14 : memref<!tpu.dma_semaphore, #tpu.memory_space<semaphore_mem>>) src(%arg9 : memref<128x128xf32, #tpu.memory_space<vmem>>) dst(%dma_wait3A_182 : memref<10240x128xf32, #tpu.memory_space<vmem_shared>>)
        %dma_wait3A_183 = arith.constant 4 : i32
        %dma_wait3A_184 = arith.constant 0 : i32
        %dma_wait3A_185 = tpu.memref_slice %arg8[%dma_wait3A_183, %dma_wait3A_184] : memref<16x128xi32, #tpu.memory_space<vmem>> -> memref<1x128xi32, #tpu.memory_space<vmem>>
        %dma_wait3A_186 = tpu.memref_squeeze %dma_wait3A_185 : memref<1x128xi32, #tpu.memory_space<vmem>> -> memref<128xi32, #tpu.memory_space<vmem>>
        %dma_wait3A_187 = arith.constant 0 : i32
        %dma_wait3A_188 = arith.constant 0 : i32
        %dma_wait3A_189 = tpu.memref_slice %arg11[%dma_wait3A_187, %dma_wait3A_188] : memref<10240x128xf32, #tpu.memory_space<vmem_shared>> -> memref<10240x128xf32, #tpu.memory_space<vmem_shared>>
        tpu.wait_indirect_dma semaphore(%arg14 : memref<!tpu.dma_semaphore, #tpu.memory_space<semaphore_mem>>) src(%arg9 : memref<128x128xf32, #tpu.memory_space<vmem>>) dst(%dma_wait3A_189 : memref<10240x128xf32, #tpu.memory_space<vmem_shared>>)
        %dma_wait3A_190 = arith.constant 6 : i32
        %dma_wait3A_191 = arith.constant 0 : i32
        %dma_wait3A_192 = tpu.memref_slice %arg8[%dma_wait3A_190, %dma_wait3A_191] : memref<16x128xi32, #tpu.memory_space<vmem>> -> memref<1x128xi32, #tpu.memory_space<vmem>>
        %dma_wait3A_193 = tpu.memref_squeeze %dma_wait3A_192 : memref<1x128xi32, #tpu.memory_space<vmem>> -> memref<128xi32, #tpu.memory_space<vmem>>
        %dma_wait3A_194 = arith.constant 0 : i32
        %dma_wait3A_195 = arith.constant 0 : i32
        %dma_wait3A_196 = tpu.memref_slice %arg11[%dma_wait3A_194, %dma_wait3A_195] : memref<10240x128xf32, #tpu.memory_space<vmem_shared>> -> memref<10240x128xf32, #tpu.memory_space<vmem_shared>>
        tpu.wait_indirect_dma semaphore(%arg14 : memref<!tpu.dma_semaphore, #tpu.memory_space<semaphore_mem>>) src(%arg9 : memref<128x128xf32, #tpu.memory_space<vmem>>) dst(%dma_wait3A_196 : memref<10240x128xf32, #tpu.memory_space<vmem_shared>>)
        %dma_wait3A_197 = arith.constant 8 : i32
        %dma_wait3A_198 = arith.constant 0 : i32
        %dma_wait3A_199 = tpu.memref_slice %arg8[%dma_wait3A_197, %dma_wait3A_198] : memref<16x128xi32, #tpu.memory_space<vmem>> -> memref<1x128xi32, #tpu.memory_space<vmem>>
        %dma_wait3A_200 = tpu.memref_squeeze %dma_wait3A_199 : memref<1x128xi32, #tpu.memory_space<vmem>> -> memref<128xi32, #tpu.memory_space<vmem>>
        %dma_wait3A_201 = arith.constant 0 : i32
        %dma_wait3A_202 = arith.constant 0 : i32
        %dma_wait3A_203 = tpu.memref_slice %arg11[%dma_wait3A_201, %dma_wait3A_202] : memref<10240x128xf32, #tpu.memory_space<vmem_shared>> -> memref<10240x128xf32, #tpu.memory_space<vmem_shared>>
        tpu.wait_indirect_dma semaphore(%arg14 : memref<!tpu.dma_semaphore, #tpu.memory_space<semaphore_mem>>) src(%arg9 : memref<128x128xf32, #tpu.memory_space<vmem>>) dst(%dma_wait3A_203 : memref<10240x128xf32, #tpu.memory_space<vmem_shared>>)
        %dma_wait3A_204 = arith.constant 10 : i32
        %dma_wait3A_205 = arith.constant 0 : i32
        %dma_wait3A_206 = tpu.memref_slice %arg8[%dma_wait3A_204, %dma_wait3A_205] : memref<16x128xi32, #tpu.memory_space<vmem>> -> memref<1x128xi32, #tpu.memory_space<vmem>>
        %dma_wait3A_207 = tpu.memref_squeeze %dma_wait3A_206 : memref<1x128xi32, #tpu.memory_space<vmem>> -> memref<128xi32, #tpu.memory_space<vmem>>
        %dma_wait3A_208 = arith.constant 0 : i32
        %dma_wait3A_209 = arith.constant 0 : i32
        %dma_wait3A_210 = tpu.memref_slice %arg11[%dma_wait3A_208, %dma_wait3A_209] : memref<10240x128xf32, #tpu.memory_space<vmem_shared>> -> memref<10240x128xf32, #tpu.memory_space<vmem_shared>>
        tpu.wait_indirect_dma semaphore(%arg14 : memref<!tpu.dma_semaphore, #tpu.memory_space<semaphore_mem>>) src(%arg9 : memref<128x128xf32, #tpu.memory_space<vmem>>) dst(%dma_wait3A_210 : memref<10240x128xf32, #tpu.memory_space<vmem_shared>>)
        %dma_wait3A_211 = arith.constant 12 : i32
        %dma_wait3A_212 = arith.constant 0 : i32
        %dma_wait3A_213 = tpu.memref_slice %arg8[%dma_wait3A_211, %dma_wait3A_212] : memref<16x128xi32, #tpu.memory_space<vmem>> -> memref<1x128xi32, #tpu.memory_space<vmem>>
        %dma_wait3A_214 = tpu.memref_squeeze %dma_wait3A_213 : memref<1x128xi32, #tpu.memory_space<vmem>> -> memref<128xi32, #tpu.memory_space<vmem>>
        %dma_wait3A_215 = arith.constant 0 : i32
        %dma_wait3A_216 = arith.constant 0 : i32
        %dma_wait3A_217 = tpu.memref_slice %arg11[%dma_wait3A_215, %dma_wait3A_216] : memref<10240x128xf32, #tpu.memory_space<vmem_shared>> -> memref<10240x128xf32, #tpu.memory_space<vmem_shared>>
        tpu.wait_indirect_dma semaphore(%arg14 : memref<!tpu.dma_semaphore, #tpu.memory_space<semaphore_mem>>) src(%arg9 : memref<128x128xf32, #tpu.memory_space<vmem>>) dst(%dma_wait3A_217 : memref<10240x128xf32, #tpu.memory_space<vmem_shared>>)
        %dma_wait3A_218 = arith.constant 14 : i32
        %dma_wait3A_219 = arith.constant 0 : i32
        %dma_wait3A_220 = tpu.memref_slice %arg8[%dma_wait3A_218, %dma_wait3A_219] : memref<16x128xi32, #tpu.memory_space<vmem>> -> memref<1x128xi32, #tpu.memory_space<vmem>>
        %dma_wait3A_221 = tpu.memref_squeeze %dma_wait3A_220 : memref<1x128xi32, #tpu.memory_space<vmem>> -> memref<128xi32, #tpu.memory_space<vmem>>
        %dma_wait3A_222 = arith.constant 0 : i32
        %dma_wait3A_223 = arith.constant 0 : i32
        %dma_wait3A_224 = tpu.memref_slice %arg11[%dma_wait3A_222, %dma_wait3A_223] : memref<10240x128xf32, #tpu.memory_space<vmem_shared>> -> memref<10240x128xf32, #tpu.memory_space<vmem_shared>>
        tpu.wait_indirect_dma semaphore(%arg14 : memref<!tpu.dma_semaphore, #tpu.memory_space<semaphore_mem>>) src(%arg9 : memref<128x128xf32, #tpu.memory_space<vmem>>) dst(%dma_wait3A_224 : memref<10240x128xf32, #tpu.memory_space<vmem_shared>>)
      } else {
      }
      %eq3A_109 = arith.constant 1 : i32
      %eq3A_110 = arith.cmpi eq, %arg0, %eq3A_109 : i32
      %convert_element_type3A_111 = arith.extui %eq3A_110 : i1 to i32
      %cond3A_112 = arith.constant 0 : i32
      %cond3A_113 = arith.cmpi ne, %convert_element_type3A_111, %cond3A_112 : i32
      scf.if %cond3A_113 {
        %dma_start3A = arith.constant 1 : i32
        %dma_start3A_115 = arith.constant 0 : i32
        %dma_start3A_116 = tpu.memref_slice %arg8[%dma_start3A, %dma_start3A_115] : memref<16x128xi32, #tpu.memory_space<vmem>> -> memref<1x128xi32, #tpu.memory_space<vmem>>
        %dma_start3A_117 = tpu.memref_squeeze %dma_start3A_116 : memref<1x128xi32, #tpu.memory_space<vmem>> -> memref<128xi32, #tpu.memory_space<vmem>>
        %dma_start3A_118 = arith.constant 0 : i32
        %dma_start3A_119 = arith.constant 0 : i32
        %dma_start3A_120 = tpu.memref_slice %arg11[%dma_start3A_118, %dma_start3A_119] : memref<10240x128xf32, #tpu.memory_space<vmem_shared>> -> memref<10240x128xf32, #tpu.memory_space<vmem_shared>>
        tpu.enqueue_indirect_dma source(%arg9 : memref<128x128xf32, #tpu.memory_space<vmem>>) target(%dma_start3A_120 : memref<10240x128xf32, #tpu.memory_space<vmem_shared>>) offsets(%dma_start3A_117 : memref<128xi32, #tpu.memory_space<vmem>>) semaphore(%arg14 : memref<!tpu.dma_semaphore, #tpu.memory_space<semaphore_mem>>) {add = true}
        %dma_start3A_121 = arith.constant 3 : i32
        %dma_start3A_122 = arith.constant 0 : i32
        %dma_start3A_123 = tpu.memref_slice %arg8[%dma_start3A_121, %dma_start3A_122] : memref<16x128xi32, #tpu.memory_space<vmem>> -> memref<1x128xi32, #tpu.memory_space<vmem>>
        %dma_start3A_124 = tpu.memref_squeeze %dma_start3A_123 : memref<1x128xi32, #tpu.memory_space<vmem>> -> memref<128xi32, #tpu.memory_space<vmem>>
        %dma_start3A_125 = arith.constant 0 : i32
        %dma_start3A_126 = arith.constant 0 : i32
        %dma_start3A_127 = tpu.memref_slice %arg11[%dma_start3A_125, %dma_start3A_126] : memref<10240x128xf32, #tpu.memory_space<vmem_shared>> -> memref<10240x128xf32, #tpu.memory_space<vmem_shared>>
        tpu.enqueue_indirect_dma source(%arg9 : memref<128x128xf32, #tpu.memory_space<vmem>>) target(%dma_start3A_127 : memref<10240x128xf32, #tpu.memory_space<vmem_shared>>) offsets(%dma_start3A_124 : memref<128xi32, #tpu.memory_space<vmem>>) semaphore(%arg14 : memref<!tpu.dma_semaphore, #tpu.memory_space<semaphore_mem>>) {add = true}
        %dma_start3A_128 = arith.constant 5 : i32
        %dma_start3A_129 = arith.constant 0 : i32
        %dma_start3A_130 = tpu.memref_slice %arg8[%dma_start3A_128, %dma_start3A_129] : memref<16x128xi32, #tpu.memory_space<vmem>> -> memref<1x128xi32, #tpu.memory_space<vmem>>
        %dma_start3A_131 = tpu.memref_squeeze %dma_start3A_130 : memref<1x128xi32, #tpu.memory_space<vmem>> -> memref<128xi32, #tpu.memory_space<vmem>>
        %dma_start3A_132 = arith.constant 0 : i32
        %dma_start3A_133 = arith.constant 0 : i32
        %dma_start3A_134 = tpu.memref_slice %arg11[%dma_start3A_132, %dma_start3A_133] : memref<10240x128xf32, #tpu.memory_space<vmem_shared>> -> memref<10240x128xf32, #tpu.memory_space<vmem_shared>>
        tpu.enqueue_indirect_dma source(%arg9 : memref<128x128xf32, #tpu.memory_space<vmem>>) target(%dma_start3A_134 : memref<10240x128xf32, #tpu.memory_space<vmem_shared>>) offsets(%dma_start3A_131 : memref<128xi32, #tpu.memory_space<vmem>>) semaphore(%arg14 : memref<!tpu.dma_semaphore, #tpu.memory_space<semaphore_mem>>) {add = true}
        %dma_start3A_135 = arith.constant 7 : i32
        %dma_start3A_136 = arith.constant 0 : i32
        %dma_start3A_137 = tpu.memref_slice %arg8[%dma_start3A_135, %dma_start3A_136] : memref<16x128xi32, #tpu.memory_space<vmem>> -> memref<1x128xi32, #tpu.memory_space<vmem>>
        %dma_start3A_138 = tpu.memref_squeeze %dma_start3A_137 : memref<1x128xi32, #tpu.memory_space<vmem>> -> memref<128xi32, #tpu.memory_space<vmem>>
        %dma_start3A_139 = arith.constant 0 : i32
        %dma_start3A_140 = arith.constant 0 : i32
        %dma_start3A_141 = tpu.memref_slice %arg11[%dma_start3A_139, %dma_start3A_140] : memref<10240x128xf32, #tpu.memory_space<vmem_shared>> -> memref<10240x128xf32, #tpu.memory_space<vmem_shared>>
        tpu.enqueue_indirect_dma source(%arg9 : memref<128x128xf32, #tpu.memory_space<vmem>>) target(%dma_start3A_141 : memref<10240x128xf32, #tpu.memory_space<vmem_shared>>) offsets(%dma_start3A_138 : memref<128xi32, #tpu.memory_space<vmem>>) semaphore(%arg14 : memref<!tpu.dma_semaphore, #tpu.memory_space<semaphore_mem>>) {add = true}
        %dma_start3A_142 = arith.constant 9 : i32
        %dma_start3A_143 = arith.constant 0 : i32
        %dma_start3A_144 = tpu.memref_slice %arg8[%dma_start3A_142, %dma_start3A_143] : memref<16x128xi32, #tpu.memory_space<vmem>> -> memref<1x128xi32, #tpu.memory_space<vmem>>
        %dma_start3A_145 = tpu.memref_squeeze %dma_start3A_144 : memref<1x128xi32, #tpu.memory_space<vmem>> -> memref<128xi32, #tpu.memory_space<vmem>>
        %dma_start3A_146 = arith.constant 0 : i32
        %dma_start3A_147 = arith.constant 0 : i32
        %dma_start3A_148 = tpu.memref_slice %arg11[%dma_start3A_146, %dma_start3A_147] : memref<10240x128xf32, #tpu.memory_space<vmem_shared>> -> memref<10240x128xf32, #tpu.memory_space<vmem_shared>>
        tpu.enqueue_indirect_dma source(%arg9 : memref<128x128xf32, #tpu.memory_space<vmem>>) target(%dma_start3A_148 : memref<10240x128xf32, #tpu.memory_space<vmem_shared>>) offsets(%dma_start3A_145 : memref<128xi32, #tpu.memory_space<vmem>>) semaphore(%arg14 : memref<!tpu.dma_semaphore, #tpu.memory_space<semaphore_mem>>) {add = true}
        %dma_start3A_149 = arith.constant 11 : i32
        %dma_start3A_150 = arith.constant 0 : i32
        %dma_start3A_151 = tpu.memref_slice %arg8[%dma_start3A_149, %dma_start3A_150] : memref<16x128xi32, #tpu.memory_space<vmem>> -> memref<1x128xi32, #tpu.memory_space<vmem>>
        %dma_start3A_152 = tpu.memref_squeeze %dma_start3A_151 : memref<1x128xi32, #tpu.memory_space<vmem>> -> memref<128xi32, #tpu.memory_space<vmem>>
        %dma_start3A_153 = arith.constant 0 : i32
        %dma_start3A_154 = arith.constant 0 : i32
        %dma_start3A_155 = tpu.memref_slice %arg11[%dma_start3A_153, %dma_start3A_154] : memref<10240x128xf32, #tpu.memory_space<vmem_shared>> -> memref<10240x128xf32, #tpu.memory_space<vmem_shared>>
        tpu.enqueue_indirect_dma source(%arg9 : memref<128x128xf32, #tpu.memory_space<vmem>>) target(%dma_start3A_155 : memref<10240x128xf32, #tpu.memory_space<vmem_shared>>) offsets(%dma_start3A_152 : memref<128xi32, #tpu.memory_space<vmem>>) semaphore(%arg14 : memref<!tpu.dma_semaphore, #tpu.memory_space<semaphore_mem>>) {add = true}
        %dma_start3A_156 = arith.constant 13 : i32
        %dma_start3A_157 = arith.constant 0 : i32
        %dma_start3A_158 = tpu.memref_slice %arg8[%dma_start3A_156, %dma_start3A_157] : memref<16x128xi32, #tpu.memory_space<vmem>> -> memref<1x128xi32, #tpu.memory_space<vmem>>
        %dma_start3A_159 = tpu.memref_squeeze %dma_start3A_158 : memref<1x128xi32, #tpu.memory_space<vmem>> -> memref<128xi32, #tpu.memory_space<vmem>>
        %dma_start3A_160 = arith.constant 0 : i32
        %dma_start3A_161 = arith.constant 0 : i32
        %dma_start3A_162 = tpu.memref_slice %arg11[%dma_start3A_160, %dma_start3A_161] : memref<10240x128xf32, #tpu.memory_space<vmem_shared>> -> memref<10240x128xf32, #tpu.memory_space<vmem_shared>>
        tpu.enqueue_indirect_dma source(%arg9 : memref<128x128xf32, #tpu.memory_space<vmem>>) target(%dma_start3A_162 : memref<10240x128xf32, #tpu.memory_space<vmem_shared>>) offsets(%dma_start3A_159 : memref<128xi32, #tpu.memory_space<vmem>>) semaphore(%arg14 : memref<!tpu.dma_semaphore, #tpu.memory_space<semaphore_mem>>) {add = true}
        %dma_start3A_163 = arith.constant 15 : i32
        %dma_start3A_164 = arith.constant 0 : i32
        %dma_start3A_165 = tpu.memref_slice %arg8[%dma_start3A_163, %dma_start3A_164] : memref<16x128xi32, #tpu.memory_space<vmem>> -> memref<1x128xi32, #tpu.memory_space<vmem>>
        %dma_start3A_166 = tpu.memref_squeeze %dma_start3A_165 : memref<1x128xi32, #tpu.memory_space<vmem>> -> memref<128xi32, #tpu.memory_space<vmem>>
        %dma_start3A_167 = arith.constant 0 : i32
        %dma_start3A_168 = arith.constant 0 : i32
        %dma_start3A_169 = tpu.memref_slice %arg11[%dma_start3A_167, %dma_start3A_168] : memref<10240x128xf32, #tpu.memory_space<vmem_shared>> -> memref<10240x128xf32, #tpu.memory_space<vmem_shared>>
        tpu.enqueue_indirect_dma source(%arg9 : memref<128x128xf32, #tpu.memory_space<vmem>>) target(%dma_start3A_169 : memref<10240x128xf32, #tpu.memory_space<vmem_shared>>) offsets(%dma_start3A_166 : memref<128xi32, #tpu.memory_space<vmem>>) semaphore(%arg14 : memref<!tpu.dma_semaphore, #tpu.memory_space<semaphore_mem>>) {add = true}
        %dma_wait3A = arith.constant 1 : i32
        %dma_wait3A_170 = arith.constant 0 : i32
        %dma_wait3A_171 = tpu.memref_slice %arg8[%dma_wait3A, %dma_wait3A_170] : memref<16x128xi32, #tpu.memory_space<vmem>> -> memref<1x128xi32, #tpu.memory_space<vmem>>
        %dma_wait3A_172 = tpu.memref_squeeze %dma_wait3A_171 : memref<1x128xi32, #tpu.memory_space<vmem>> -> memref<128xi32, #tpu.memory_space<vmem>>
        %dma_wait3A_173 = arith.constant 0 : i32
        %dma_wait3A_174 = arith.constant 0 : i32
        %dma_wait3A_175 = tpu.memref_slice %arg11[%dma_wait3A_173, %dma_wait3A_174] : memref<10240x128xf32, #tpu.memory_space<vmem_shared>> -> memref<10240x128xf32, #tpu.memory_space<vmem_shared>>
        tpu.wait_indirect_dma semaphore(%arg14 : memref<!tpu.dma_semaphore, #tpu.memory_space<semaphore_mem>>) src(%arg9 : memref<128x128xf32, #tpu.memory_space<vmem>>) dst(%dma_wait3A_175 : memref<10240x128xf32, #tpu.memory_space<vmem_shared>>)
        %dma_wait3A_176 = arith.constant 3 : i32
        %dma_wait3A_177 = arith.constant 0 : i32
        %dma_wait3A_178 = tpu.memref_slice %arg8[%dma_wait3A_176, %dma_wait3A_177] : memref<16x128xi32, #tpu.memory_space<vmem>> -> memref<1x128xi32, #tpu.memory_space<vmem>>
        %dma_wait3A_179 = tpu.memref_squeeze %dma_wait3A_178 : memref<1x128xi32, #tpu.memory_space<vmem>> -> memref<128xi32, #tpu.memory_space<vmem>>
        %dma_wait3A_180 = arith.constant 0 : i32
        %dma_wait3A_181 = arith.constant 0 : i32
        %dma_wait3A_182 = tpu.memref_slice %arg11[%dma_wait3A_180, %dma_wait3A_181] : memref<10240x128xf32, #tpu.memory_space<vmem_shared>> -> memref<10240x128xf32, #tpu.memory_space<vmem_shared>>
        tpu.wait_indirect_dma semaphore(%arg14 : memref<!tpu.dma_semaphore, #tpu.memory_space<semaphore_mem>>) src(%arg9 : memref<128x128xf32, #tpu.memory_space<vmem>>) dst(%dma_wait3A_182 : memref<10240x128xf32, #tpu.memory_space<vmem_shared>>)
        %dma_wait3A_183 = arith.constant 5 : i32
        %dma_wait3A_184 = arith.constant 0 : i32
        %dma_wait3A_185 = tpu.memref_slice %arg8[%dma_wait3A_183, %dma_wait3A_184] : memref<16x128xi32, #tpu.memory_space<vmem>> -> memref<1x128xi32, #tpu.memory_space<vmem>>
        %dma_wait3A_186 = tpu.memref_squeeze %dma_wait3A_185 : memref<1x128xi32, #tpu.memory_space<vmem>> -> memref<128xi32, #tpu.memory_space<vmem>>
        %dma_wait3A_187 = arith.constant 0 : i32
        %dma_wait3A_188 = arith.constant 0 : i32
        %dma_wait3A_189 = tpu.memref_slice %arg11[%dma_wait3A_187, %dma_wait3A_188] : memref<10240x128xf32, #tpu.memory_space<vmem_shared>> -> memref<10240x128xf32, #tpu.memory_space<vmem_shared>>
        tpu.wait_indirect_dma semaphore(%arg14 : memref<!tpu.dma_semaphore, #tpu.memory_space<semaphore_mem>>) src(%arg9 : memref<128x128xf32, #tpu.memory_space<vmem>>) dst(%dma_wait3A_189 : memref<10240x128xf32, #tpu.memory_space<vmem_shared>>)
        %dma_wait3A_190 = arith.constant 7 : i32
        %dma_wait3A_191 = arith.constant 0 : i32
        %dma_wait3A_192 = tpu.memref_slice %arg8[%dma_wait3A_190, %dma_wait3A_191] : memref<16x128xi32, #tpu.memory_space<vmem>> -> memref<1x128xi32, #tpu.memory_space<vmem>>
        %dma_wait3A_193 = tpu.memref_squeeze %dma_wait3A_192 : memref<1x128xi32, #tpu.memory_space<vmem>> -> memref<128xi32, #tpu.memory_space<vmem>>
        %dma_wait3A_194 = arith.constant 0 : i32
        %dma_wait3A_195 = arith.constant 0 : i32
        %dma_wait3A_196 = tpu.memref_slice %arg11[%dma_wait3A_194, %dma_wait3A_195] : memref<10240x128xf32, #tpu.memory_space<vmem_shared>> -> memref<10240x128xf32, #tpu.memory_space<vmem_shared>>
        tpu.wait_indirect_dma semaphore(%arg14 : memref<!tpu.dma_semaphore, #tpu.memory_space<semaphore_mem>>) src(%arg9 : memref<128x128xf32, #tpu.memory_space<vmem>>) dst(%dma_wait3A_196 : memref<10240x128xf32, #tpu.memory_space<vmem_shared>>)
        %dma_wait3A_197 = arith.constant 9 : i32
        %dma_wait3A_198 = arith.constant 0 : i32
        %dma_wait3A_199 = tpu.memref_slice %arg8[%dma_wait3A_197, %dma_wait3A_198] : memref<16x128xi32, #tpu.memory_space<vmem>> -> memref<1x128xi32, #tpu.memory_space<vmem>>
        %dma_wait3A_200 = tpu.memref_squeeze %dma_wait3A_199 : memref<1x128xi32, #tpu.memory_space<vmem>> -> memref<128xi32, #tpu.memory_space<vmem>>
        %dma_wait3A_201 = arith.constant 0 : i32
        %dma_wait3A_202 = arith.constant 0 : i32
        %dma_wait3A_203 = tpu.memref_slice %arg11[%dma_wait3A_201, %dma_wait3A_202] : memref<10240x128xf32, #tpu.memory_space<vmem_shared>> -> memref<10240x128xf32, #tpu.memory_space<vmem_shared>>
        tpu.wait_indirect_dma semaphore(%arg14 : memref<!tpu.dma_semaphore, #tpu.memory_space<semaphore_mem>>) src(%arg9 : memref<128x128xf32, #tpu.memory_space<vmem>>) dst(%dma_wait3A_203 : memref<10240x128xf32, #tpu.memory_space<vmem_shared>>)
        %dma_wait3A_204 = arith.constant 11 : i32
        %dma_wait3A_205 = arith.constant 0 : i32
        %dma_wait3A_206 = tpu.memref_slice %arg8[%dma_wait3A_204, %dma_wait3A_205] : memref<16x128xi32, #tpu.memory_space<vmem>> -> memref<1x128xi32, #tpu.memory_space<vmem>>
        %dma_wait3A_207 = tpu.memref_squeeze %dma_wait3A_206 : memref<1x128xi32, #tpu.memory_space<vmem>> -> memref<128xi32, #tpu.memory_space<vmem>>
        %dma_wait3A_208 = arith.constant 0 : i32
        %dma_wait3A_209 = arith.constant 0 : i32
        %dma_wait3A_210 = tpu.memref_slice %arg11[%dma_wait3A_208, %dma_wait3A_209] : memref<10240x128xf32, #tpu.memory_space<vmem_shared>> -> memref<10240x128xf32, #tpu.memory_space<vmem_shared>>
        tpu.wait_indirect_dma semaphore(%arg14 : memref<!tpu.dma_semaphore, #tpu.memory_space<semaphore_mem>>) src(%arg9 : memref<128x128xf32, #tpu.memory_space<vmem>>) dst(%dma_wait3A_210 : memref<10240x128xf32, #tpu.memory_space<vmem_shared>>)
        %dma_wait3A_211 = arith.constant 13 : i32
        %dma_wait3A_212 = arith.constant 0 : i32
        %dma_wait3A_213 = tpu.memref_slice %arg8[%dma_wait3A_211, %dma_wait3A_212] : memref<16x128xi32, #tpu.memory_space<vmem>> -> memref<1x128xi32, #tpu.memory_space<vmem>>
        %dma_wait3A_214 = tpu.memref_squeeze %dma_wait3A_213 : memref<1x128xi32, #tpu.memory_space<vmem>> -> memref<128xi32, #tpu.memory_space<vmem>>
        %dma_wait3A_215 = arith.constant 0 : i32
        %dma_wait3A_216 = arith.constant 0 : i32
        %dma_wait3A_217 = tpu.memref_slice %arg11[%dma_wait3A_215, %dma_wait3A_216] : memref<10240x128xf32, #tpu.memory_space<vmem_shared>> -> memref<10240x128xf32, #tpu.memory_space<vmem_shared>>
        tpu.wait_indirect_dma semaphore(%arg14 : memref<!tpu.dma_semaphore, #tpu.memory_space<semaphore_mem>>) src(%arg9 : memref<128x128xf32, #tpu.memory_space<vmem>>) dst(%dma_wait3A_217 : memref<10240x128xf32, #tpu.memory_space<vmem_shared>>)
        %dma_wait3A_218 = arith.constant 15 : i32
        %dma_wait3A_219 = arith.constant 0 : i32
        %dma_wait3A_220 = tpu.memref_slice %arg8[%dma_wait3A_218, %dma_wait3A_219] : memref<16x128xi32, #tpu.memory_space<vmem>> -> memref<1x128xi32, #tpu.memory_space<vmem>>
        %dma_wait3A_221 = tpu.memref_squeeze %dma_wait3A_220 : memref<1x128xi32, #tpu.memory_space<vmem>> -> memref<128xi32, #tpu.memory_space<vmem>>
        %dma_wait3A_222 = arith.constant 0 : i32
        %dma_wait3A_223 = arith.constant 0 : i32
        %dma_wait3A_224 = tpu.memref_slice %arg11[%dma_wait3A_222, %dma_wait3A_223] : memref<10240x128xf32, #tpu.memory_space<vmem_shared>> -> memref<10240x128xf32, #tpu.memory_space<vmem_shared>>
        tpu.wait_indirect_dma semaphore(%arg14 : memref<!tpu.dma_semaphore, #tpu.memory_space<semaphore_mem>>) src(%arg9 : memref<128x128xf32, #tpu.memory_space<vmem>>) dst(%dma_wait3A_224 : memref<10240x128xf32, #tpu.memory_space<vmem_shared>>)
      } else {
      }
      %scan3A_114 = arith.constant 0 : i32
      scf.yield %scan3A_114 : i32
    }
    %scan3A_83 = arith.constant 5 : i32
    %barrier3A_84 = arith.constant 0 : index
    tpu.barrier barrier_id(%barrier3A_84)
    "tpu.trace_stop"() : () -> ()
    "tpu.trace_start"() <{level = 10 : i32, message = "p2_out"}> : () -> ()
    %add3A_85 = arith.constant 0 : i32
    %add3A_86 = arith.addi %mul3A_0, %add3A_85 : i32
    %add3A_87 = arith.constant 0 : i32
    %add3A_88 = arith.addi %add3A, %add3A_87 : i32
    "tpu.region"() ({
      %run_scoped3A = tpu.sem_alloc : memref<!tpu.dma_semaphore, #tpu.memory_space<semaphore_mem>>
      %dma_start3A = arith.constant 0 : i32
      %dma_start3A_105 = tpu.memref_slice %arg6[%add3A_88, %dma_start3A] : memref<20480x128xf32, #tpu.memory_space<hbm>> -> memref<128x128xf32, #tpu.memory_space<hbm>>
      %dma_start3A_106 = arith.constant 0 : i32
      %dma_start3A_107 = tpu.memref_slice %arg11[%add3A_86, %dma_start3A_106] : memref<10240x128xf32, #tpu.memory_space<vmem_shared>> -> memref<128x128xf32, #tpu.memory_space<vmem_shared>>
      tpu.enqueue_dma source(%dma_start3A_107 : memref<128x128xf32, #tpu.memory_space<vmem_shared>>) target(%dma_start3A_105 : memref<128x128xf32, #tpu.memory_space<hbm>>) target_semaphore(%run_scoped3A : memref<!tpu.dma_semaphore, #tpu.memory_space<semaphore_mem>>)
      %dma_wait3A = arith.constant 0 : i32
      %dma_wait3A_108 = tpu.memref_slice %arg6[%add3A_88, %dma_wait3A] : memref<20480x128xf32, #tpu.memory_space<hbm>> -> memref<128x128xf32, #tpu.memory_space<hbm>>
      %dma_wait3A_109 = arith.constant 0 : i32
      %dma_wait3A_110 = tpu.memref_slice %arg11[%add3A_86, %dma_wait3A_109] : memref<10240x128xf32, #tpu.memory_space<vmem_shared>> -> memref<128x128xf32, #tpu.memory_space<vmem_shared>>
      tpu.wait_dma2 semaphore(%run_scoped3A : memref<!tpu.dma_semaphore, #tpu.memory_space<semaphore_mem>>) src(%dma_wait3A_110 : memref<128x128xf32, #tpu.memory_space<vmem_shared>>) dst(%dma_wait3A_108 : memref<128x128xf32, #tpu.memory_space<hbm>>)
      tpu.yield
    }) : () -> ()
    %add3A_89 = arith.constant 128 : i32
    %add3A_90 = arith.addi %mul3A_0, %add3A_89 : i32
    %add3A_91 = arith.constant 128 : i32
    %add3A_92 = arith.addi %add3A, %add3A_91 : i32
    "tpu.region"() ({
      %run_scoped3A = tpu.sem_alloc : memref<!tpu.dma_semaphore, #tpu.memory_space<semaphore_mem>>
      %dma_start3A = arith.constant 0 : i32
      %dma_start3A_105 = tpu.memref_slice %arg6[%add3A_92, %dma_start3A] : memref<20480x128xf32, #tpu.memory_space<hbm>> -> memref<128x128xf32, #tpu.memory_space<hbm>>
      %dma_start3A_106 = arith.constant 0 : i32
      %dma_start3A_107 = tpu.memref_slice %arg11[%add3A_90, %dma_start3A_106] : memref<10240x128xf32, #tpu.memory_space<vmem_shared>> -> memref<128x128xf32, #tpu.memory_space<vmem_shared>>
      tpu.enqueue_dma source(%dma_start3A_107 : memref<128x128xf32, #tpu.memory_space<vmem_shared>>) target(%dma_start3A_105 : memref<128x128xf32, #tpu.memory_space<hbm>>) target_semaphore(%run_scoped3A : memref<!tpu.dma_semaphore, #tpu.memory_space<semaphore_mem>>)
      %dma_wait3A = arith.constant 0 : i32
      %dma_wait3A_108 = tpu.memref_slice %arg6[%add3A_92, %dma_wait3A] : memref<20480x128xf32, #tpu.memory_space<hbm>> -> memref<128x128xf32, #tpu.memory_space<hbm>>
      %dma_wait3A_109 = arith.constant 0 : i32
      %dma_wait3A_110 = tpu.memref_slice %arg11[%add3A_90, %dma_wait3A_109] : memref<10240x128xf32, #tpu.memory_space<vmem_shared>> -> memref<128x128xf32, #tpu.memory_space<vmem_shared>>
      tpu.wait_dma2 semaphore(%run_scoped3A : memref<!tpu.dma_semaphore, #tpu.memory_space<semaphore_mem>>) src(%dma_wait3A_110 : memref<128x128xf32, #tpu.memory_space<vmem_shared>>) dst(%dma_wait3A_108 : memref<128x128xf32, #tpu.memory_space<hbm>>)
      tpu.yield
    }) : () -> ()
    %add3A_93 = arith.constant 256 : i32
    %add3A_94 = arith.addi %mul3A_0, %add3A_93 : i32
    %add3A_95 = arith.constant 256 : i32
    %add3A_96 = arith.addi %add3A, %add3A_95 : i32
    "tpu.region"() ({
      %run_scoped3A = tpu.sem_alloc : memref<!tpu.dma_semaphore, #tpu.memory_space<semaphore_mem>>
      %dma_start3A = arith.constant 0 : i32
      %dma_start3A_105 = tpu.memref_slice %arg6[%add3A_96, %dma_start3A] : memref<20480x128xf32, #tpu.memory_space<hbm>> -> memref<128x128xf32, #tpu.memory_space<hbm>>
      %dma_start3A_106 = arith.constant 0 : i32
      %dma_start3A_107 = tpu.memref_slice %arg11[%add3A_94, %dma_start3A_106] : memref<10240x128xf32, #tpu.memory_space<vmem_shared>> -> memref<128x128xf32, #tpu.memory_space<vmem_shared>>
      tpu.enqueue_dma source(%dma_start3A_107 : memref<128x128xf32, #tpu.memory_space<vmem_shared>>) target(%dma_start3A_105 : memref<128x128xf32, #tpu.memory_space<hbm>>) target_semaphore(%run_scoped3A : memref<!tpu.dma_semaphore, #tpu.memory_space<semaphore_mem>>)
      %dma_wait3A = arith.constant 0 : i32
      %dma_wait3A_108 = tpu.memref_slice %arg6[%add3A_96, %dma_wait3A] : memref<20480x128xf32, #tpu.memory_space<hbm>> -> memref<128x128xf32, #tpu.memory_space<hbm>>
      %dma_wait3A_109 = arith.constant 0 : i32
      %dma_wait3A_110 = tpu.memref_slice %arg11[%add3A_94, %dma_wait3A_109] : memref<10240x128xf32, #tpu.memory_space<vmem_shared>> -> memref<128x128xf32, #tpu.memory_space<vmem_shared>>
      tpu.wait_dma2 semaphore(%run_scoped3A : memref<!tpu.dma_semaphore, #tpu.memory_space<semaphore_mem>>) src(%dma_wait3A_110 : memref<128x128xf32, #tpu.memory_space<vmem_shared>>) dst(%dma_wait3A_108 : memref<128x128xf32, #tpu.memory_space<hbm>>)
      tpu.yield
    }) : () -> ()
    %add3A_97 = arith.constant 384 : i32
    %add3A_98 = arith.addi %mul3A_0, %add3A_97 : i32
    %add3A_99 = arith.constant 384 : i32
    %add3A_100 = arith.addi %add3A, %add3A_99 : i32
    "tpu.region"() ({
      %run_scoped3A = tpu.sem_alloc : memref<!tpu.dma_semaphore, #tpu.memory_space<semaphore_mem>>
      %dma_start3A = arith.constant 0 : i32
      %dma_start3A_105 = tpu.memref_slice %arg6[%add3A_100, %dma_start3A] : memref<20480x128xf32, #tpu.memory_space<hbm>> -> memref<128x128xf32, #tpu.memory_space<hbm>>
      %dma_start3A_106 = arith.constant 0 : i32
      %dma_start3A_107 = tpu.memref_slice %arg11[%add3A_98, %dma_start3A_106] : memref<10240x128xf32, #tpu.memory_space<vmem_shared>> -> memref<128x128xf32, #tpu.memory_space<vmem_shared>>
      tpu.enqueue_dma source(%dma_start3A_107 : memref<128x128xf32, #tpu.memory_space<vmem_shared>>) target(%dma_start3A_105 : memref<128x128xf32, #tpu.memory_space<hbm>>) target_semaphore(%run_scoped3A : memref<!tpu.dma_semaphore, #tpu.memory_space<semaphore_mem>>)
      %dma_wait3A = arith.constant 0 : i32
      %dma_wait3A_108 = tpu.memref_slice %arg6[%add3A_100, %dma_wait3A] : memref<20480x128xf32, #tpu.memory_space<hbm>> -> memref<128x128xf32, #tpu.memory_space<hbm>>
      %dma_wait3A_109 = arith.constant 0 : i32
      %dma_wait3A_110 = tpu.memref_slice %arg11[%add3A_98, %dma_wait3A_109] : memref<10240x128xf32, #tpu.memory_space<vmem_shared>> -> memref<128x128xf32, #tpu.memory_space<vmem_shared>>
      tpu.wait_dma2 semaphore(%run_scoped3A : memref<!tpu.dma_semaphore, #tpu.memory_space<semaphore_mem>>) src(%dma_wait3A_110 : memref<128x128xf32, #tpu.memory_space<vmem_shared>>) dst(%dma_wait3A_108 : memref<128x128xf32, #tpu.memory_space<hbm>>)
      tpu.yield
    }) : () -> ()
    %add3A_101 = arith.constant 512 : i32
    %add3A_102 = arith.addi %mul3A_0, %add3A_101 : i32
    %add3A_103 = arith.constant 512 : i32
    %add3A_104 = arith.addi %add3A, %add3A_103 : i32
    "tpu.region"() ({
      %run_scoped3A = tpu.sem_alloc : memref<!tpu.dma_semaphore, #tpu.memory_space<semaphore_mem>>
      %dma_start3A = arith.constant 0 : i32
      %dma_start3A_105 = tpu.memref_slice %arg6[%add3A_104, %dma_start3A] : memref<20480x128xf32, #tpu.memory_space<hbm>> -> memref<128x128xf32, #tpu.memory_space<hbm>>
      %dma_start3A_106 = arith.constant 0 : i32
      %dma_start3A_107 = tpu.memref_slice %arg11[%add3A_102, %dma_start3A_106] : memref<10240x128xf32, #tpu.memory_space<vmem_shared>> -> memref<128x128xf32, #tpu.memory_space<vmem_shared>>
      tpu.enqueue_dma source(%dma_start3A_107 : memref<128x128xf32, #tpu.memory_space<vmem_shared>>) target(%dma_start3A_105 : memref<128x128xf32, #tpu.memory_space<hbm>>) target_semaphore(%run_scoped3A : memref<!tpu.dma_semaphore, #tpu.memory_space<semaphore_mem>>)
      %dma_wait3A = arith.constant 0 : i32
      %dma_wait3A_108 = tpu.memref_slice %arg6[%add3A_104, %dma_wait3A] : memref<20480x128xf32, #tpu.memory_space<hbm>> -> memref<128x128xf32, #tpu.memory_space<hbm>>
      %dma_wait3A_109 = arith.constant 0 : i32
      %dma_wait3A_110 = tpu.memref_slice %arg11[%add3A_102, %dma_wait3A_109] : memref<10240x128xf32, #tpu.memory_space<vmem_shared>> -> memref<128x128xf32, #tpu.memory_space<vmem_shared>>
      tpu.wait_dma2 semaphore(%run_scoped3A : memref<!tpu.dma_semaphore, #tpu.memory_space<semaphore_mem>>) src(%dma_wait3A_110 : memref<128x128xf32, #tpu.memory_space<vmem_shared>>) dst(%dma_wait3A_108 : memref<128x128xf32, #tpu.memory_space<hbm>>)
      tpu.yield
    }) : () -> ()
    "tpu.trace_stop"() : () -> ()
    return
  }
}

module attributes {stable_mosaic.version = 14 : i64} {
  func.func @body(%arg0: i32, %arg1: memref<400x256xf32, #tpu.memory_space<vmem>>, %arg2: memref<2x400x128xf32, #tpu.memory_space<vmem>>, %arg3: memref<2x400x128xf32, #tpu.memory_space<vmem>>, %arg4: memref<256x256xf32, #tpu.memory_space<vmem>>, %arg5: memref<1x256xf32, #tpu.memory_space<vmem>>, %arg6: memref<512x256xf32, #tpu.memory_space<vmem>>, %arg7: memref<400x256xf32, #tpu.memory_space<vmem>>, %arg8: memref<256x256xf32, #tpu.memory_space<vmem>>, %arg9: memref<1x256xf32, #tpu.memory_space<vmem>>) attributes {dimension_semantics = [#tpu.dimension_semantics<arbitrary>], iteration_bounds = array<i64: 25>, scalar_prefetch = 0 : i64, scratch_operands = 2 : i64, tpu.core_type = #tpu.core_type<tc>, window_params = [{transform_indices = @transform_0, window_bounds = array<i64: 400, 256>}, {transform_indices = @transform_1, window_bounds = array<i64: 2, 400, 128>}, {transform_indices = @transform_2, window_bounds = array<i64: 2, 400, 128>}, {pipeline_mode = #tpu.pipeline_mode<synchronous>, transform_indices = @transform_3, window_bounds = array<i64: 256, 256>}, {pipeline_mode = #tpu.pipeline_mode<synchronous>, transform_indices = @transform_4, window_bounds = array<i64: 1, 256>}, {pipeline_mode = #tpu.pipeline_mode<synchronous>, transform_indices = @transform_5, window_bounds = array<i64: 512, 256>}, {transform_indices = @transform_6, window_bounds = array<i64: 400, 256>}]} {
    %eq3A = arith.constant 0 : i32
    %eq3A_0 = arith.cmpi eq, %arg0, %eq3A : i32
    %convert_element_type3A = arith.extui %eq3A_0 : i1 to i32
    %cond3A = arith.constant 0 : i32
    %cond3A_1 = arith.cmpi ne, %convert_element_type3A, %cond3A : i32
    scf.if %cond3A_1 {
      %get3A_47 = arith.constant 256 : index
      %get3A_48 = arith.constant 0 : index
      %get3A_49 = vector.load %arg6[%get3A_47, %get3A_48] : memref<512x256xf32, #tpu.memory_space<vmem>>, vector<256x256xf32>
      %get3A_50 = arith.constant 0 : index
      %get3A_51 = arith.constant 0 : index
      %get3A_52 = vector.load %arg4[%get3A_50, %get3A_51] : memref<256x256xf32, #tpu.memory_space<vmem>>, vector<256x256xf32>
      %dot_general3A_53 = arith.constant dense<0.000000e+00> : vector<256x256xf32>
      %dot_general3A_54 = tpu.matmul %get3A_52, %get3A_49, %dot_general3A_53 {dimension_numbers = #tpu.dot_dimension_numbers<[1], [0], [0], [1], [0, 0, 1, 1], [], []>, transpose_lhs_hint = false} : vector<256x256xf32>, vector<256x256xf32>, vector<256x256xf32> -> vector<256x256xf32>
      %swap3A_55 = arith.constant 0 : index
      %swap3A_56 = arith.constant 0 : index
      %swap3A_57 = vector.load %arg8[%swap3A_55, %swap3A_56] : memref<256x256xf32, #tpu.memory_space<vmem>>, vector<256x256xf32>
      tpu.vector_store %arg8[%swap3A_55, %swap3A_56], %dot_general3A_54 {strides = array<i32>} : memref<256x256xf32, #tpu.memory_space<vmem>>, vector<256x256xf32>,
      %get3A_58 = arith.constant 0 : index
      %get3A_59 = arith.constant 0 : index
      %get3A_60 = vector.load %arg5[%get3A_58, %get3A_59] : memref<1x256xf32, #tpu.memory_space<vmem>>, vector<1x256xf32>
      %dot_general3A_61 = arith.constant dense<0.000000e+00> : vector<1x256xf32>
      %dot_general3A_62 = tpu.matmul %get3A_60, %get3A_49, %dot_general3A_61 {dimension_numbers = #tpu.dot_dimension_numbers<[1], [0], [0], [1], [0, 0, 1, 1], [], []>, transpose_lhs_hint = false} : vector<1x256xf32>, vector<256x256xf32>, vector<1x256xf32> -> vector<1x256xf32>
      %swap3A_63 = arith.constant 0 : index
      %swap3A_64 = arith.constant 0 : index
      %swap3A_65 = vector.load %arg9[%swap3A_63, %swap3A_64] : memref<1x256xf32, #tpu.memory_space<vmem>>, vector<1x256xf32>
      tpu.vector_store %arg9[%swap3A_63, %swap3A_64], %dot_general3A_62 {strides = array<i32>} : memref<1x256xf32, #tpu.memory_space<vmem>>, vector<1x256xf32>,
    } else {
    }
    %get3A = arith.constant 0 : index
    %get3A_2 = arith.constant 0 : index
    %get3A_3 = vector.load %arg1[%get3A, %get3A_2] : memref<400x256xf32, #tpu.memory_space<vmem>>, vector<400x256xf32>
    %get3A_4 = arith.constant 0 : index
    %get3A_5 = arith.constant 0 : index
    %get3A_6 = arith.constant 0 : index
    %get3A_7 = vector.load %arg2[%get3A_4, %get3A_5, %get3A_6] : memref<2x400x128xf32, #tpu.memory_space<vmem>>, vector<1x400x128xf32>
    %get3A_8 = vector.shape_cast %get3A_7 : vector<1x400x128xf32> to vector<400x128xf32>
    %get3A_9 = arith.constant 1 : index
    %get3A_10 = arith.constant 0 : index
    %get3A_11 = arith.constant 0 : index
    %get3A_12 = vector.load %arg2[%get3A_9, %get3A_10, %get3A_11] : memref<2x400x128xf32, #tpu.memory_space<vmem>>, vector<1x400x128xf32>
    %get3A_13 = vector.shape_cast %get3A_12 : vector<1x400x128xf32> to vector<400x128xf32>
    %concatenate3A = tpu.concatenate %get3A_8, %get3A_13 in 1 : vector<400x128xf32>, vector<400x128xf32> -> vector<400x256xf32>
    %get3A_14 = arith.constant 0 : index
    %get3A_15 = arith.constant 0 : index
    %get3A_16 = arith.constant 0 : index
    %get3A_17 = vector.load %arg3[%get3A_14, %get3A_15, %get3A_16] : memref<2x400x128xf32, #tpu.memory_space<vmem>>, vector<1x400x1xf32>
    %get3A_18 = vector.shape_cast %get3A_17 : vector<1x400x1xf32> to vector<400x1xf32>
    %get3A_19 = arith.constant 1 : index
    %get3A_20 = arith.constant 0 : index
    %get3A_21 = arith.constant 0 : index
    %get3A_22 = vector.load %arg3[%get3A_19, %get3A_20, %get3A_21] : memref<2x400x128xf32, #tpu.memory_space<vmem>>, vector<1x400x1xf32>
    %get3A_23 = vector.shape_cast %get3A_22 : vector<1x400x1xf32> to vector<400x1xf32>
    %add3A = arith.addf %get3A_18, %get3A_23 : vector<400x1xf32>
    %max3A = arith.constant 1.000000e+00 : f32
    %max3A_24 = vector.broadcast %max3A : f32 to vector<400x1xf32>
    %max3A_25 = arith.maximumf %add3A, %max3A_24 : vector<400x1xf32>
    %div3A = vector.broadcast %max3A_25 : vector<400x1xf32> to vector<400x256xf32>
    %div3A_26 = arith.divf %concatenate3A, %div3A : vector<400x256xf32>
    %get3A_27 = arith.constant 0 : index
    %get3A_28 = arith.constant 0 : index
    %get3A_29 = vector.load %arg6[%get3A_27, %get3A_28] : memref<512x256xf32, #tpu.memory_space<vmem>>, vector<256x256xf32>
    %dot_general3A = arith.constant dense<0.000000e+00> : vector<400x256xf32>
    %dot_general3A_30 = tpu.matmul %get3A_3, %get3A_29, %dot_general3A {dimension_numbers = #tpu.dot_dimension_numbers<[1], [0], [0], [1], [0, 0, 1, 1], [], []>, transpose_lhs_hint = false} : vector<400x256xf32>, vector<256x256xf32>, vector<400x256xf32> -> vector<400x256xf32>
    %get3A_31 = arith.constant 0 : index
    %get3A_32 = arith.constant 0 : index
    %get3A_33 = vector.load %arg8[%get3A_31, %get3A_32] : memref<256x256xf32, #tpu.memory_space<vmem>>, vector<256x256xf32>
    %dot_general3A_34 = arith.constant dense<0.000000e+00> : vector<400x256xf32>
    %dot_general3A_35 = tpu.matmul %div3A_26, %get3A_33, %dot_general3A_34 {dimension_numbers = #tpu.dot_dimension_numbers<[1], [0], [0], [1], [0, 0, 1, 1], [], []>, transpose_lhs_hint = false} : vector<400x256xf32>, vector<256x256xf32>, vector<400x256xf32> -> vector<400x256xf32>
    %add3A_36 = arith.addf %dot_general3A_30, %dot_general3A_35 : vector<400x256xf32>
    %get3A_37 = arith.constant 0 : index
    %get3A_38 = arith.constant 0 : index
    %get3A_39 = vector.load %arg9[%get3A_37, %get3A_38] : memref<1x256xf32, #tpu.memory_space<vmem>>, vector<1x256xf32>
    %add3A_40 = vector.broadcast %get3A_39 : vector<1x256xf32> to vector<400x256xf32>
    %add3A_41 = arith.addf %add3A_36, %add3A_40 : vector<400x256xf32>
    %max3A_42 = arith.constant 0.000000e+00 : f32
    %max3A_43 = vector.broadcast %max3A_42 : f32 to vector<400x256xf32>
    %max3A_44 = arith.maximumf %add3A_41, %max3A_43 : vector<400x256xf32>
    %swap3A = arith.constant 0 : index
    %swap3A_45 = arith.constant 0 : index
    %swap3A_46 = vector.load %arg7[%swap3A, %swap3A_45] : memref<400x256xf32, #tpu.memory_space<vmem>>, vector<400x256xf32>
    tpu.vector_store %arg7[%swap3A, %swap3A_45], %max3A_44 {strides = array<i32>} : memref<400x256xf32, #tpu.memory_space<vmem>>, vector<400x256xf32>,
    return
  }
  func.func @transform_0(%arg0: i32) -> (i32, i32) {
    %c0_i32 = arith.constant 0 : i32
    %c0_i32_0 = arith.constant 0 : i32
    return %arg0, %c0_i32 : i32, i32
  }
  func.func @transform_1(%arg0: i32) -> (i32, i32, i32) {
    %c0_i32 = arith.constant 0 : i32
    %c0_i32_0 = arith.constant 0 : i32
    %c0_i32_1 = arith.constant 0 : i32
    return %c0_i32, %arg0, %c0_i32_0 : i32, i32, i32
  }
  func.func @transform_2(%arg0: i32) -> (i32, i32, i32) {
    %c0_i32 = arith.constant 0 : i32
    %c0_i32_0 = arith.constant 0 : i32
    %c0_i32_1 = arith.constant 0 : i32
    return %c0_i32, %arg0, %c0_i32_0 : i32, i32, i32
  }
  func.func @transform_3(%arg0: i32) -> (i32, i32) {
    %c0_i32 = arith.constant 0 : i32
    %c0_i32_0 = arith.constant 0 : i32
    %c0_i32_1 = arith.constant 0 : i32
    return %c0_i32, %c0_i32_0 : i32, i32
  }
  func.func @transform_4(%arg0: i32) -> (i32, i32) {
    %c0_i32 = arith.constant 0 : i32
    %c0_i32_0 = arith.constant 0 : i32
    %c0_i32_1 = arith.constant 0 : i32
    return %c0_i32, %c0_i32_0 : i32, i32
  }
  func.func @transform_5(%arg0: i32) -> (i32, i32) {
    %c0_i32 = arith.constant 0 : i32
    %c0_i32_0 = arith.constant 0 : i32
    %c0_i32_1 = arith.constant 0 : i32
    return %c0_i32, %c0_i32_0 : i32, i32
  }
  func.func @transform_6(%arg0: i32) -> (i32, i32) {
    %c0_i32 = arith.constant 0 : i32
    %c0_i32_0 = arith.constant 0 : i32
    return %arg0, %c0_i32 : i32, i32
  }
}

</mosaic_0001>

<sc_bundles>
// kernel: kernel.4.cloned.1.call-start
scs
__scs_entry_jumppad:
0x0: {  	(pc) =	sbr.rel $0x88, $3  }
0x1: {  	(tag) =	ssettag $0x0;
	lr =	simm.s32 $0x1  }
0x2: {  	[smem:$0x3F9C] =	sst lr;
	_ =	strace $0xD0000000  }
0x3: {  	_ = 	snop  }
0x4: {  	_ = 	snop  }
0x5: {  	_ = 	snop  }
0x6: {  	_ = 	snop  }
0x7: {  	_ = 	snop  }
__scs_overlays_trampoline_lowered:
0x8: {  	[smem:$0x3FAB] =	sst s0  }
0x9: {  	[smem:$0x3FAC] =	sst s1  }
0xa: {  	[smem:$0x3FAD] =	sst s2  }
0xb: {  	[smem:$0x3FAE] =	sst s3  }
0xc: {  	[smem:$0x3FAF] =	sst s4  }
0xd: {  	[smem:$0x3FB0] =	sst s5  }
0xe: {  	[smem:$0x3FB1] =	sst s6  }
0xf: {  	[smem:$0x3FB2] =	sst s7  }
0x10: {  	[smem:$0x3FB3] =	sst s8  }
0x11: {  	[smem:$0x3FB4] =	sst s9;
	s0 =	simm.s32 @!p0 $0x0  }
0x12: {  	s1 =	sld [smem:$0x3F9A];
	s0 =	simm.s32 @p0 $0x1  }
0x13: {  	[smem:$0x3FB5] =	sst s0;
	s0 =	simm.s32 @!p1 $0x0  }
0x14: {  	s2 =	sld [smem:$0x3F99];
	s0 =	simm.s32 @p1 $0x1  }
0x15: {  	[smem:$0x3FB6] =	sst s0;
	s0 =	simm.s32 @!p2 $0x0  }
0x16: {  	s3 =	sld [smem:$0x3FDB];
	s0 =	simm.s32 @p2 $0x1  }
0x17: {  	s4 =	simm.s32 $0x1BF5;
	[smem:$0x3FB8] =	sst s0  }
0x18: {  	s0 =	sld [smem:$0x3F9B];
	_ =	swait.ge [sflag:s4], $0x0  }
0x19: {  	s7 =	sld [smem:$0x3F9C]  }
0x1a: {  	s8 =	sadd.s32 $0xFFFFE003, lr  }
0x1b: {  	s9 =	sadd.s32 $0xFFFFFEF7, lr;
	s5 =	simm.s32 $0xFFFFFFFF;
	p2 =	slt.u32 s8, $0xFFFFF086  }
0x1c: {  	p1 =	slt.u32 s9, $0xF7A;
	s5 =	simm.s32 @!p2 $0x0  }
0x1d: {  	s5 =	simm.s32 @p1 $0x1;
	p0 =	seq.s32 s7, s2  }
0x1e: {  	s7 =	smul.u32 @!p0 $0xF7A, s2;
	p2 =	seq.s32 @!p0 s5, $0x0  }
0x1f: {  	s9 =	smul.u32 $0xF7A, s1;
	s8 =	simm.s32 @!p0 $0x1BF5;
	p2 =	por !p2, p0  }
0x20: {  	[sflag:s8] =	ssyncset.s32 @!p0 $0xFFFFF086;
	s6 =	sadd.s32 @!p0 s3, s7;
	s7 =	simm.s32 @!p0 $0x108  }
0x21: {  	s3 =	sadd.s32 s3, s9;
	s6 =	sadd.s32 @!p0 $0x88, s6;
	s7 =	simm.s32 @p2 $0x1082  }
0x22: {  	[simem:s7], [sflag:s8] =	dma.local @!p0 [hbm:s6], $0xF7A  }
0x23: {  	s9 =	sor.u32 $0xD0000000, s2;
	s6 =	simm.s32 $0x108;
	_ =	swait.ge @!p0 [sflag:s8], $0x0  }
0x24: {  	s3 =	sadd.s32 $0x88, s3;
	s6 =	simm.s32 @!p1 $0x1082;
	[sflag:s4] =	ssyncset.s32 $0xFFFFF086  }
0x25: {  	[simem:s6], [sflag:s4] =	dma.local [hbm:s3], $0xF7A  }
0x26: {  	[smem:$0x3F9C] =	sst s1;
	(tag) =	ssettag s2;
	_ =	strace s9  }
0x27: {  	s1 =	sld [smem:$0x3FAC]  }
0x28: {  	s2 =	sld [smem:$0x3FAD]  }
0x29: {  	s4 =	sld [smem:$0x3FAF]  }
0x2a: {  	p0 =	seq.s32 s5, $0x0;
	s5 =	sld [smem:$0x3FB0]  }
0x2b: {  	s6 =	sld [smem:$0x3FB1]  }
0x2c: {  	s7 =	sld [smem:$0x3FB2]  }
0x2d: {  	s3 =	simm.s32 $0x108;
	s8 =	sld [smem:$0x3FB3]  }
0x2e: {  	s3 =	simm.s32 @!p0 $0x1082;
	s9 =	sld [smem:$0x3FB4]  }
0x2f: {  	lr =	sadd.s32 s0, s3;
	s0 =	sld [smem:$0x3FAB]  }
0x30: {  	s3 =	sld [smem:$0x3FAE]  }
0x31: {  	[smem:$0x3FB7] =	sst s10  }
0x32: {  	s10 =	sld [smem:$0x3FB5];
	_ =	sdelay $0x3  }
0x33: {  	p0 =	seq.s32 s10, $0x1;
	s10 =	sld [smem:$0x3FB7];
	_ =	sdelay $0x3  }
0x34: {  	[smem:$0x3FB7] =	sst s10  }
0x35: {  	s10 =	sld [smem:$0x3FB6];
	_ =	sdelay $0x3  }
0x36: {  	p1 =	seq.s32 s10, $0x1;
	s10 =	sld [smem:$0x3FB7];
	_ =	sdelay $0x3  }
0x37: {  	[smem:$0x3FB7] =	sst s10  }
0x38: {  	s10 =	sld [smem:$0x3FB8]  }
0x39: {  	_ = 	snop;
	(pc) =	sbr.ind lr, $3  }
0x3a: {  	_ = 	snop  }
0x3b: {  	_ = 	snop  }
0x3c: {  	p2 =	seq.s32 s10, $0x1;
	s10 =	sld [smem:$0x3FB7]  }
0x3d: {  	_ =	shalt  }
0x3e: {  	_ =	shalt  }
0x3f: {  	_ =	shalt  }
0x40: {  	_ =	shalt  }
0x41: {  	_ =	shalt  }
0x42: {  	_ =	shalt  }
0x43: {  	_ =	shalt  }
0x44: {  	_ =	shalt  }
0x45: {  	_ =	shalt  }
0x46: {  	_ =	shalt  }
0x47: {  	_ =	shalt  }
0x48: {  	_ =	shalt  }
0x49: {  	_ =	shalt  }
0x4a: {  	_ =	shalt  }
0x4b: {  	_ =	shalt  }
0x4c: {  	_ =	shalt  }
0x4d: {  	_ =	shalt  }
0x4e: {  	_ =	shalt  }
0x4f: {  	_ =	shalt  }
0x50: {  	_ =	shalt  }
0x51: {  	_ =	shalt  }
0x52: {  	_ =	shalt  }
0x53: {  	_ =	shalt  }
0x54: {  	_ =	shalt  }
0x55: {  	_ =	shalt  }
0x56: {  	_ =	shalt  }
0x57: {  	_ =	shalt  }
0x58: {  	_ =	shalt  }
0x59: {  	_ =	shalt  }
0x5a: {  	_ =	shalt  }
0x5b: {  	_ =	shalt  }
0x5c: {  	_ =	shalt  }
0x5d: {  	_ =	shalt  }
0x5e: {  	_ =	shalt  }
0x5f: {  	_ =	shalt  }
0x60: {  	_ =	shalt  }
0x61: {  	_ =	shalt  }
0x62: {  	_ =	shalt  }
0x63: {  	_ =	shalt  }
0x64: {  	_ =	shalt  }
0x65: {  	_ =	shalt  }
0x66: {  	_ =	shalt  }
0x67: {  	_ =	shalt  }
0x68: {  	_ =	shalt  }
0x69: {  	_ =	shalt  }
0x6a: {  	_ =	shalt  }
0x6b: {  	_ =	shalt  }
0x6c: {  	_ =	shalt  }
0x6d: {  	_ =	shalt  }
0x6e: {  	_ =	shalt  }
0x6f: {  	_ =	shalt  }
0x70: {  	_ =	shalt  }
0x71: {  	_ =	shalt  }
0x72: {  	_ =	shalt  }
0x73: {  	_ =	shalt  }
0x74: {  	_ =	shalt  }
0x75: {  	_ =	shalt  }
0x76: {  	_ =	shalt  }
0x77: {  	_ =	shalt  }
0x78: {  	_ =	shalt  }
0x79: {  	_ =	shalt  }
0x7a: {  	_ =	shalt  }
0x7b: {  	_ =	shalt  }
0x7c: {  	_ =	shalt  }
0x7d: {  	_ =	shalt  }
0x7e: {  	_ =	shalt  }
0x7f: {  	_ =	shalt  }
0x80: {  	_ =	shalt  }
0x81: {  	_ =	shalt  }
0x82: {  	_ =	shalt  }
0x83: {  	_ =	shalt  }
0x84: {  	_ =	shalt  }
0x85: {  	_ =	shalt  }
0x86: {  	_ =	shalt  }
0x87: {  	_ =	shalt  }
.Lfunc_end0:
.L_simem_size_0:
called_computation_lowered:
.L_overlay_start_0:
0x88: {  	s2 =	sld [smem:$0x3FD9]  }
0x89: {  	s3 =	sld [smem:$0x3FFE];
	_ =	sdelay $0x1  }
0x8a: {  	s1 =	srdreg.scid  }
0x8b: {  	s0 =	sand.u32 $0x1, s1  }
0x8c: {  	s17 =	sshll.u32 s0, $0xA;
	s2 =	sadd.s32 s3, s2  }
0x8d: {  	s2 =	sadd.s32 s2, s17  }
0x8e: {  	[smem:$0x3FC3] =	sst s2  }
0x8f: {  	_ = 	snop  }
0x90: {  	s2 =	sld [smem:$0x3FD0];
	(tm) =	ssettm $0x1  }
0x91: {  	s18 =	sld [smem:$0x3FFB];
	_ =	sdelay $0x3  }
0x92: {  	_ =	strace s18  }
0x93: {  	s3 =	sld [smem:$0x3FFC];
	_ =	sdelay $0x3  }
0x94: {  	_ =	strace s3  }
0x95: {  	s3 =	sld [smem:$0x3FFD];
	_ =	sdelay $0x3  }
0x96: {  	_ =	strace s3  }
0x97: {  	_ =	strace $0x8FFFFFFF  }
0x98: {  	s19 =	sld [smem:$0x3FDB];
	_ =	sdelay $0x1  }
0x99: {  	s4 =	simm.s32 $_scs_section_size  }
0x9a: {  	s5 =	simm.s32 $_size__tile_overlayer_lowered;
	s6 =	simm.s32 $_tile_overlayer_lowered  }
0x9b: {  	s22 =	simm.s32 $0x1BFF;
	s21 =	sshll.u32 s6, $0x1;
	s3 =	sadd.s32 s4, s19  }
0x9c: {  	s7 =	simm.s32 $0x0;
	s20 =	sshll.u32 s5, $0x1;
	s5 =	sadd.s32 s21, s3  }
0x9d: {  	[timem:s7], [sflag:s22] =	dma.local [hbm:s5], s20  }
0x9e: {  	_ =	swait.ge [sflag:s22], s20  }
0x9f: {  	s4 =	ssub.s32 $0x0, s20;
	[sflag:s22] =	ssyncset.done $0x0  }
0xa0: {  	[sflag:s22] =	ssyncadd.s32 s4;
	_ =	sdelay $0x1  }
0xa1: {  	s23 =	simm.s32 $0x1B8B  }
0xa2: {  	_ =	swait.ge [sflag:s23], $0x1  }
0xa3: {  	[sflag:s23] =	ssyncset.done $0x0  }
0xa4: {  	s25 =	simm.s32 $0x1B8E;
	s24 =	sld [smem:$0x3FFE];
	[sflag:s23] =	ssyncadd.s32 $0xFFFFFFFF  }
0xa5: {  	s26 =	simm.s32 $execute0_lowered;
	[smem:$0x3FD2] =	sst s25  }
0xa6: {  	s5 =	sshll.u32 s26, $0x1;
	_ =	strace $0x80000046;
	[dreg:$0x1] =	wrdreg $0xFFFFFFFF  }
0xa7: {  	s28 =	simm.s32 $_size_execute0_lowered;
	s3 =	sadd.s32 s3, s5;
	[dreg:$0x0] =	wrdreg $0x0  }
0xa8: {  	s5 =	sshll.u32 s28, $0x1;
	[dreg:$0x2] =	wrdreg s3  }
0xa9: {  	[dreg:$0x3] =	wrdreg s5  }
0xaa: {  	[dreg:$0x4] =	wrdreg $0xC0  }
0xab: {  	_ =	task [dreg:s7], $0x5FFFF  }
0xac: {  	[dreg:$0x1] =	wrdreg $0xFFFFFFFF  }
0xad: {  	[dreg:$0x0] =	wrdreg $0x60  }
0xae: {  	[dreg:$0x2] =	wrdreg s2  }
0xaf: {  	[dreg:$0x3] =	wrdreg s24  }
0xb0: {  	[dreg:$0x4] =	wrdreg $0x90000  }
0xb1: {  	[dreg:$0x5] =	wrdreg $0x9  }
0xb2: {  	_ =	task.clear_ibuf [dreg:s7], $0x6FFFF;
	_ =	strace $0x90000046  }
0xb3: {  	s29 =	simm.s32 $0x9;
	_ =	strace $0x8000004E  }
0xb4: {  	_ =	swait.ge [sflag:s29], $0x1  }
0xb5: {  	[sflag:s29] =	ssyncadd.s32 $0xFFFFFFFF  }
0xb6: {  	_ =	strace $0x9000004E  }
0xb7: {  	_ =	sfence  }
0xb8: {  	s30 =	sld [smem:$0x0];
	_ =	sdelay $0x2  }
0xb9: {  	s31 =	sshll.u32 s1, $0xD;
	s1 =	sshrl.u32 s1, $0x2  }
0xba: {  	s3 =	sand.u32 $0x4000, s31;
	s1 =	sadd.s32 s1, s30  }
0xbb: {  	s0 =	sor.u32 s3, s0;
	s1 =	sshll.u32 s1, $0x11  }
0xbc: {  	s0 =	sor.u32 s1, s0  }
0xbd: {  	s0 =	sadd.s32 $0x8F2B, s0  }
0xbe: {  	[sflag:s0] =	ssyncadd.remote.s32 $0x1  }
0xbf: {  	_ =	sfence.sel $0xFFFF  }
0xc0: {  	[dreg:$0x0] =	wrdreg $0xFFFFFFFF;
	(pc) =	sbr.abs _section_cstart, $3  }
0xc1: {  	[dreg:$0x1] =	wrdreg $0xFFFFFFFF  }
0xc2: {  	_ =	task.clear_ibuf [dreg:s7], $0x2FFFF;
	_ =	strace $0x9FFFFFFF  }
0xc3: {  	(tm) =	ssettm $0x7FFFFFFF  }
tec
execute0_lowered:
.L_overlay_start_1:
0x0: {  	(tag) =	ssettag $0x1  }
0x1: {  	s1 =	rddreg [dreg:$0x0]  }
0x2: {  	s0 =	rddreg [dreg:$0x1]  }
0x3: {  	s3 =	rddreg [dreg:$0x2];
	s4 =	simm.s32 $0x0  }
0x4: {  	s2 =	srdreg.scid;
	s16 =	stileid.u32;
	s18 =	simm.s32 $0x980  }
0x5: {  	s19 =	simm.s32 $0xA80;
	s29 =	simm.s32 $0x80;
	s30 =	simm.s32 $0x5000  }
0x6: {  	s31 =	simm.s32 $0x1;
	[smem:$0x7FF] =	sst s4;
	s2 =	sand.u32 $0x1, s2  }
0x7: {  	s7 =	smul.u32 $0x280, s16;
	s5 =	sadd.s32 $0x6400, s0;
	s6 =	sadd.s32 $0x1400, s0  }
0x8: {  	s10 =	sadd.s32 $0xB400, s0;
	s20 =	smul.u32 $0x50000, s16;
	s0 =	sadd.s32 $0x5B400, s0  }
0x9: {  	s8 =	smul.u32 $0x2800, s2;
	s9 =	ssub.s32 $0x2, s2;
	p0 =	seq.s32 s2, $0x1  }
0xa: {  	_ =	strace $0x80000047;
	s11 =	sshrl.u32 s9, $0x1;
	s18 =	simm.s32 @!p0 $0x900  }
0xb: {  	s19 =	simm.s32 @!p0 $0xA00;
	s7 =	sadd.s32 s7, s8;
	s11 =	ssub.s32 s9, s11  }
0xc: {  	s8 =	sshrl.u32 s20, $0x2;
	s9 =	smul.u32 $0x2710, s2;
	s7 =	sshll.u32 s7, $0x4  }
0xd: {  	s20 =	simm.s32 $0xB80;
	s2 =	smul.u32 $0x2800, s16;
	s13 =	sadd.s32 s10, s7  }
0xe: {  	s12 =	sadd.s32 $0x800, s7;
	s24 =	sadd.s32 s0, s7;
	[dreg:$0x4] =	wrdreg s13  }
0xf: {  	s22 =	sadd.s32 $0x1000, s7;
	s21 =	sadd.s32 s10, s12;
	[dreg:$0x9] =	wrdreg s24  }
0x10: {  	s23 =	sadd.s32 $0x1800, s7;
	s14 =	sadd.s32 s10, s22;
	[dreg:$0x5] =	wrdreg s21  }
0x11: {  	s15 =	sadd.s32 $0x2000, s7;
	s17 =	sadd.s32 s10, s23;
	[dreg:$0x6] =	wrdreg s14  }
0x12: {  	s20 =	simm.s32 @!p0 $0xB00;
	s10 =	sadd.s32 s10, s15;
	[dreg:$0x7] =	wrdreg s17  }
0x13: {  	s25 =	sadd.s32 s0, s12;
	s26 =	sadd.s32 s0, s22;
	[dreg:$0x8] =	wrdreg s10  }
0x14: {  	s7 =	sadd.s32 s0, s23;
	s0 =	sadd.s32 s0, s15;
	[dreg:$0xa] =	wrdreg s25  }
0x15: {  	s22 =	simm.s32 $0xD80;
	s24 =	simm.s32 $0xE80;
	[dreg:$0xb] =	wrdreg s26  }
0x16: {  	s12 =	smul.u32 $0x500, s16;
	s13 =	smax.u32 s11, $0x1;
	[dreg:$0xc] =	wrdreg s7  }
0x17: {  	s16 =	simm.s32 $0x5;
	[dreg:$0xd] =	wrdreg s0;
	s17 =	simm.s32 $0x880  }
0x18: {  	s21 =	simm.s32 $0xC80;
	s10 =	sadd.s32 s8, s3;
	s22 =	simm.s32 @!p0 $0xD00  }
0x19: {  	s25 =	simm.s32 $0xF80;
	[dreg:$0xf] =	wrdreg s13;
	s24 =	simm.s32 @!p0 $0xE00  }
0x1a: {  	s0 =	simm.s32 $0x3;
	s7 =	simm.s32 $0x2;
	s8 =	simm.s32 $0x4  }
0x1b: {  	s13 =	simm.s32 $0x780;
	s14 =	sadd.s32 $0x4000, s10;
	[dreg:$0xe] =	wrdreg s10  }
0x1c: {  	s17 =	simm.s32 @!p0 $0x800;
	s15 =	sadd.s32 $0x8000, s10;
	[dreg:$0x10] =	wrdreg s14  }
0x1d: {  	s21 =	simm.s32 @!p0 $0xC00;
	s23 =	sadd.s32 $0xC000, s10;
	[dreg:$0x11] =	wrdreg s15  }
0x1e: {  	s25 =	simm.s32 @!p0 $0xF00;
	s26 =	sadd.s32 $0x10000, s10;
	[dreg:$0x12] =	wrdreg s23  }
0x1f: {  	s28 =	sadd.s32 s12, s6;
	s10 =	simm.s32 $0x0;
	[dreg:$0x13] =	wrdreg s26  }
0x20: {  	v1 =	vimm.f32 $0.0e+00;
	v2 =	vimm.f32 $1.000000000e+00;
	v0 =	vmov s9;
	s15 =	simm.s32 $0x1000;
	s26 =	simm.s32 $0x800;
	s14 =	simm.s32 $0xF00  }
.LBB2_1:
0x21: {  	[dreg:$0x14] =	wrdreg s10  }
0x22: {  	s9 =	simm.s32 $0x0;
	s10 =	simm.s32 $0x200;
	_ =	strace $0x80000048  }
.LBB2_2:
0x23: {  	p0 =	sne.s32 s10, $0xFE00;
	[tilespmem:s9+$0x1070] =	vst v1  }
0x24: {  	[tilespmem:s9+$0x1000] =	vst v1  }
0x25: {  	[tilespmem:s9+$0x1010] =	vst v1  }
.Ltmp0:
0x26: {  	[tilespmem:s9+$0x1020] =	vst v1;
	(pc) =	sbr.rel @p0 .LBB2_2-.Ltmp0, $4  }
0x27: {  	[tilespmem:s9+$0x1030] =	vst v1  }
0x28: {  	[tilespmem:s9+$0x1040] =	vst v1  }
0x29: {  	[tilespmem:s9+$0x1050] =	vst v1  }
0x2a: {  	[tilespmem:s9+$0x1060] =	vst v1;
	s9 =	sshra.s32 s10, $0x2;
	s10 =	sadd.s32 $0x200, s10  }
0x2b: {  	[tilespmem:s9+$0x1070] =	vst v1  }
0x2c: {  	[tilespmem:s9+$0x1000] =	vst v1  }
0x2d: {  	[tilespmem:s9+$0x1010] =	vst v1  }
0x2e: {  	[tilespmem:s9+$0x1020] =	vst v1  }
0x2f: {  	[tilespmem:s9+$0x1030] =	vst v1  }
0x30: {  	[tilespmem:s9+$0x1040] =	vst v1  }
0x31: {  	[tilespmem:s9+$0x1050] =	vst v1  }
0x32: {  	[tilespmem:s9+$0x1060] =	vst v1;
	s23 =	rddreg [dreg:$0xe]  }
0x33: {  	[spmem:s23] =	stream.linear.scatter [tilespmem:s15], [sflag:$0x5], $0x4000, $0x200038;
	[tilespmem:$0x1D000] =	vst v63  }
0x34: {  	_ =	swait.ge [sflag:s16], $0x4000  }
0x35: {  	[sflag:s16] =	ssyncset.done $0x0  }
0x36: {  	s10 =	rddreg [dreg:$0x10];
	[sflag:s16] =	ssyncadd.s32 $0xFFFFC000  }
0x37: {  	[spmem:s10] =	stream.linear.scatter [tilespmem:s15], [sflag:$0x5], $0x4000, $0x200038;
	[tilespmem:$0x1D000] =	vst v63  }
0x38: {  	_ =	swait.ge [sflag:s16], $0x4000  }
0x39: {  	[sflag:s16] =	ssyncset.done $0x0  }
0x3a: {  	s11 =	rddreg [dreg:$0x11];
	[sflag:s16] =	ssyncadd.s32 $0xFFFFC000  }
0x3b: {  	[spmem:s11] =	stream.linear.scatter [tilespmem:s15], [sflag:$0x5], $0x4000, $0x200038;
	[tilespmem:$0x1D000] =	vst v63  }
0x3c: {  	_ =	swait.ge [sflag:s16], $0x4000  }
0x3d: {  	[sflag:s16] =	ssyncset.done $0x0  }
0x3e: {  	s12 =	rddreg [dreg:$0x12];
	[sflag:s16] =	ssyncadd.s32 $0xFFFFC000  }
0x3f: {  	[spmem:s12] =	stream.linear.scatter [tilespmem:s15], [sflag:$0x5], $0x4000, $0x200038;
	[tilespmem:$0x1D000] =	vst v63  }
0x40: {  	_ =	swait.ge [sflag:s16], $0x4000  }
0x41: {  	[sflag:s16] =	ssyncset.done $0x0  }
0x42: {  	s23 =	rddreg [dreg:$0x13];
	[sflag:s16] =	ssyncadd.s32 $0xFFFFC000  }
0x43: {  	[spmem:s23] =	stream.linear.scatter [tilespmem:s15], [sflag:$0x5], $0x4000, $0x200038;
	[tilespmem:$0x1D000] =	vst v63  }
0x44: {  	_ =	swait.ge [sflag:s16], $0x4000  }
0x45: {  	[sflag:s16] =	ssyncset.done $0x0  }
0x46: {  	[sflag:s16] =	ssyncadd.s32 $0xFFFFC000  }
0x47: {  	[bflag:$0x0] =	sbarrier.arrive $0xFFFF  }
0x48: {  	_ =	strace $0x90000048  }
0x49: {  	s9 =	simm.s32 $0x0;
	s23 =	simm.s32 $0x0;
	_ =	strace $0x80000049  }
.LBB2_4:
0x4a: {  	s10 =	sshll.u32 s9, $0xB  }
0x4b: {  	s10 =	sadd.s32 s2, s10  }
0x4c: {  	s10 =	sshrl.u32 s10, $0x3  }
0x4d: {  	s11 =	sadd.s32 s5, s10  }
0x4e: {  	[tilespmem:s23], [sflag:$0x5] =	stream.linear.gather [hbm4b:s11+s23], $0x800, $0x200038;
	[tilespmem:$0x1D000] =	vst v63  }
0x4f: {  	_ =	swait.ge [sflag:s16], $0x800  }
0x50: {  	[sflag:s16] =	ssyncset.done $0x0  }
0x51: {  	s10 =	sadd.s32 s6, s10;
	[sflag:s16] =	ssyncadd.s32 $0xFFFFF800  }
0x52: {  	[tilespmem:s26], [sflag:$0x5] =	stream.linear.gather [hbm4b:s10+s23], $0x800, $0x200038;
	[tilespmem:$0x1D000] =	vst v63  }
0x53: {  	_ =	swait.ge [sflag:s16], $0x800  }
0x54: {  	[sflag:s16] =	ssyncset.done $0x0  }
0x55: {  	s10 =	simm.s32 $0x0;
	[sflag:s16] =	ssyncadd.s32 $0xFFFFF800  }
0x56: {  	v5 =	vld [tilespmem:s10+$0x0]  }
0x57: {  	v7 =	vld [tilespmem:s10+$0x10]  }
0x58: {  	v6 =	vld [tilespmem:s10+$0x20]  }
0x59: {  	v4 =	vld [tilespmem:s10+$0x30]  }
0x5a: {  	v3 =	vld [tilespmem:s10+$0x40]  }
0x5b: {  	v8 =	vadd.s32 v0, v5;
	v5 =	vld [tilespmem:s10+$0x50]  }
0x5c: {  	s11 =	simm.s32 $0x200;
	[tilespmem:s10+$0x0] =	vst v8;
	v8 =	vadd.s32 v0, v7;
	v7 =	vld [tilespmem:s10+$0x60]  }
.LBB2_5:
0x5d: {  	s12 =	sshra.s32 s11, $0x2;
	p0 =	sne.s32 s11, $0x1E00;
	[tilespmem:s10+$0x10] =	vst v8;
	v6 =	vadd.s32 v0, v6;
	v8 =	vld [tilespmem:s10+$0x70]  }
0x5e: {  	v9 =	vld [tilespmem:s12+$0x0];
	[tilespmem:s10+$0x20] =	vst v6;
	v4 =	vadd.s32 v0, v4  }
0x5f: {  	v10 =	vld [tilespmem:s12+$0x10];
	[tilespmem:s10+$0x30] =	vst v4;
	v3 =	vadd.s32 v0, v3  }
.Ltmp1:
0x60: {  	v6 =	vld [tilespmem:s12+$0x20];
	[tilespmem:s10+$0x40] =	vst v3;
	v3 =	vadd.s32 v0, v5;
	(pc) =	sbr.rel @p0 .LBB2_5-.Ltmp1, $4  }
0x61: {  	v4 =	vld [tilespmem:s12+$0x30];
	[tilespmem:s10+$0x50] =	vst v3;
	v5 =	vadd.s32 v0, v7  }
0x62: {  	v3 =	vld [tilespmem:s12+$0x40];
	[tilespmem:s10+$0x60] =	vst v5;
	v7 =	vadd.s32 v0, v8  }
0x63: {  	v8 =	vadd.s32 v0, v9;
	v5 =	vld [tilespmem:s12+$0x50];
	[tilespmem:s10+$0x70] =	vst v7;
	s10 =	smov.u32 s12  }
0x64: {  	s11 =	sadd.s32 $0x200, s11;
	[tilespmem:s10+$0x0] =	vst v8;
	v8 =	vadd.s32 v0, v10;
	v7 =	vld [tilespmem:s10+$0x60]  }
0x65: {  	[tilespmem:s10+$0x10] =	vst v8;
	v6 =	vadd.s32 v0, v6;
	v63 =	vld [tilespmem:s10+$0x70]  }
0x66: {  	[tilespmem:s10+$0x20] =	vst v6;
	v4 =	vadd.s32 v0, v4  }
0x67: {  	[tilespmem:s10+$0x30] =	vst v4;
	v3 =	vadd.s32 v0, v3  }
0x68: {  	[tilespmem:s10+$0x40] =	vst v3;
	v3 =	vadd.s32 v0, v5  }
0x69: {  	[tilespmem:s10+$0x50] =	vst v3;
	v3 =	vadd.s32 v0, v7  }
0x6a: {  	[tilespmem:s10+$0x60] =	vst v3;
	v3 =	vadd.s32 v0, v63  }
0x6b: {  	[tilespmem:s10+$0x70] =	vst v3  }
0x6c: {  	[tilespmem:s15], [sflag:$0x1] =	stream.indirect.gather [hbm4b:s1+s29], $0x80, s4, s29, $0x2000b8;
	[tilespmem:$0x1D000] =	vst v63  }
0x6d: {  	_ = 	snop  }
0x6e: {  	[tilespmem:s30], [sflag:$0x2] =	stream.indirect.gather [hbm4b:s1+s29], $0x80, s29, s29, $0x2000b8;
	[tilespmem:$0x1D000] =	vst v63  }
0x6f: {  	_ =	swait.ge [sflag:s31], $0x4000  }
0x70: {  	[sflag:s31] =	ssyncset.done $0x0  }
0x71: {  	[sflag:s31] =	ssyncadd.s32 $0xFFFFC000  }
0x72: {  	[spmem:s3] =	stream.indirect.scatter.add.f32 [tilespmem:s15], [sflag:$0x3], $0x80, s26, s29, $0x2000b8;
	[tilespmem:$0x1D000] =	vst v63  }
0x73: {  	_ =	swait.ge [sflag:s0], $0x4000  }
0x74: {  	[sflag:s0] =	ssyncset.done $0x0  }
0x75: {  	s12 =	simm.s32 $0x100;
	[sflag:s0] =	ssyncadd.s32 $0xFFFFC000  }
0x76: {  	[tilespmem:s15], [sflag:$0x1] =	stream.indirect.gather [hbm4b:s1+s29], $0x80, s12, s29, $0x2000b8;
	[tilespmem:$0x1D000] =	vst v63  }
0x77: {  	_ =	swait.ge [sflag:s7], $0x4000  }
0x78: {  	[sflag:s7] =	ssyncset.done $0x0  }
0x79: {  	s11 =	simm.s32 $0x880;
	[sflag:s7] =	ssyncadd.s32 $0xFFFFC000  }
0x7a: {  	[spmem:s3] =	stream.indirect.scatter.add.f32 [tilespmem:s30], [sflag:$0x4], $0x80, s11, s29, $0x2000b8;
	[tilespmem:$0x1D000] =	vst v63  }
0x7b: {  	_ =	swait.ge [sflag:s8], $0x4000  }
0x7c: {  	[sflag:s8] =	ssyncset.done $0x0  }
0x7d: {  	s12 =	simm.s32 $0x180;
	[sflag:s8] =	ssyncadd.s32 $0xFFFFC000  }
0x7e: {  	[tilespmem:s30], [sflag:$0x2] =	stream.indirect.gather [hbm4b:s1+s29], $0x80, s12, s29, $0x2000b8;
	[tilespmem:$0x1D000] =	vst v63  }
0x7f: {  	_ =	swait.ge [sflag:s31], $0x4000  }
0x80: {  	[sflag:s31] =	ssyncset.done $0x0  }
0x81: {  	s11 =	simm.s32 $0x900;
	[sflag:s31] =	ssyncadd.s32 $0xFFFFC000  }
0x82: {  	[spmem:s3] =	stream.indirect.scatter.add.f32 [tilespmem:s15], [sflag:$0x3], $0x80, s11, s29, $0x2000b8;
	[tilespmem:$0x1D000] =	vst v63  }
0x83: {  	_ =	swait.ge [sflag:s0], $0x4000  }
0x84: {  	[sflag:s0] =	ssyncset.done $0x0  }
0x85: {  	s12 =	simm.s32 $0x200;
	[sflag:s0] =	ssyncadd.s32 $0xFFFFC000  }
0x86: {  	[tilespmem:s15], [sflag:$0x1] =	stream.indirect.gather [hbm4b:s1+s29], $0x80, s12, s29, $0x2000b8;
	[tilespmem:$0x1D000] =	vst v63  }
0x87: {  	_ =	swait.ge [sflag:s7], $0x4000  }
0x88: {  	[sflag:s7] =	ssyncset.done $0x0  }
0x89: {  	s11 =	simm.s32 $0x980;
	[sflag:s7] =	ssyncadd.s32 $0xFFFFC000  }
0x8a: {  	[spmem:s3] =	stream.indirect.scatter.add.f32 [tilespmem:s30], [sflag:$0x4], $0x80, s11, s29, $0x2000b8;
	[tilespmem:$0x1D000] =	vst v63  }
0x8b: {  	_ =	swait.ge [sflag:s8], $0x4000  }
0x8c: {  	[sflag:s8] =	ssyncset.done $0x0  }
0x8d: {  	s12 =	simm.s32 $0x280;
	[sflag:s8] =	ssyncadd.s32 $0xFFFFC000  }
0x8e: {  	[tilespmem:s30], [sflag:$0x2] =	stream.indirect.gather [hbm4b:s1+s29], $0x80, s12, s29, $0x2000b8;
	[tilespmem:$0x1D000] =	vst v63  }
0x8f: {  	_ =	swait.ge [sflag:s31], $0x4000  }
0x90: {  	[sflag:s31] =	ssyncset.done $0x0  }
0x91: {  	s11 =	simm.s32 $0xA00;
	[sflag:s31] =	ssyncadd.s32 $0xFFFFC000  }
0x92: {  	[spmem:s3] =	stream.indirect.scatter.add.f32 [tilespmem:s15], [sflag:$0x3], $0x80, s11, s29, $0x2000b8;
	[tilespmem:$0x1D000] =	vst v63  }
0x93: {  	_ =	swait.ge [sflag:s0], $0x4000  }
0x94: {  	[sflag:s0] =	ssyncset.done $0x0  }
0x95: {  	s12 =	simm.s32 $0x300;
	[sflag:s0] =	ssyncadd.s32 $0xFFFFC000  }
0x96: {  	[tilespmem:s15], [sflag:$0x1] =	stream.indirect.gather [hbm4b:s1+s29], $0x80, s12, s29, $0x2000b8;
	[tilespmem:$0x1D000] =	vst v63  }
0x97: {  	_ =	swait.ge [sflag:s7], $0x4000  }
0x98: {  	[sflag:s7] =	ssyncset.done $0x0  }
0x99: {  	s11 =	simm.s32 $0xA80;
	[sflag:s7] =	ssyncadd.s32 $0xFFFFC000  }
0x9a: {  	[spmem:s3] =	stream.indirect.scatter.add.f32 [tilespmem:s30], [sflag:$0x4], $0x80, s11, s29, $0x2000b8;
	[tilespmem:$0x1D000] =	vst v63  }
0x9b: {  	_ =	swait.ge [sflag:s8], $0x4000  }
0x9c: {  	[sflag:s8] =	ssyncset.done $0x0  }
0x9d: {  	s12 =	simm.s32 $0x380;
	[sflag:s8] =	ssyncadd.s32 $0xFFFFC000  }
0x9e: {  	[tilespmem:s30], [sflag:$0x2] =	stream.indirect.gather [hbm4b:s1+s29], $0x80, s12, s29, $0x2000b8;
	[tilespmem:$0x1D000] =	vst v63  }
0x9f: {  	_ =	swait.ge [sflag:s31], $0x4000  }
0xa0: {  	[sflag:s31] =	ssyncset.done $0x0  }
0xa1: {  	s11 =	simm.s32 $0xB00;
	[sflag:s31] =	ssyncadd.s32 $0xFFFFC000  }
0xa2: {  	[spmem:s3] =	stream.indirect.scatter.add.f32 [tilespmem:s15], [sflag:$0x3], $0x80, s11, s29, $0x2000b8;
	[tilespmem:$0x1D000] =	vst v63  }
0xa3: {  	_ =	swait.ge [sflag:s0], $0x4000  }
0xa4: {  	[sflag:s0] =	ssyncset.done $0x0  }
0xa5: {  	s12 =	simm.s32 $0x400;
	[sflag:s0] =	ssyncadd.s32 $0xFFFFC000  }
0xa6: {  	[tilespmem:s15], [sflag:$0x1] =	stream.indirect.gather [hbm4b:s1+s29], $0x80, s12, s29, $0x2000b8;
	[tilespmem:$0x1D000] =	vst v63  }
0xa7: {  	_ =	swait.ge [sflag:s7], $0x4000  }
0xa8: {  	[sflag:s7] =	ssyncset.done $0x0  }
0xa9: {  	s11 =	simm.s32 $0xB80;
	[sflag:s7] =	ssyncadd.s32 $0xFFFFC000  }
0xaa: {  	[spmem:s3] =	stream.indirect.scatter.add.f32 [tilespmem:s30], [sflag:$0x4], $0x80, s11, s29, $0x2000b8;
	[tilespmem:$0x1D000] =	vst v63  }
0xab: {  	_ =	swait.ge [sflag:s8], $0x4000  }
0xac: {  	[sflag:s8] =	ssyncset.done $0x0  }
0xad: {  	s12 =	simm.s32 $0x480;
	[sflag:s8] =	ssyncadd.s32 $0xFFFFC000  }
0xae: {  	[tilespmem:s30], [sflag:$0x2] =	stream.indirect.gather [hbm4b:s1+s29], $0x80, s12, s29, $0x2000b8;
	[tilespmem:$0x1D000] =	vst v63  }
0xaf: {  	_ =	swait.ge [sflag:s31], $0x4000  }
0xb0: {  	[sflag:s31] =	ssyncset.done $0x0  }
0xb1: {  	s11 =	simm.s32 $0xC00;
	[sflag:s31] =	ssyncadd.s32 $0xFFFFC000  }
0xb2: {  	[spmem:s3] =	stream.indirect.scatter.add.f32 [tilespmem:s15], [sflag:$0x3], $0x80, s11, s29, $0x2000b8;
	[tilespmem:$0x1D000] =	vst v63  }
0xb3: {  	_ =	swait.ge [sflag:s0], $0x4000  }
0xb4: {  	[sflag:s0] =	ssyncset.done $0x0  }
0xb5: {  	s12 =	simm.s32 $0x500;
	[sflag:s0] =	ssyncadd.s32 $0xFFFFC000  }
0xb6: {  	[tilespmem:s15], [sflag:$0x1] =	stream.indirect.gather [hbm4b:s1+s29], $0x80, s12, s29, $0x2000b8;
	[tilespmem:$0x1D000] =	vst v63  }
0xb7: {  	_ =	swait.ge [sflag:s7], $0x4000  }
0xb8: {  	[sflag:s7] =	ssyncset.done $0x0  }
0xb9: {  	s11 =	simm.s32 $0xC80;
	[sflag:s7] =	ssyncadd.s32 $0xFFFFC000  }
0xba: {  	[spmem:s3] =	stream.indirect.scatter.add.f32 [tilespmem:s30], [sflag:$0x4], $0x80, s11, s29, $0x2000b8;
	[tilespmem:$0x1D000] =	vst v63  }
0xbb: {  	_ =	swait.ge [sflag:s8], $0x4000  }
0xbc: {  	[sflag:s8] =	ssyncset.done $0x0  }
0xbd: {  	s12 =	simm.s32 $0x580;
	[sflag:s8] =	ssyncadd.s32 $0xFFFFC000  }
0xbe: {  	[tilespmem:s30], [sflag:$0x2] =	stream.indirect.gather [hbm4b:s1+s29], $0x80, s12, s29, $0x2000b8;
	[tilespmem:$0x1D000] =	vst v63  }
0xbf: {  	_ =	swait.ge [sflag:s31], $0x4000  }
0xc0: {  	[sflag:s31] =	ssyncset.done $0x0  }
0xc1: {  	s11 =	simm.s32 $0xD00;
	[sflag:s31] =	ssyncadd.s32 $0xFFFFC000  }
0xc2: {  	[spmem:s3] =	stream.indirect.scatter.add.f32 [tilespmem:s15], [sflag:$0x3], $0x80, s11, s29, $0x2000b8;
	[tilespmem:$0x1D000] =	vst v63  }
0xc3: {  	_ =	swait.ge [sflag:s0], $0x4000  }
0xc4: {  	[sflag:s0] =	ssyncset.done $0x0  }
0xc5: {  	s12 =	simm.s32 $0x600;
	[sflag:s0] =	ssyncadd.s32 $0xFFFFC000  }
0xc6: {  	[tilespmem:s15], [sflag:$0x1] =	stream.indirect.gather [hbm4b:s1+s29], $0x80, s12, s29, $0x2000b8;
	[tilespmem:$0x1D000] =	vst v63  }
0xc7: {  	_ =	swait.ge [sflag:s7], $0x4000  }
0xc8: {  	[sflag:s7] =	ssyncset.done $0x0  }
0xc9: {  	s11 =	simm.s32 $0xD80;
	[sflag:s7] =	ssyncadd.s32 $0xFFFFC000  }
0xca: {  	[spmem:s3] =	stream.indirect.scatter.add.f32 [tilespmem:s30], [sflag:$0x4], $0x80, s11, s29, $0x2000b8;
	[tilespmem:$0x1D000] =	vst v63  }
0xcb: {  	_ =	swait.ge [sflag:s8], $0x4000  }
0xcc: {  	[sflag:s8] =	ssyncset.done $0x0  }
0xcd: {  	s12 =	simm.s32 $0x680;
	[sflag:s8] =	ssyncadd.s32 $0xFFFFC000  }
0xce: {  	[tilespmem:s30], [sflag:$0x2] =	stream.indirect.gather [hbm4b:s1+s29], $0x80, s12, s29, $0x2000b8;
	[tilespmem:$0x1D000] =	vst v63  }
0xcf: {  	_ =	swait.ge [sflag:s31], $0x4000  }
0xd0: {  	[sflag:s31] =	ssyncset.done $0x0  }
0xd1: {  	s11 =	simm.s32 $0xE00;
	[sflag:s31] =	ssyncadd.s32 $0xFFFFC000  }
0xd2: {  	[spmem:s3] =	stream.indirect.scatter.add.f32 [tilespmem:s15], [sflag:$0x3], $0x80, s11, s29, $0x2000b8;
	[tilespmem:$0x1D000] =	vst v63  }
0xd3: {  	_ =	swait.ge [sflag:s0], $0x4000  }
0xd4: {  	[sflag:s0] =	ssyncset.done $0x0  }
0xd5: {  	s12 =	simm.s32 $0x700;
	[sflag:s0] =	ssyncadd.s32 $0xFFFFC000  }
0xd6: {  	[tilespmem:s15], [sflag:$0x1] =	stream.indirect.gather [hbm4b:s1+s29], $0x80, s12, s29, $0x2000b8;
	[tilespmem:$0x1D000] =	vst v63  }
0xd7: {  	_ =	swait.ge [sflag:s7], $0x4000  }
0xd8: {  	[sflag:s7] =	ssyncset.done $0x0  }
0xd9: {  	s11 =	simm.s32 $0xE80;
	[sflag:s7] =	ssyncadd.s32 $0xFFFFC000  }
0xda: {  	[spmem:s3] =	stream.indirect.scatter.add.f32 [tilespmem:s30], [sflag:$0x4], $0x80, s11, s29, $0x2000b8;
	[tilespmem:$0x1D000] =	vst v63  }
0xdb: {  	_ =	swait.ge [sflag:s8], $0x4000  }
0xdc: {  	[sflag:s8] =	ssyncset.done $0x0  }
0xdd: {  	[sflag:s8] =	ssyncadd.s32 $0xFFFFC000  }
0xde: {  	[tilespmem:s30], [sflag:$0x2] =	stream.indirect.gather [hbm4b:s1+s29], $0x80, s13, s29, $0x2000b8;
	[tilespmem:$0x1D000] =	vst v63  }
0xdf: {  	_ =	swait.ge [sflag:s31], $0x4000  }
0xe0: {  	[sflag:s31] =	ssyncset.done $0x0  }
0xe1: {  	[sflag:s31] =	ssyncadd.s32 $0xFFFFC000  }
0xe2: {  	[spmem:s3] =	stream.indirect.scatter.add.f32 [tilespmem:s15], [sflag:$0x3], $0x80, s14, s29, $0x2000b8;
	[tilespmem:$0x1D000] =	vst v63  }
0xe3: {  	_ =	swait.ge [sflag:s0], $0x4000  }
0xe4: {  	[sflag:s0] =	ssyncset.done $0x0  }
0xe5: {  	[sflag:s0] =	ssyncadd.s32 $0xFFFFC000  }
0xe6: {  	s9 =	sadd.s32 $0x1, s9;
	_ =	swait.ge [sflag:s7], $0x4000  }
0xe7: {  	p0 =	sne.s32 s9, $0x5;
	[sflag:s7] =	ssyncset.done $0x0  }
.Ltmp2:
0xe8: {  	s12 =	simm.s32 $0xF80;
	[sflag:s7] =	ssyncadd.s32 $0xFFFFC000;
	(pc) =	sbr.rel @p0 .LBB2_4-.Ltmp2, $4  }
0xe9: {  	[spmem:s3] =	stream.indirect.scatter.add.f32 [tilespmem:s30], [sflag:$0x4], $0x80, s12, s29, $0x2000b8;
	[tilespmem:$0x1D000] =	vst v63  }
0xea: {  	_ =	swait.ge [sflag:s8], $0x4000  }
0xeb: {  	[sflag:s8] =	ssyncset.done $0x0  }
0xec: {  	[sflag:s8] =	ssyncadd.s32 $0xFFFFC000  }
0xed: {  	[bflag:$0x0] =	sbarrier.arrive $0xFFFF  }
0xee: {  	_ =	strace $0x90000049  }
0xef: {  	_ =	strace $0x8000004A  }
0xf0: {  	s9 =	stileid.u32;
	s11 =	rddreg [dreg:$0xe]  }
0xf1: {  	s9 =	sshll.u32 s9, $0x6;
	s12 =	rddreg [dreg:$0x4];
	s10 =	sshrl.u32 s11, $0x3  }
0xf2: {  	s23 =	sor.u32 $0x1C05, s9;
	[dreg:$0x15] =	wrdreg s10  }
0xf3: {  	[hbm:s12], [sflag:s23] =	dma.local [spmem:s10], $0x800  }
0xf4: {  	_ =	swait.ge [sflag:s16], $0x800  }
0xf5: {  	s10 =	rddreg [dreg:$0x10]  }
0xf6: {  	[sflag:s16] =	ssyncset.done $0x0;
	s12 =	rddreg [dreg:$0x5];
	s11 =	sshrl.u32 s10, $0x3  }
0xf7: {  	[sflag:s16] =	ssyncadd.s32 $0xFFFFF800;
	[dreg:$0x16] =	wrdreg s11  }
0xf8: {  	[hbm:s12], [sflag:s23] =	dma.local [spmem:s11], $0x800  }
0xf9: {  	_ =	swait.ge [sflag:s16], $0x800  }
0xfa: {  	s10 =	rddreg [dreg:$0x11]  }
0xfb: {  	[sflag:s16] =	ssyncset.done $0x0;
	s12 =	rddreg [dreg:$0x6];
	s11 =	sshrl.u32 s10, $0x3  }
0xfc: {  	[sflag:s16] =	ssyncadd.s32 $0xFFFFF800;
	[dreg:$0x17] =	wrdreg s11  }
0xfd: {  	[hbm:s12], [sflag:s23] =	dma.local [spmem:s11], $0x800  }
0xfe: {  	_ =	swait.ge [sflag:s16], $0x800  }
0xff: {  	s10 =	rddreg [dreg:$0x12]  }
0x100: {  	[sflag:s16] =	ssyncset.done $0x0;
	s12 =	rddreg [dreg:$0x7];
	s11 =	sshrl.u32 s10, $0x3  }
0x101: {  	[sflag:s16] =	ssyncadd.s32 $0xFFFFF800;
	[dreg:$0x18] =	wrdreg s11  }
0x102: {  	[hbm:s12], [sflag:s23] =	dma.local [spmem:s11], $0x800  }
0x103: {  	_ =	swait.ge [sflag:s16], $0x800  }
0x104: {  	s10 =	rddreg [dreg:$0x13]  }
0x105: {  	[sflag:s16] =	ssyncset.done $0x0;
	s12 =	rddreg [dreg:$0x8];
	s11 =	sshrl.u32 s10, $0x3  }
0x106: {  	[sflag:s16] =	ssyncadd.s32 $0xFFFFF800;
	[dreg:$0x19] =	wrdreg s11  }
0x107: {  	[hbm:s12], [sflag:s23] =	dma.local [spmem:s11], $0x800  }
0x108: {  	_ =	swait.ge [sflag:s16], $0x800  }
0x109: {  	[sflag:s16] =	ssyncset.done $0x0  }
0x10a: {  	[sflag:s16] =	ssyncadd.s32 $0xFFFFF800  }
0x10b: {  	_ =	strace $0x9000004A  }
0x10c: {  	s9 =	simm.s32 $0x0;
	s10 =	simm.s32 $0x200;
	_ =	strace $0x8000004B  }
.LBB2_8:
0x10d: {  	p0 =	sne.s32 s10, $0xFE00;
	[tilespmem:s9+$0x1070] =	vst v1  }
0x10e: {  	[tilespmem:s9+$0x1000] =	vst v1  }
0x10f: {  	[tilespmem:s9+$0x1010] =	vst v1  }
.Ltmp3:
0x110: {  	[tilespmem:s9+$0x1020] =	vst v1;
	(pc) =	sbr.rel @p0 .LBB2_8-.Ltmp3, $4  }
0x111: {  	[tilespmem:s9+$0x1030] =	vst v1  }
0x112: {  	[tilespmem:s9+$0x1040] =	vst v1  }
0x113: {  	[tilespmem:s9+$0x1050] =	vst v1  }
0x114: {  	[tilespmem:s9+$0x1060] =	vst v1;
	s9 =	sshra.s32 s10, $0x2;
	s10 =	sadd.s32 $0x200, s10  }
0x115: {  	[tilespmem:s9+$0x1070] =	vst v1  }
0x116: {  	[tilespmem:s9+$0x1000] =	vst v1  }
0x117: {  	[tilespmem:s9+$0x1010] =	vst v1  }
0x118: {  	[tilespmem:s9+$0x1020] =	vst v1  }
0x119: {  	[tilespmem:s9+$0x1030] =	vst v1  }
0x11a: {  	[tilespmem:s9+$0x1040] =	vst v1  }
0x11b: {  	[tilespmem:s9+$0x1050] =	vst v1  }
0x11c: {  	[tilespmem:s9+$0x1060] =	vst v1;
	s11 =	rddreg [dreg:$0xe]  }
0x11d: {  	[spmem:s11] =	stream.linear.scatter [tilespmem:s15], [sflag:$0x5], $0x4000, $0x200038;
	[tilespmem:$0x1D000] =	vst v63  }
0x11e: {  	_ =	swait.ge [sflag:s16], $0x4000  }
0x11f: {  	[sflag:s16] =	ssyncset.done $0x0  }
0x120: {  	s12 =	rddreg [dreg:$0x10];
	[sflag:s16] =	ssyncadd.s32 $0xFFFFC000  }
0x121: {  	[spmem:s12] =	stream.linear.scatter [tilespmem:s15], [sflag:$0x5], $0x4000, $0x200038;
	[tilespmem:$0x1D000] =	vst v63  }
0x122: {  	_ =	swait.ge [sflag:s16], $0x4000  }
0x123: {  	[sflag:s16] =	ssyncset.done $0x0  }
0x124: {  	s10 =	rddreg [dreg:$0x11];
	[sflag:s16] =	ssyncadd.s32 $0xFFFFC000  }
0x125: {  	[spmem:s10] =	stream.linear.scatter [tilespmem:s15], [sflag:$0x5], $0x4000, $0x200038;
	[tilespmem:$0x1D000] =	vst v63  }
0x126: {  	_ =	swait.ge [sflag:s16], $0x4000  }
0x127: {  	[sflag:s16] =	ssyncset.done $0x0  }
0x128: {  	s11 =	rddreg [dreg:$0x12];
	[sflag:s16] =	ssyncadd.s32 $0xFFFFC000  }
0x129: {  	[spmem:s11] =	stream.linear.scatter [tilespmem:s15], [sflag:$0x5], $0x4000, $0x200038;
	[tilespmem:$0x1D000] =	vst v63  }
0x12a: {  	_ =	swait.ge [sflag:s16], $0x4000  }
0x12b: {  	[sflag:s16] =	ssyncset.done $0x0  }
0x12c: {  	s12 =	rddreg [dreg:$0x13];
	[sflag:s16] =	ssyncadd.s32 $0xFFFFC000  }
0x12d: {  	[spmem:s12] =	stream.linear.scatter [tilespmem:s15], [sflag:$0x5], $0x4000, $0x200038;
	[tilespmem:$0x1D000] =	vst v63  }
0x12e: {  	_ =	swait.ge [sflag:s16], $0x4000  }
0x12f: {  	[sflag:s16] =	ssyncset.done $0x0  }
0x130: {  	s9 =	simm.s32 $0x0;
	s10 =	simm.s32 $0x200;
	[sflag:s16] =	ssyncadd.s32 $0xFFFFC000  }
.LBB2_10:
0x131: {  	p0 =	sne.s32 s10, $0xFE00;
	[tilespmem:s9+$0x1070] =	vst v2  }
0x132: {  	[tilespmem:s9+$0x1000] =	vst v2  }
0x133: {  	[tilespmem:s9+$0x1010] =	vst v2  }
.Ltmp4:
0x134: {  	[tilespmem:s9+$0x1020] =	vst v2;
	(pc) =	sbr.rel @p0 .LBB2_10-.Ltmp4, $4  }
0x135: {  	[tilespmem:s9+$0x1030] =	vst v2  }
0x136: {  	[tilespmem:s9+$0x1040] =	vst v2  }
0x137: {  	[tilespmem:s9+$0x1050] =	vst v2  }
0x138: {  	[tilespmem:s9+$0x1060] =	vst v2;
	s9 =	sshra.s32 s10, $0x2;
	s10 =	sadd.s32 $0x200, s10  }
0x139: {  	[tilespmem:s9+$0x1070] =	vst v2  }
0x13a: {  	[tilespmem:s9+$0x1000] =	vst v2  }
0x13b: {  	[tilespmem:s9+$0x1010] =	vst v2  }
0x13c: {  	[tilespmem:s9+$0x1020] =	vst v2  }
0x13d: {  	[tilespmem:s9+$0x1030] =	vst v2  }
0x13e: {  	[tilespmem:s9+$0x1040] =	vst v2  }
0x13f: {  	[tilespmem:s9+$0x1050] =	vst v2  }
0x140: {  	[tilespmem:s9+$0x1060] =	vst v2  }
0x141: {  	[bflag:$0x0] =	sbarrier.arrive $0xFFFF  }
0x142: {  	_ =	strace $0x9000004B  }
0x143: {  	s12 =	sadd.s32 $0x0, s28;
	_ =	strace $0x8000004C  }
0x144: {  	[tilespmem:s26], [sflag:$0x5] =	stream.linear.gather [hbm4b:s12+s4], $0x800, $0x200038;
	[tilespmem:$0x1D000] =	vst v63  }
0x145: {  	_ =	swait.ge [sflag:s16], $0x800  }
0x146: {  	[sflag:s16] =	ssyncset.done $0x0  }
0x147: {  	[sflag:s16] =	ssyncadd.s32 $0xFFFFF800  }
0x148: {  	[spmem:s3] =	stream.indirect.scatter.add.f32 [tilespmem:s15], [sflag:$0x3], $0x80, s17, s29, $0x2000b8;
	[tilespmem:$0x1D000] =	vst v63  }
0x149: {  	_ = 	snop  }
0x14a: {  	[spmem:s3] =	stream.indirect.scatter.add.f32 [tilespmem:s15], [sflag:$0x3], $0x80, s18, s29, $0x2000b8;
	[tilespmem:$0x1D000] =	vst v63  }
0x14b: {  	_ = 	snop  }
0x14c: {  	[spmem:s3] =	stream.indirect.scatter.add.f32 [tilespmem:s15], [sflag:$0x3], $0x80, s19, s29, $0x2000b8;
	[tilespmem:$0x1D000] =	vst v63  }
0x14d: {  	_ = 	snop  }
0x14e: {  	[spmem:s3] =	stream.indirect.scatter.add.f32 [tilespmem:s15], [sflag:$0x3], $0x80, s20, s29, $0x2000b8;
	[tilespmem:$0x1D000] =	vst v63  }
0x14f: {  	_ = 	snop  }
0x150: {  	[spmem:s3] =	stream.indirect.scatter.add.f32 [tilespmem:s15], [sflag:$0x3], $0x80, s21, s29, $0x2000b8;
	[tilespmem:$0x1D000] =	vst v63  }
0x151: {  	_ = 	snop  }
0x152: {  	[spmem:s3] =	stream.indirect.scatter.add.f32 [tilespmem:s15], [sflag:$0x3], $0x80, s22, s29, $0x2000b8;
	[tilespmem:$0x1D000] =	vst v63  }
0x153: {  	_ = 	snop  }
0x154: {  	[spmem:s3] =	stream.indirect.scatter.add.f32 [tilespmem:s15], [sflag:$0x3], $0x80, s24, s29, $0x2000b8;
	[tilespmem:$0x1D000] =	vst v63  }
0x155: {  	_ = 	snop  }
0x156: {  	[spmem:s3] =	stream.indirect.scatter.add.f32 [tilespmem:s15], [sflag:$0x3], $0x80, s25, s29, $0x2000b8;
	[tilespmem:$0x1D000] =	vst v63  }
0x157: {  	_ =	swait.ge [sflag:s0], $0x4000  }
0x158: {  	[sflag:s0] =	ssyncset.done $0x0  }
0x159: {  	[sflag:s0] =	ssyncadd.s32 $0xFFFFC000  }
0x15a: {  	_ =	swait.ge [sflag:s0], $0x4000  }
0x15b: {  	[sflag:s0] =	ssyncset.done $0x0  }
0x15c: {  	[sflag:s0] =	ssyncadd.s32 $0xFFFFC000  }
0x15d: {  	_ =	swait.ge [sflag:s0], $0x4000  }
0x15e: {  	[sflag:s0] =	ssyncset.done $0x0  }
0x15f: {  	[sflag:s0] =	ssyncadd.s32 $0xFFFFC000  }
0x160: {  	_ =	swait.ge [sflag:s0], $0x4000  }
0x161: {  	[sflag:s0] =	ssyncset.done $0x0  }
0x162: {  	[sflag:s0] =	ssyncadd.s32 $0xFFFFC000  }
0x163: {  	_ =	swait.ge [sflag:s0], $0x4000  }
0x164: {  	[sflag:s0] =	ssyncset.done $0x0  }
0x165: {  	[sflag:s0] =	ssyncadd.s32 $0xFFFFC000  }
0x166: {  	_ =	swait.ge [sflag:s0], $0x4000  }
0x167: {  	[sflag:s0] =	ssyncset.done $0x0  }
0x168: {  	[sflag:s0] =	ssyncadd.s32 $0xFFFFC000  }
0x169: {  	_ =	swait.ge [sflag:s0], $0x4000  }
0x16a: {  	[sflag:s0] =	ssyncset.done $0x0  }
0x16b: {  	[sflag:s0] =	ssyncadd.s32 $0xFFFFC000  }
0x16c: {  	_ =	swait.ge [sflag:s0], $0x4000  }
0x16d: {  	s9 =	simm.s32 $0x100;
	s11 =	simm.s32 $0x200;
	[sflag:s0] =	ssyncset.done $0x0  }
.LBB2_12:
0x16e: {  	s12 =	sadd.s32 s9, s28  }
0x16f: {  	[sflag:s0] =	ssyncadd.s32 $0xFFFFC000;
	s9 =	smov.u32 s11;
	s10 =	sadd.s32 $0x100, s11  }
0x170: {  	[tilespmem:s26], [sflag:$0x5] =	stream.linear.gather [hbm4b:s12+s4], $0x800, $0x200038;
	[tilespmem:$0x1D000] =	vst v63  }
0x171: {  	p0 =	sne.s32 s11, $0x400;
	_ =	swait.ge [sflag:s16], $0x800  }
0x172: {  	[sflag:s16] =	ssyncset.done $0x0  }
0x173: {  	[sflag:s16] =	ssyncadd.s32 $0xFFFFF800  }
0x174: {  	[spmem:s3] =	stream.indirect.scatter.add.f32 [tilespmem:s15], [sflag:$0x3], $0x80, s17, s29, $0x2000b8;
	[tilespmem:$0x1D000] =	vst v63  }
0x175: {  	_ = 	snop  }
0x176: {  	[spmem:s3] =	stream.indirect.scatter.add.f32 [tilespmem:s15], [sflag:$0x3], $0x80, s18, s29, $0x2000b8;
	[tilespmem:$0x1D000] =	vst v63  }
0x177: {  	_ = 	snop  }
0x178: {  	[spmem:s3] =	stream.indirect.scatter.add.f32 [tilespmem:s15], [sflag:$0x3], $0x80, s19, s29, $0x2000b8;
	[tilespmem:$0x1D000] =	vst v63  }
0x179: {  	_ = 	snop  }
0x17a: {  	[spmem:s3] =	stream.indirect.scatter.add.f32 [tilespmem:s15], [sflag:$0x3], $0x80, s20, s29, $0x2000b8;
	[tilespmem:$0x1D000] =	vst v63  }
0x17b: {  	_ = 	snop  }
0x17c: {  	[spmem:s3] =	stream.indirect.scatter.add.f32 [tilespmem:s15], [sflag:$0x3], $0x80, s21, s29, $0x2000b8;
	[tilespmem:$0x1D000] =	vst v63  }
0x17d: {  	_ = 	snop  }
0x17e: {  	[spmem:s3] =	stream.indirect.scatter.add.f32 [tilespmem:s15], [sflag:$0x3], $0x80, s22, s29, $0x2000b8;
	[tilespmem:$0x1D000] =	vst v63  }
0x17f: {  	_ = 	snop  }
0x180: {  	[spmem:s3] =	stream.indirect.scatter.add.f32 [tilespmem:s15], [sflag:$0x3], $0x80, s24, s29, $0x2000b8;
	[tilespmem:$0x1D000] =	vst v63  }
0x181: {  	_ = 	snop  }
0x182: {  	[spmem:s3] =	stream.indirect.scatter.add.f32 [tilespmem:s15], [sflag:$0x3], $0x80, s25, s29, $0x2000b8;
	[tilespmem:$0x1D000] =	vst v63  }
0x183: {  	_ =	swait.ge [sflag:s0], $0x4000  }
0x184: {  	[sflag:s0] =	ssyncset.done $0x0  }
0x185: {  	[sflag:s0] =	ssyncadd.s32 $0xFFFFC000  }
0x186: {  	_ =	swait.ge [sflag:s0], $0x4000  }
0x187: {  	[sflag:s0] =	ssyncset.done $0x0  }
0x188: {  	[sflag:s0] =	ssyncadd.s32 $0xFFFFC000  }
0x189: {  	_ =	swait.ge [sflag:s0], $0x4000  }
0x18a: {  	[sflag:s0] =	ssyncset.done $0x0  }
0x18b: {  	[sflag:s0] =	ssyncadd.s32 $0xFFFFC000  }
0x18c: {  	_ =	swait.ge [sflag:s0], $0x4000  }
0x18d: {  	[sflag:s0] =	ssyncset.done $0x0  }
0x18e: {  	[sflag:s0] =	ssyncadd.s32 $0xFFFFC000  }
0x18f: {  	_ =	swait.ge [sflag:s0], $0x4000  }
0x190: {  	[sflag:s0] =	ssyncset.done $0x0  }
0x191: {  	[sflag:s0] =	ssyncadd.s32 $0xFFFFC000  }
0x192: {  	_ =	swait.ge [sflag:s0], $0x4000  }
0x193: {  	[sflag:s0] =	ssyncset.done $0x0  }
0x194: {  	[sflag:s0] =	ssyncadd.s32 $0xFFFFC000  }
.Ltmp5:
0x195: {  	_ =	swait.ge [sflag:s0], $0x4000;
	(pc) =	sbr.rel @p0 .LBB2_12-.Ltmp5, $4  }
0x196: {  	[sflag:s0] =	ssyncset.done $0x0  }
0x197: {  	[sflag:s0] =	ssyncadd.s32 $0xFFFFC000  }
0x198: {  	_ =	swait.ge [sflag:s0], $0x4000  }
0x199: {  	s11 =	smov.u32 s10;
	[sflag:s0] =	ssyncset.done $0x0  }
0x19a: {  	s9 =	sadd.s32 s9, s28;
	[sflag:s0] =	ssyncadd.s32 $0xFFFFC000  }
0x19b: {  	[tilespmem:s26], [sflag:$0x5] =	stream.linear.gather [hbm4b:s9+s4], $0x800, $0x200038;
	[tilespmem:$0x1D000] =	vst v63  }
0x19c: {  	_ =	swait.ge [sflag:s16], $0x800  }
0x19d: {  	[sflag:s16] =	ssyncset.done $0x0  }
0x19e: {  	[sflag:s16] =	ssyncadd.s32 $0xFFFFF800  }
0x19f: {  	[spmem:s3] =	stream.indirect.scatter.add.f32 [tilespmem:s15], [sflag:$0x3], $0x80, s17, s29, $0x2000b8;
	[tilespmem:$0x1D000] =	vst v63  }
0x1a0: {  	_ = 	snop  }
0x1a1: {  	[spmem:s3] =	stream.indirect.scatter.add.f32 [tilespmem:s15], [sflag:$0x3], $0x80, s18, s29, $0x2000b8;
	[tilespmem:$0x1D000] =	vst v63  }
0x1a2: {  	_ = 	snop  }
0x1a3: {  	[spmem:s3] =	stream.indirect.scatter.add.f32 [tilespmem:s15], [sflag:$0x3], $0x80, s19, s29, $0x2000b8;
	[tilespmem:$0x1D000] =	vst v63  }
0x1a4: {  	_ = 	snop  }
0x1a5: {  	[spmem:s3] =	stream.indirect.scatter.add.f32 [tilespmem:s15], [sflag:$0x3], $0x80, s20, s29, $0x2000b8;
	[tilespmem:$0x1D000] =	vst v63  }
0x1a6: {  	_ = 	snop  }
0x1a7: {  	[spmem:s3] =	stream.indirect.scatter.add.f32 [tilespmem:s15], [sflag:$0x3], $0x80, s21, s29, $0x2000b8;
	[tilespmem:$0x1D000] =	vst v63  }
0x1a8: {  	_ = 	snop  }
0x1a9: {  	[spmem:s3] =	stream.indirect.scatter.add.f32 [tilespmem:s15], [sflag:$0x3], $0x80, s22, s29, $0x2000b8;
	[tilespmem:$0x1D000] =	vst v63  }
0x1aa: {  	_ = 	snop  }
0x1ab: {  	[spmem:s3] =	stream.indirect.scatter.add.f32 [tilespmem:s15], [sflag:$0x3], $0x80, s24, s29, $0x2000b8;
	[tilespmem:$0x1D000] =	vst v63  }
0x1ac: {  	_ = 	snop  }
0x1ad: {  	[spmem:s3] =	stream.indirect.scatter.add.f32 [tilespmem:s15], [sflag:$0x3], $0x80, s25, s29, $0x2000b8;
	[tilespmem:$0x1D000] =	vst v63  }
0x1ae: {  	_ =	swait.ge [sflag:s0], $0x4000  }
0x1af: {  	[sflag:s0] =	ssyncset.done $0x0  }
0x1b0: {  	[sflag:s0] =	ssyncadd.s32 $0xFFFFC000  }
0x1b1: {  	_ =	swait.ge [sflag:s0], $0x4000  }
0x1b2: {  	[sflag:s0] =	ssyncset.done $0x0  }
0x1b3: {  	[sflag:s0] =	ssyncadd.s32 $0xFFFFC000  }
0x1b4: {  	_ =	swait.ge [sflag:s0], $0x4000  }
0x1b5: {  	[sflag:s0] =	ssyncset.done $0x0  }
0x1b6: {  	[sflag:s0] =	ssyncadd.s32 $0xFFFFC000  }
0x1b7: {  	_ =	swait.ge [sflag:s0], $0x4000  }
0x1b8: {  	[sflag:s0] =	ssyncset.done $0x0  }
0x1b9: {  	[sflag:s0] =	ssyncadd.s32 $0xFFFFC000  }
0x1ba: {  	_ =	swait.ge [sflag:s0], $0x4000  }
0x1bb: {  	[sflag:s0] =	ssyncset.done $0x0  }
0x1bc: {  	[sflag:s0] =	ssyncadd.s32 $0xFFFFC000  }
0x1bd: {  	_ =	swait.ge [sflag:s0], $0x4000  }
0x1be: {  	[sflag:s0] =	ssyncset.done $0x0  }
0x1bf: {  	[sflag:s0] =	ssyncadd.s32 $0xFFFFC000  }
0x1c0: {  	_ =	swait.ge [sflag:s0], $0x4000  }
0x1c1: {  	[sflag:s0] =	ssyncset.done $0x0  }
0x1c2: {  	[sflag:s0] =	ssyncadd.s32 $0xFFFFC000  }
0x1c3: {  	_ =	swait.ge [sflag:s0], $0x4000  }
0x1c4: {  	[sflag:s0] =	ssyncset.done $0x0  }
0x1c5: {  	[sflag:s0] =	ssyncadd.s32 $0xFFFFC000  }
0x1c6: {  	[bflag:$0x0] =	sbarrier.arrive $0xFFFF  }
0x1c7: {  	_ =	strace $0x9000004C  }
0x1c8: {  	_ =	strace $0x8000004D  }
0x1c9: {  	s12 =	rddreg [dreg:$0x9]  }
0x1ca: {  	s10 =	rddreg [dreg:$0x15]  }
0x1cb: {  	[hbm:s12], [sflag:s23] =	dma.local [spmem:s10], $0x800  }
0x1cc: {  	_ =	swait.ge [sflag:s16], $0x800  }
0x1cd: {  	[sflag:s16] =	ssyncset.done $0x0;
	s11 =	rddreg [dreg:$0xa]  }
0x1ce: {  	s12 =	rddreg [dreg:$0x16];
	[sflag:s16] =	ssyncadd.s32 $0xFFFFF800  }
0x1cf: {  	[hbm:s11], [sflag:s23] =	dma.local [spmem:s12], $0x800  }
0x1d0: {  	_ =	swait.ge [sflag:s16], $0x800  }
0x1d1: {  	[sflag:s16] =	ssyncset.done $0x0;
	s11 =	rddreg [dreg:$0xb]  }
0x1d2: {  	s12 =	rddreg [dreg:$0x17];
	[sflag:s16] =	ssyncadd.s32 $0xFFFFF800  }
0x1d3: {  	[hbm:s11], [sflag:s23] =	dma.local [spmem:s12], $0x800  }
0x1d4: {  	_ =	swait.ge [sflag:s16], $0x800  }
0x1d5: {  	[sflag:s16] =	ssyncset.done $0x0;
	s11 =	rddreg [dreg:$0xc]  }
0x1d6: {  	s12 =	rddreg [dreg:$0x18];
	[sflag:s16] =	ssyncadd.s32 $0xFFFFF800  }
0x1d7: {  	[hbm:s11], [sflag:s23] =	dma.local [spmem:s12], $0x800  }
0x1d8: {  	_ =	swait.ge [sflag:s16], $0x800  }
0x1d9: {  	[sflag:s16] =	ssyncset.done $0x0;
	s10 =	rddreg [dreg:$0xd]  }
0x1da: {  	s11 =	rddreg [dreg:$0x19];
	[sflag:s16] =	ssyncadd.s32 $0xFFFFF800  }
0x1db: {  	[hbm:s10], [sflag:s23] =	dma.local [spmem:s11], $0x800  }
0x1dc: {  	_ =	swait.ge [sflag:s16], $0x800  }
0x1dd: {  	s12 =	rddreg [dreg:$0x14]  }
0x1de: {  	s23 =	rddreg [dreg:$0xf];
	s10 =	sadd.s32 $0x1, s12  }
0x1df: {  	p0 =	sne.s32 s10, s23  }
.Ltmp6:
0x1e0: {  	_ = 	snop;
	(pc) =	sbr.rel @p0 .LBB2_1-.Ltmp6, $4  }
0x1e1: {  	_ = 	snop  }
0x1e2: {  	[sflag:s16] =	ssyncset.done $0x0  }
0x1e3: {  	[sflag:s16] =	ssyncadd.s32 $0xFFFFF800  }
0x1e4: {  	_ =	strace $0x9000004D  }
0x1e5: {  	_ =	sfence.sel $0x180000  }
0x1e6: {  	[bflag:$0x0] =	sbarrier.arrive $0xFFFF  }
0x1e7: {  	_ =	strace $0x90000047  }
0x1e8: {  	s0 =	stileid.u32;
	[bflag:$0x2] =	sbarrier.arrive $0xFFFF  }
0x1e9: {  	p0 =	sne.s32 s0, $0x0;
	s0 =	rddreg [dreg:$0x3]  }
0x1ea: {  	s0 =	sadd.s32 @!p0 $0x100000, s0  }
0x1eb: {  	[sflag:s0] =	ssyncadd.tile.s32 @!p0 $0x1;
	_ =	shalt  }
.Lfunc_end2:
_tile_overlayer_lowered:
.L_overlay_start_2:
0x1ec: {  	(tag) =	ssettag $0x2  }
0x1ed: {  	s0 =	rddreg [dreg:$0x0];
	s2 =	stileid.u32  }
0x1ee: {  	s1 =	rddreg [dreg:$0x1];
	p0 =	sne.s32 s2, $0x0  }
0x1ef: {  	s3 =	rddreg [dreg:$0x2];
	[bflag:$0x3] =	sbarrier.arrive $0xFFFF;
	s2 =	simm.s32 @!p0 $0x1C05  }
0x1f0: {  	[timem:s3], [sflag:s2] =	dma.local @!p0 [hbm:s0], s1  }
0x1f1: {  	s0 =	simm.s32 @!p0 $0x5  }
0x1f2: {  	_ =	swait.ge @!p0 [sflag:s0], s1  }
0x1f3: {  	s1 =	ssub.s32 @!p0 $0x0, s1;
	[sflag:s0] =	ssyncset.done @!p0 $0x0  }
0x1f4: {  	[sflag:s0] =	ssyncadd.s32 @!p0 s1  }
0x1f5: {  	[bflag:$0x3] =	sbarrier.arrive $0xFFFF  }
0x1f6: {  	_ =	shalt  }

</sc_bundles>
